<compile_context>
chip_gen: v7x
topology: tpu7x:2x2x1
jax: 0.10.2.dev20260603
libtpu: 0.0.44.dev20260713+nightly
codegen_flags: <defaults>
</compile_context>

<pallas_src>
import functools

import jax
import jax.numpy as jnp
from jax import lax
from jax.experimental import pallas as pl
from jax.experimental.pallas import tpu as pltpu
from jax.experimental.pallas import tpu_sc as plsc

B, C, H, W = 16, 64, 128, 128
HW = H * W
N = 8192
NC, NS, L = 2, 16, 16
NW = NC * NS
NPW = N // NW
EPW = NPW * C
CHUNK = 128
NCHUNK = EPW // CHUNK
NGRP = 8


def _make_sc_call():
    mesh = plsc.VectorSubcoreMesh(core_axis_name="c", subcore_axis_name="s")

    @functools.partial(
        pl.kernel,
        mesh=mesh,
        out_type=jax.ShapeDtypeStruct((NW, C), jnp.float32),
        scratch_types=[
            pltpu.VMEM((NPW,), jnp.int32),
            pltpu.VMEM((NPW,), jnp.int32),
            pltpu.VMEM((NPW,), jnp.int32),
            pltpu.VMEM((EPW,), jnp.int32),
            pltpu.VMEM((EPW,), jnp.float32),
            pltpu.VMEM((NPW, C), jnp.float32),
            pltpu.VMEM((C,), jnp.float32),
            pltpu.SemaphoreType.DMA,
        ] + [pltpu.SemaphoreType.DMA] * NGRP,
    )
    def sc_loss(out_flat, tgt_2d, ind_hbm, batch_hbm, out_hbm,
                ind_v, batch_v, base_v, idx_v, val_v, tgt_v, part_v,
                sem_t, *sems):
        wid = lax.axis_index("s") * NC + lax.axis_index("c")
        obj0 = wid * NPW
        ngrp = NGRP
        cpg = NCHUNK // ngrp

        tgt_cp = pltpu.make_async_copy(
            tgt_2d.at[pl.ds(obj0, NPW)], tgt_v, sem_t)
        tgt_cp.start()
        ind_cp = pltpu.make_async_copy(
            ind_hbm.at[pl.ds(obj0, NPW)], ind_v, sems[0])
        bat_cp = pltpu.make_async_copy(
            batch_hbm.at[pl.ds(obj0, NPW)], batch_v, sems[1])
        ind_cp.start()
        bat_cp.start()
        ind_cp.wait()
        bat_cp.wait()

        def mk_base(g, _):
            bv = batch_v[pl.ds(g * L, L)]
            iv = ind_v[pl.ds(g * L, L)]
            base_v[pl.ds(g * L, L)] = bv * (C * HW) + iv
            return 0
        lax.fori_loop(0, NPW // L, mk_base, 0)

        ramps = [lax.iota(jnp.int32, L) * HW + k * L * HW for k in range(C // L)]
        gdn = lax.GatherDimensionNumbers(
            offset_dims=(), collapsed_slice_dims=(0,), start_index_map=(0,))
        opc = CHUNK // C

        def gather_cp(g, sem):
            return pltpu.make_async_copy(
                out_flat.at[idx_v.at[pl.ds(g * CHUNK, CHUNK)]],
                val_v.at[pl.ds(g * CHUNK, CHUNK)],
                sem,
            )

        for j in range(ngrp):
            def fire(g, _, _j=j):
                n0 = g * opc
                gv = n0 // L
                bv = base_v[pl.ds(gv * L, L)]
                for o in range(opc):
                    n = n0 + o
                    lane = lax.rem(n, jnp.int32(L))
                    bb = lax.gather(
                        bv, lane * jnp.ones((L, 1), jnp.int32),
                        gdn, slice_sizes=(1,),
                        mode=lax.GatherScatterMode.PROMISE_IN_BOUNDS)
                    for k in range(C // L):
                        idx_v[pl.ds(n * C + k * L, L)] = bb + ramps[k]
                gather_cp(g, sems[_j]).start()
                return 0
            lax.fori_loop(j * cpg, (j + 1) * cpg, fire, 0)

        tgt_cp.wait()

        inv = jnp.float32(1.0 / (N + 0.0001))
        zeros = tuple(jnp.zeros((L,), jnp.float32) for _ in range(C // L))
        accs = zeros
        for j in range(ngrp):
            def drain(g, _, _j=j):
                gather_cp(g, sems[_j]).wait()
                return 0
            lax.fori_loop(j * cpg, (j + 1) * cpg, drain, 0)

            def acc_fn(n, a):
                outs = []
                for k in range(C // L):
                    v = val_v[pl.ds(n * C + k * L, L)]
                    t = tgt_v[n, pl.ds(k * L, L)]
                    outs.append(a[k] + jnp.abs(v - t))
                return tuple(outs)
            accs = lax.fori_loop(j * cpg * opc, (j + 1) * cpg * opc,
                                 acc_fn, accs)

        for k in range(C // L):
            part_v[pl.ds(k * L, L)] = accs[k] * inv
        pltpu.sync_copy(part_v, out_hbm.at[wid])

    return sc_loss


_sc_loss = _make_sc_call()


@jax.jit
def kernel(output, target, ind, batch):
    out_flat = output.reshape(-1)
    ind32 = ind.astype(jnp.int32)
    batch32 = batch.astype(jnp.int32)
    partials = _sc_loss(out_flat, target, ind32, batch32)
    return partials.sum(axis=0)

# --- scband reference (transcript-rebuilt; emitter-appended) ---
"""Pipeline reference for scband-reg-loss2-17849884082445 (READ-ONLY COPY).

The authoritative reference and input builder live on the scoring server;
editing this copy changes nothing except your own understanding.
"""

import jax, jax.numpy as jnp
import numpy as np


def setup_inputs(seed: int = 0) -> dict:
    key = jax.random.key(seed)
    k1, k2, k3, k4 = jax.random.split(key, 4)
    B, C, H, W = 16, 64, 128, 128
    N = 8192
    output = jax.random.normal(k1, (B, C, H, W), dtype=jnp.float32)
    target = jax.random.normal(k2, (N, C), dtype=jnp.float32)
    ind = jax.random.randint(k3, (N,), 0, H * W, dtype=jnp.int64)
    batch = jax.random.randint(k4, (N,), 0, B, dtype=jnp.int64)
    return {"output": output, "target": target, "ind": ind, "batch": batch}


def _transpose_and_gather_feat_by_batch(output, ind, batch):
    # output: [B, C, H, W] -> feat: [B, H*W, C]
    B, C, H, W = output.shape
    feat = jnp.transpose(output, (0, 2, 3, 1)).reshape(B, H * W, C)
    # gather one spatial location per object, routed by its batch index -> [N, C]
    pred = feat[batch, ind]
    return pred


def reference(output, target, ind, batch):
    pred = _transpose_and_gather_feat_by_batch(output, ind, batch)
    loss = jnp.abs(pred - target)  # F.l1_loss(..., reduction='none')
    loss = loss / (ind.shape[0] + 0.0001)
    loss = loss.sum(axis=0)
    return loss

if __name__ == "__main__":
    import jax
    _d = setup_inputs()
    print(jax.jit(kernel)(*tuple(_d.values())))

</pallas_src>

<mosaic_0001>
#map = affine_map<(d0, d1) -> (0)>
#map1 = affine_map<(d0, d1) -> (0, 0)>
module attributes {stable_mosaic.version = 14 : i64} {
  func.func @sc_loss(%arg0: i32, %arg1: i32, %arg2: memref<16777216xf32, #tpu.memory_space<hbm>>, %arg3: memref<8192x64xf32, #tpu.memory_space<hbm>>, %arg4: memref<8192xi32, #tpu.memory_space<hbm>>, %arg5: memref<8192xi32, #tpu.memory_space<hbm>>, %arg6: memref<32x64xf32, #tpu.memory_space<hbm>>, %arg7: memref<256xi32, #tpu.memory_space<vmem>>, %arg8: memref<256xi32, #tpu.memory_space<vmem>>, %arg9: memref<256xi32, #tpu.memory_space<vmem>>, %arg10: memref<16384xi32, #tpu.memory_space<vmem>>, %arg11: memref<16384xf32, #tpu.memory_space<vmem>>, %arg12: memref<256x64xf32, #tpu.memory_space<vmem>>, %arg13: memref<64xf32, #tpu.memory_space<vmem>>, %arg14: memref<!tpu.dma_semaphore, #tpu.memory_space<semaphore_mem>>, %arg15: memref<!tpu.dma_semaphore, #tpu.memory_space<semaphore_mem>>, %arg16: memref<!tpu.dma_semaphore, #tpu.memory_space<semaphore_mem>>, %arg17: memref<!tpu.dma_semaphore, #tpu.memory_space<semaphore_mem>>, %arg18: memref<!tpu.dma_semaphore, #tpu.memory_space<semaphore_mem>>, %arg19: memref<!tpu.dma_semaphore, #tpu.memory_space<semaphore_mem>>, %arg20: memref<!tpu.dma_semaphore, #tpu.memory_space<semaphore_mem>>, %arg21: memref<!tpu.dma_semaphore, #tpu.memory_space<semaphore_mem>>, %arg22: memref<!tpu.dma_semaphore, #tpu.memory_space<semaphore_mem>>) attributes {dimension_semantics = [#tpu.dimension_semantics<core_parallel>, #tpu.dimension_semantics<subcore_parallel>], iteration_bounds = array<i64: 2, 16>, scalar_prefetch = 0 : i64, scratch_operands = 16 : i64, tpu.core_type = #tpu.core_type<sc_vector_subcore>, window_params = [{transform_indices = #map}, {transform_indices = #map1}, {transform_indices = #map}, {transform_indices = #map}, {transform_indices = #map1}]} {
    %mul3A = arith.constant 2 : i32
    %mul3A_0 = arith.muli %arg1, %mul3A : i32
    %add3A = arith.addi %mul3A_0, %arg0 : i32
    %mul3A_1 = arith.constant 256 : i32
    %mul3A_2 = arith.muli %add3A, %mul3A_1 : i32
    %dma_start3A = arith.constant 0 : i32
    %dma_start3A_3 = tpu.memref_slice %arg3[%mul3A_2, %dma_start3A] : memref<8192x64xf32, #tpu.memory_space<hbm>> -> memref<256x64xf32, #tpu.memory_space<hbm>>
    %dma_start3A_4 = arith.constant 0 : i32
    %dma_start3A_5 = tpu.memref_slice %arg3[%mul3A_2, %dma_start3A_4] : memref<8192x64xf32, #tpu.memory_space<hbm>> -> memref<256x64xf32, #tpu.memory_space<hbm>>
    tpu.enqueue_dma source(%dma_start3A_5 : memref<256x64xf32, #tpu.memory_space<hbm>>) target(%arg12 : memref<256x64xf32, #tpu.memory_space<vmem>>) target_semaphore(%arg14 : memref<!tpu.dma_semaphore, #tpu.memory_space<semaphore_mem>>)
    %dma_start3A_6 = tpu.memref_slice %arg4[%mul3A_2] : memref<8192xi32, #tpu.memory_space<hbm>> -> memref<256xi32, #tpu.memory_space<hbm>>
    %dma_start3A_7 = tpu.memref_slice %arg4[%mul3A_2] : memref<8192xi32, #tpu.memory_space<hbm>> -> memref<256xi32, #tpu.memory_space<hbm>>
    tpu.enqueue_dma source(%dma_start3A_7 : memref<256xi32, #tpu.memory_space<hbm>>) target(%arg7 : memref<256xi32, #tpu.memory_space<vmem>>) target_semaphore(%arg15 : memref<!tpu.dma_semaphore, #tpu.memory_space<semaphore_mem>>)
    %dma_start3A_8 = tpu.memref_slice %arg5[%mul3A_2] : memref<8192xi32, #tpu.memory_space<hbm>> -> memref<256xi32, #tpu.memory_space<hbm>>
    %dma_start3A_9 = tpu.memref_slice %arg5[%mul3A_2] : memref<8192xi32, #tpu.memory_space<hbm>> -> memref<256xi32, #tpu.memory_space<hbm>>
    tpu.enqueue_dma source(%dma_start3A_9 : memref<256xi32, #tpu.memory_space<hbm>>) target(%arg8 : memref<256xi32, #tpu.memory_space<vmem>>) target_semaphore(%arg16 : memref<!tpu.dma_semaphore, #tpu.memory_space<semaphore_mem>>)
    %dma_wait3A = tpu.memref_slice %arg4[%mul3A_2] : memref<8192xi32, #tpu.memory_space<hbm>> -> memref<256xi32, #tpu.memory_space<hbm>>
    %dma_wait3A_10 = tpu.memref_slice %arg4[%mul3A_2] : memref<8192xi32, #tpu.memory_space<hbm>> -> memref<256xi32, #tpu.memory_space<hbm>>
    tpu.wait_dma2 semaphore(%arg15 : memref<!tpu.dma_semaphore, #tpu.memory_space<semaphore_mem>>) src(%dma_wait3A_10 : memref<256xi32, #tpu.memory_space<hbm>>) dst(%arg7 : memref<256xi32, #tpu.memory_space<vmem>>)
    %dma_wait3A_11 = tpu.memref_slice %arg5[%mul3A_2] : memref<8192xi32, #tpu.memory_space<hbm>> -> memref<256xi32, #tpu.memory_space<hbm>>
    %dma_wait3A_12 = tpu.memref_slice %arg5[%mul3A_2] : memref<8192xi32, #tpu.memory_space<hbm>> -> memref<256xi32, #tpu.memory_space<hbm>>
    tpu.wait_dma2 semaphore(%arg16 : memref<!tpu.dma_semaphore, #tpu.memory_space<semaphore_mem>>) src(%dma_wait3A_12 : memref<256xi32, #tpu.memory_space<hbm>>) dst(%arg8 : memref<256xi32, #tpu.memory_space<vmem>>)
    %scan3A = arith.constant 0 : i32
    %scan3A_13 = arith.constant 0 : i32
    %scan3A_14 = arith.constant 16 : i32
    %scan3A_15 = arith.addi %scan3A_13, %scan3A_14 : i32
    %scan3A_16 = arith.constant 1 : i32
    %scan3A_17 = scf.for %scan3A_244 = %scan3A_13 to %scan3A_15 step %scan3A_16 iter_args(%scan3A_245 = %scan3A) -> (i32)  : i32 {
      %mul3A_246 = arith.constant 16 : i32
      %mul3A_247 = arith.muli %scan3A_244, %mul3A_246 : i32
      %get3A = arith.index_cast %mul3A_247 : i32 to index
      %get3A_248 = tpu.vector_load %arg8[%get3A] {strides = array<i32>} : memref<256xi32, #tpu.memory_space<vmem>>, vector<16xi32>,
      %get3A_249 = vector.shape_cast %get3A_248 : vector<16xi32> to vector<16xi32>
      %mul3A_250 = arith.constant 16 : i32
      %mul3A_251 = arith.muli %scan3A_244, %mul3A_250 : i32
      %get3A_252 = arith.index_cast %mul3A_251 : i32 to index
      %get3A_253 = tpu.vector_load %arg7[%get3A_252] {strides = array<i32>} : memref<256xi32, #tpu.memory_space<vmem>>, vector<16xi32>,
      %get3A_254 = vector.shape_cast %get3A_253 : vector<16xi32> to vector<16xi32>
      %mul3A_255 = arith.constant 1048576 : i32
      %mul3A_256 = vector.broadcast %mul3A_255 : i32 to vector<16xi32>
      %mul3A_257 = arith.muli %get3A_249, %mul3A_256 : vector<16xi32>
      %add3A_258 = arith.addi %mul3A_257, %get3A_254 : vector<16xi32>
      %mul3A_259 = arith.constant 16 : i32
      %mul3A_260 = arith.muli %scan3A_244, %mul3A_259 : i32
      %swap3A_261 = arith.index_cast %mul3A_260 : i32 to index
      %swap3A_262 = tpu.vector_load %arg9[%swap3A_261] {strides = array<i32>} : memref<256xi32, #tpu.memory_space<vmem>>, vector<16xi32>,
      %swap3A_263 = vector.shape_cast %swap3A_262 : vector<16xi32> to vector<16xi32>
      %swap3A_264 = vector.shape_cast %add3A_258 : vector<16xi32> to vector<16xi32>
      tpu.vector_store %arg9[%swap3A_261], %swap3A_264 {strides = array<i32>} : memref<256xi32, #tpu.memory_space<vmem>>, vector<16xi32>,
      %scan3A_265 = arith.constant 0 : i32
      scf.yield %scan3A_265 : i32
    }
    %scan3A_18 = arith.constant 16 : i32
    %iota3A = tpu.iota {dimensions = array<i32: 0>} : vector<16xi32>
    %mul3A_19 = arith.constant 16384 : i32
    %mul3A_20 = vector.broadcast %mul3A_19 : i32 to vector<16xi32>
    %mul3A_21 = arith.muli %iota3A, %mul3A_20 : vector<16xi32>
    %add3A_22 = arith.constant 0 : i32
    %add3A_23 = vector.broadcast %add3A_22 : i32 to vector<16xi32>
    %add3A_24 = arith.addi %mul3A_21, %add3A_23 : vector<16xi32>
    %iota3A_25 = tpu.iota {dimensions = array<i32: 0>} : vector<16xi32>
    %mul3A_26 = arith.constant 16384 : i32
    %mul3A_27 = vector.broadcast %mul3A_26 : i32 to vector<16xi32>
    %mul3A_28 = arith.muli %iota3A_25, %mul3A_27 : vector<16xi32>
    %add3A_29 = arith.constant 262144 : i32
    %add3A_30 = vector.broadcast %add3A_29 : i32 to vector<16xi32>
    %add3A_31 = arith.addi %mul3A_28, %add3A_30 : vector<16xi32>
    %iota3A_32 = tpu.iota {dimensions = array<i32: 0>} : vector<16xi32>
    %mul3A_33 = arith.constant 16384 : i32
    %mul3A_34 = vector.broadcast %mul3A_33 : i32 to vector<16xi32>
    %mul3A_35 = arith.muli %iota3A_32, %mul3A_34 : vector<16xi32>
    %add3A_36 = arith.constant 524288 : i32
    %add3A_37 = vector.broadcast %add3A_36 : i32 to vector<16xi32>
    %add3A_38 = arith.addi %mul3A_35, %add3A_37 : vector<16xi32>
    %iota3A_39 = tpu.iota {dimensions = array<i32: 0>} : vector<16xi32>
    %mul3A_40 = arith.constant 16384 : i32
    %mul3A_41 = vector.broadcast %mul3A_40 : i32 to vector<16xi32>
    %mul3A_42 = arith.muli %iota3A_39, %mul3A_41 : vector<16xi32>
    %add3A_43 = arith.constant 786432 : i32
    %add3A_44 = vector.broadcast %add3A_43 : i32 to vector<16xi32>
    %add3A_45 = arith.addi %mul3A_42, %add3A_44 : vector<16xi32>
    %scan3A_46 = arith.constant 0 : i32
    %scan3A_47 = arith.constant 0 : i32
    %scan3A_48 = arith.constant 16 : i32
    %scan3A_49 = arith.addi %scan3A_47, %scan3A_48 : i32
    %scan3A_50 = arith.constant 1 : i32
    %scan3A_51 = scf.for %scan3A_244 = %scan3A_47 to %scan3A_49 step %scan3A_50 iter_args(%scan3A_245 = %scan3A_46) -> (i32)  : i32 {
      %mul3A_246 = arith.constant 2 : i32
      %mul3A_247 = arith.muli %scan3A_244, %mul3A_246 : i32
      %jit3A = arith.constant 16 : i32
      %div3A = arith.divsi %mul3A_247, %jit3A : i32
      %sign3A = arith.constant 0 : i32
      %sign3A_248 = arith.cmpi sgt, %mul3A_247, %sign3A : i32
      %sign3A_249 = arith.extui %sign3A_248 : i1 to i32
      %sign3A_250 = arith.constant 0 : i32
      %sign3A_251 = arith.cmpi slt, %mul3A_247, %sign3A_250 : i32
      %sign3A_252 = arith.extui %sign3A_251 : i1 to i32
      %sign3A_253 = arith.subi %sign3A_249, %sign3A_252 : i32
      %sign3A_254 = arith.constant 0 : i32
      %sign3A_255 = arith.cmpi sgt, %jit3A, %sign3A_254 : i32
      %sign3A_256 = arith.extui %sign3A_255 : i1 to i32
      %sign3A_257 = arith.constant 0 : i32
      %sign3A_258 = arith.cmpi slt, %jit3A, %sign3A_257 : i32
      %sign3A_259 = arith.extui %sign3A_258 : i1 to i32
      %sign3A_260 = arith.subi %sign3A_256, %sign3A_259 : i32
      %ne3A = arith.cmpi ne, %sign3A_253, %sign3A_260 : i32
      %rem3A = arith.remsi %mul3A_247, %jit3A : i32
      %ne3A_261 = arith.constant 0 : i32
      %ne3A_262 = arith.cmpi ne, %rem3A, %ne3A_261 : i32
      %and3A = arith.andi %ne3A, %ne3A_262 : i1
      %sub3A = arith.constant 1 : i32
      %sub3A_263 = arith.subi %div3A, %sub3A : i32
      %select_n3A = arith.select %and3A, %sub3A_263, %div3A : i32
      %mul3A_264 = arith.constant 16 : i32
      %mul3A_265 = arith.muli %select_n3A, %mul3A_264 : i32
      %get3A = arith.index_cast %mul3A_265 : i32 to index
      %get3A_266 = tpu.vector_load %arg9[%get3A] {strides = array<i32>} : memref<256xi32, #tpu.memory_space<vmem>>, vector<16xi32>,
      %get3A_267 = vector.shape_cast %get3A_266 : vector<16xi32> to vector<16xi32>
      %add3A_268 = arith.constant 0 : i32
      %add3A_269 = arith.addi %mul3A_247, %add3A_268 : i32
      %rem3A_270 = arith.constant 16 : i32
      %rem3A_271 = arith.remsi %add3A_269, %rem3A_270 : i32
      %broadcast_in_dim3A_272 = arith.constant 1 : i32
      %broadcast_in_dim3A_273 = vector.broadcast %broadcast_in_dim3A_272 : i32 to vector<16x1xi32>
      %mul3A_274 = vector.broadcast %rem3A_271 : i32 to vector<16x1xi32>
      %mul3A_275 = arith.muli %mul3A_274, %broadcast_in_dim3A_273 : vector<16x1xi32>
      %gather3A = vector.shape_cast %mul3A_275 : vector<16x1xi32> to vector<16xi32>
      %gather3A_276 = tpu.dynamic_gather %get3A_267[%gather3A] in [0] : vector<16xi32>, vector<16xi32> -> vector<16xi32>
      %add3A_277 = arith.addi %gather3A_276, %add3A_24 : vector<16xi32>
      %mul3A_278 = arith.constant 64 : i32
      %mul3A_279 = arith.muli %add3A_269, %mul3A_278 : i32
      %add3A_280 = arith.constant 0 : i32
      %add3A_281 = arith.addi %mul3A_279, %add3A_280 : i32
      %swap3A_282 = arith.index_cast %add3A_281 : i32 to index
      %swap3A_283 = tpu.vector_load %arg10[%swap3A_282] {strides = array<i32>} : memref<16384xi32, #tpu.memory_space<vmem>>, vector<16xi32>,
      %swap3A_284 = vector.shape_cast %swap3A_283 : vector<16xi32> to vector<16xi32>
      %swap3A_285 = vector.shape_cast %add3A_277 : vector<16xi32> to vector<16xi32>
      tpu.vector_store %arg10[%swap3A_282], %swap3A_285 {strides = array<i32>} : memref<16384xi32, #tpu.memory_space<vmem>>, vector<16xi32>,
      %add3A_286 = arith.addi %gather3A_276, %add3A_31 : vector<16xi32>
      %mul3A_287 = arith.constant 64 : i32
      %mul3A_288 = arith.muli %add3A_269, %mul3A_287 : i32
      %add3A_289 = arith.constant 16 : i32
      %add3A_290 = arith.addi %mul3A_288, %add3A_289 : i32
      %swap3A_291 = arith.index_cast %add3A_290 : i32 to index
      %swap3A_292 = tpu.vector_load %arg10[%swap3A_291] {strides = array<i32>} : memref<16384xi32, #tpu.memory_space<vmem>>, vector<16xi32>,
      %swap3A_293 = vector.shape_cast %swap3A_292 : vector<16xi32> to vector<16xi32>
      %swap3A_294 = vector.shape_cast %add3A_286 : vector<16xi32> to vector<16xi32>
      tpu.vector_store %arg10[%swap3A_291], %swap3A_294 {strides = array<i32>} : memref<16384xi32, #tpu.memory_space<vmem>>, vector<16xi32>,
      %add3A_295 = arith.addi %gather3A_276, %add3A_38 : vector<16xi32>
      %mul3A_296 = arith.constant 64 : i32
      %mul3A_297 = arith.muli %add3A_269, %mul3A_296 : i32
      %add3A_298 = arith.constant 32 : i32
      %add3A_299 = arith.addi %mul3A_297, %add3A_298 : i32
      %swap3A_300 = arith.index_cast %add3A_299 : i32 to index
      %swap3A_301 = tpu.vector_load %arg10[%swap3A_300] {strides = array<i32>} : memref<16384xi32, #tpu.memory_space<vmem>>, vector<16xi32>,
      %swap3A_302 = vector.shape_cast %swap3A_301 : vector<16xi32> to vector<16xi32>
      %swap3A_303 = vector.shape_cast %add3A_295 : vector<16xi32> to vector<16xi32>
      tpu.vector_store %arg10[%swap3A_300], %swap3A_303 {strides = array<i32>} : memref<16384xi32, #tpu.memory_space<vmem>>, vector<16xi32>,
      %add3A_304 = arith.addi %gather3A_276, %add3A_45 : vector<16xi32>
      %mul3A_305 = arith.constant 64 : i32
      %mul3A_306 = arith.muli %add3A_269, %mul3A_305 : i32
      %add3A_307 = arith.constant 48 : i32
      %add3A_308 = arith.addi %mul3A_306, %add3A_307 : i32
      %swap3A_309 = arith.index_cast %add3A_308 : i32 to index
      %swap3A_310 = tpu.vector_load %arg10[%swap3A_309] {strides = array<i32>} : memref<16384xi32, #tpu.memory_space<vmem>>, vector<16xi32>,
      %swap3A_311 = vector.shape_cast %swap3A_310 : vector<16xi32> to vector<16xi32>
      %swap3A_312 = vector.shape_cast %add3A_304 : vector<16xi32> to vector<16xi32>
      tpu.vector_store %arg10[%swap3A_309], %swap3A_312 {strides = array<i32>} : memref<16384xi32, #tpu.memory_space<vmem>>, vector<16xi32>,
      %add3A_313 = arith.constant 1 : i32
      %add3A_314 = arith.addi %mul3A_247, %add3A_313 : i32
      %rem3A_315 = arith.constant 16 : i32
      %rem3A_316 = arith.remsi %add3A_314, %rem3A_315 : i32
      %broadcast_in_dim3A_317 = arith.constant 1 : i32
      %broadcast_in_dim3A_318 = vector.broadcast %broadcast_in_dim3A_317 : i32 to vector<16x1xi32>
      %mul3A_319 = vector.broadcast %rem3A_316 : i32 to vector<16x1xi32>
      %mul3A_320 = arith.muli %mul3A_319, %broadcast_in_dim3A_318 : vector<16x1xi32>
      %gather3A_321 = vector.shape_cast %mul3A_320 : vector<16x1xi32> to vector<16xi32>
      %gather3A_322 = tpu.dynamic_gather %get3A_267[%gather3A_321] in [0] : vector<16xi32>, vector<16xi32> -> vector<16xi32>
      %add3A_323 = arith.addi %gather3A_322, %add3A_24 : vector<16xi32>
      %mul3A_324 = arith.constant 64 : i32
      %mul3A_325 = arith.muli %add3A_314, %mul3A_324 : i32
      %add3A_326 = arith.constant 0 : i32
      %add3A_327 = arith.addi %mul3A_325, %add3A_326 : i32
      %swap3A_328 = arith.index_cast %add3A_327 : i32 to index
      %swap3A_329 = tpu.vector_load %arg10[%swap3A_328] {strides = array<i32>} : memref<16384xi32, #tpu.memory_space<vmem>>, vector<16xi32>,
      %swap3A_330 = vector.shape_cast %swap3A_329 : vector<16xi32> to vector<16xi32>
      %swap3A_331 = vector.shape_cast %add3A_323 : vector<16xi32> to vector<16xi32>
      tpu.vector_store %arg10[%swap3A_328], %swap3A_331 {strides = array<i32>} : memref<16384xi32, #tpu.memory_space<vmem>>, vector<16xi32>,
      %add3A_332 = arith.addi %gather3A_322, %add3A_31 : vector<16xi32>
      %mul3A_333 = arith.constant 64 : i32
      %mul3A_334 = arith.muli %add3A_314, %mul3A_333 : i32
      %add3A_335 = arith.constant 16 : i32
      %add3A_336 = arith.addi %mul3A_334, %add3A_335 : i32
      %swap3A_337 = arith.index_cast %add3A_336 : i32 to index
      %swap3A_338 = tpu.vector_load %arg10[%swap3A_337] {strides = array<i32>} : memref<16384xi32, #tpu.memory_space<vmem>>, vector<16xi32>,
      %swap3A_339 = vector.shape_cast %swap3A_338 : vector<16xi32> to vector<16xi32>
      %swap3A_340 = vector.shape_cast %add3A_332 : vector<16xi32> to vector<16xi32>
      tpu.vector_store %arg10[%swap3A_337], %swap3A_340 {strides = array<i32>} : memref<16384xi32, #tpu.memory_space<vmem>>, vector<16xi32>,
      %add3A_341 = arith.addi %gather3A_322, %add3A_38 : vector<16xi32>
      %mul3A_342 = arith.constant 64 : i32
      %mul3A_343 = arith.muli %add3A_314, %mul3A_342 : i32
      %add3A_344 = arith.constant 32 : i32
      %add3A_345 = arith.addi %mul3A_343, %add3A_344 : i32
      %swap3A_346 = arith.index_cast %add3A_345 : i32 to index
      %swap3A_347 = tpu.vector_load %arg10[%swap3A_346] {strides = array<i32>} : memref<16384xi32, #tpu.memory_space<vmem>>, vector<16xi32>,
      %swap3A_348 = vector.shape_cast %swap3A_347 : vector<16xi32> to vector<16xi32>
      %swap3A_349 = vector.shape_cast %add3A_341 : vector<16xi32> to vector<16xi32>
      tpu.vector_store %arg10[%swap3A_346], %swap3A_349 {strides = array<i32>} : memref<16384xi32, #tpu.memory_space<vmem>>, vector<16xi32>,
      %add3A_350 = arith.addi %gather3A_322, %add3A_45 : vector<16xi32>
      %mul3A_351 = arith.constant 64 : i32
      %mul3A_352 = arith.muli %add3A_314, %mul3A_351 : i32
      %add3A_353 = arith.constant 48 : i32
      %add3A_354 = arith.addi %mul3A_352, %add3A_353 : i32
      %swap3A_355 = arith.index_cast %add3A_354 : i32 to index
      %swap3A_356 = tpu.vector_load %arg10[%swap3A_355] {strides = array<i32>} : memref<16384xi32, #tpu.memory_space<vmem>>, vector<16xi32>,
      %swap3A_357 = vector.shape_cast %swap3A_356 : vector<16xi32> to vector<16xi32>
      %swap3A_358 = vector.shape_cast %add3A_350 : vector<16xi32> to vector<16xi32>
      tpu.vector_store %arg10[%swap3A_355], %swap3A_358 {strides = array<i32>} : memref<16384xi32, #tpu.memory_space<vmem>>, vector<16xi32>,
      %mul3A_359 = arith.constant 128 : i32
      %mul3A_360 = arith.muli %scan3A_244, %mul3A_359 : i32
      %mul3A_361 = arith.constant 128 : i32
      %mul3A_362 = arith.muli %scan3A_244, %mul3A_361 : i32
      %dma_start3A_363 = tpu.memref_slice %arg11[%mul3A_362] : memref<16384xf32, #tpu.memory_space<vmem>> -> memref<128xf32, #tpu.memory_space<vmem>>
      %dma_start3A_364 = tpu.memref_slice %arg10[%mul3A_360] : memref<16384xi32, #tpu.memory_space<vmem>> -> memref<128xi32, #tpu.memory_space<vmem>>
      %dma_start3A_365 = arith.constant 0 : i32
      %dma_start3A_366 = tpu.memref_slice %arg2[%dma_start3A_365] : memref<16777216xf32, #tpu.memory_space<hbm>> -> memref<16777216xf32, #tpu.memory_space<hbm>>
      tpu.enqueue_indirect_dma source(%dma_start3A_366 : memref<16777216xf32, #tpu.memory_space<hbm>>) target(%dma_start3A_363 : memref<128xf32, #tpu.memory_space<vmem>>) offsets(%dma_start3A_364 : memref<128xi32, #tpu.memory_space<vmem>>) semaphore(%arg15 : memref<!tpu.dma_semaphore, #tpu.memory_space<semaphore_mem>>)
      %scan3A_367 = arith.constant 0 : i32
      scf.yield %scan3A_367 : i32
    }
    %scan3A_52 = arith.constant 16 : i32
    %scan3A_53 = arith.constant 0 : i32
    %scan3A_54 = arith.constant 16 : i32
    %scan3A_55 = arith.constant 16 : i32
    %scan3A_56 = arith.addi %scan3A_54, %scan3A_55 : i32
    %scan3A_57 = arith.constant 1 : i32
    %scan3A_58 = scf.for %scan3A_244 = %scan3A_54 to %scan3A_56 step %scan3A_57 iter_args(%scan3A_245 = %scan3A_53) -> (i32)  : i32 {
      %mul3A_246 = arith.constant 2 : i32
      %mul3A_247 = arith.muli %scan3A_244, %mul3A_246 : i32
      %jit3A = arith.constant 16 : i32
      %div3A = arith.divsi %mul3A_247, %jit3A : i32
      %sign3A = arith.constant 0 : i32
      %sign3A_248 = arith.cmpi sgt, %mul3A_247, %sign3A : i32
      %sign3A_249 = arith.extui %sign3A_248 : i1 to i32
      %sign3A_250 = arith.constant 0 : i32
      %sign3A_251 = arith.cmpi slt, %mul3A_247, %sign3A_250 : i32
      %sign3A_252 = arith.extui %sign3A_251 : i1 to i32
      %sign3A_253 = arith.subi %sign3A_249, %sign3A_252 : i32
      %sign3A_254 = arith.constant 0 : i32
      %sign3A_255 = arith.cmpi sgt, %jit3A, %sign3A_254 : i32
      %sign3A_256 = arith.extui %sign3A_255 : i1 to i32
      %sign3A_257 = arith.constant 0 : i32
      %sign3A_258 = arith.cmpi slt, %jit3A, %sign3A_257 : i32
      %sign3A_259 = arith.extui %sign3A_258 : i1 to i32
      %sign3A_260 = arith.subi %sign3A_256, %sign3A_259 : i32
      %ne3A = arith.cmpi ne, %sign3A_253, %sign3A_260 : i32
      %rem3A = arith.remsi %mul3A_247, %jit3A : i32
      %ne3A_261 = arith.constant 0 : i32
      %ne3A_262 = arith.cmpi ne, %rem3A, %ne3A_261 : i32
      %and3A = arith.andi %ne3A, %ne3A_262 : i1
      %sub3A = arith.constant 1 : i32
      %sub3A_263 = arith.subi %div3A, %sub3A : i32
      %select_n3A = arith.select %and3A, %sub3A_263, %div3A : i32
      %mul3A_264 = arith.constant 16 : i32
      %mul3A_265 = arith.muli %select_n3A, %mul3A_264 : i32
      %get3A = arith.index_cast %mul3A_265 : i32 to index
      %get3A_266 = tpu.vector_load %arg9[%get3A] {strides = array<i32>} : memref<256xi32, #tpu.memory_space<vmem>>, vector<16xi32>,
      %get3A_267 = vector.shape_cast %get3A_266 : vector<16xi32> to vector<16xi32>
      %add3A_268 = arith.constant 0 : i32
      %add3A_269 = arith.addi %mul3A_247, %add3A_268 : i32
      %rem3A_270 = arith.constant 16 : i32
      %rem3A_271 = arith.remsi %add3A_269, %rem3A_270 : i32
      %broadcast_in_dim3A_272 = arith.constant 1 : i32
      %broadcast_in_dim3A_273 = vector.broadcast %broadcast_in_dim3A_272 : i32 to vector<16x1xi32>
      %mul3A_274 = vector.broadcast %rem3A_271 : i32 to vector<16x1xi32>
      %mul3A_275 = arith.muli %mul3A_274, %broadcast_in_dim3A_273 : vector<16x1xi32>
      %gather3A = vector.shape_cast %mul3A_275 : vector<16x1xi32> to vector<16xi32>
      %gather3A_276 = tpu.dynamic_gather %get3A_267[%gather3A] in [0] : vector<16xi32>, vector<16xi32> -> vector<16xi32>
      %add3A_277 = arith.addi %gather3A_276, %add3A_24 : vector<16xi32>
      %mul3A_278 = arith.constant 64 : i32
      %mul3A_279 = arith.muli %add3A_269, %mul3A_278 : i32
      %add3A_280 = arith.constant 0 : i32
      %add3A_281 = arith.addi %mul3A_279, %add3A_280 : i32
      %swap3A_282 = arith.index_cast %add3A_281 : i32 to index
      %swap3A_283 = tpu.vector_load %arg10[%swap3A_282] {strides = array<i32>} : memref<16384xi32, #tpu.memory_space<vmem>>, vector<16xi32>,
      %swap3A_284 = vector.shape_cast %swap3A_283 : vector<16xi32> to vector<16xi32>
      %swap3A_285 = vector.shape_cast %add3A_277 : vector<16xi32> to vector<16xi32>
      tpu.vector_store %arg10[%swap3A_282], %swap3A_285 {strides = array<i32>} : memref<16384xi32, #tpu.memory_space<vmem>>, vector<16xi32>,
      %add3A_286 = arith.addi %gather3A_276, %add3A_31 : vector<16xi32>
      %mul3A_287 = arith.constant 64 : i32
      %mul3A_288 = arith.muli %add3A_269, %mul3A_287 : i32
      %add3A_289 = arith.constant 16 : i32
      %add3A_290 = arith.addi %mul3A_288, %add3A_289 : i32
      %swap3A_291 = arith.index_cast %add3A_290 : i32 to index
      %swap3A_292 = tpu.vector_load %arg10[%swap3A_291] {strides = array<i32>} : memref<16384xi32, #tpu.memory_space<vmem>>, vector<16xi32>,
      %swap3A_293 = vector.shape_cast %swap3A_292 : vector<16xi32> to vector<16xi32>
      %swap3A_294 = vector.shape_cast %add3A_286 : vector<16xi32> to vector<16xi32>
      tpu.vector_store %arg10[%swap3A_291], %swap3A_294 {strides = array<i32>} : memref<16384xi32, #tpu.memory_space<vmem>>, vector<16xi32>,
      %add3A_295 = arith.addi %gather3A_276, %add3A_38 : vector<16xi32>
      %mul3A_296 = arith.constant 64 : i32
      %mul3A_297 = arith.muli %add3A_269, %mul3A_296 : i32
      %add3A_298 = arith.constant 32 : i32
      %add3A_299 = arith.addi %mul3A_297, %add3A_298 : i32
      %swap3A_300 = arith.index_cast %add3A_299 : i32 to index
      %swap3A_301 = tpu.vector_load %arg10[%swap3A_300] {strides = array<i32>} : memref<16384xi32, #tpu.memory_space<vmem>>, vector<16xi32>,
      %swap3A_302 = vector.shape_cast %swap3A_301 : vector<16xi32> to vector<16xi32>
      %swap3A_303 = vector.shape_cast %add3A_295 : vector<16xi32> to vector<16xi32>
      tpu.vector_store %arg10[%swap3A_300], %swap3A_303 {strides = array<i32>} : memref<16384xi32, #tpu.memory_space<vmem>>, vector<16xi32>,
      %add3A_304 = arith.addi %gather3A_276, %add3A_45 : vector<16xi32>
      %mul3A_305 = arith.constant 64 : i32
      %mul3A_306 = arith.muli %add3A_269, %mul3A_305 : i32
      %add3A_307 = arith.constant 48 : i32
      %add3A_308 = arith.addi %mul3A_306, %add3A_307 : i32
      %swap3A_309 = arith.index_cast %add3A_308 : i32 to index
      %swap3A_310 = tpu.vector_load %arg10[%swap3A_309] {strides = array<i32>} : memref<16384xi32, #tpu.memory_space<vmem>>, vector<16xi32>,
      %swap3A_311 = vector.shape_cast %swap3A_310 : vector<16xi32> to vector<16xi32>
      %swap3A_312 = vector.shape_cast %add3A_304 : vector<16xi32> to vector<16xi32>
      tpu.vector_store %arg10[%swap3A_309], %swap3A_312 {strides = array<i32>} : memref<16384xi32, #tpu.memory_space<vmem>>, vector<16xi32>,
      %add3A_313 = arith.constant 1 : i32
      %add3A_314 = arith.addi %mul3A_247, %add3A_313 : i32
      %rem3A_315 = arith.constant 16 : i32
      %rem3A_316 = arith.remsi %add3A_314, %rem3A_315 : i32
      %broadcast_in_dim3A_317 = arith.constant 1 : i32
      %broadcast_in_dim3A_318 = vector.broadcast %broadcast_in_dim3A_317 : i32 to vector<16x1xi32>
      %mul3A_319 = vector.broadcast %rem3A_316 : i32 to vector<16x1xi32>
      %mul3A_320 = arith.muli %mul3A_319, %broadcast_in_dim3A_318 : vector<16x1xi32>
      %gather3A_321 = vector.shape_cast %mul3A_320 : vector<16x1xi32> to vector<16xi32>
      %gather3A_322 = tpu.dynamic_gather %get3A_267[%gather3A_321] in [0] : vector<16xi32>, vector<16xi32> -> vector<16xi32>
      %add3A_323 = arith.addi %gather3A_322, %add3A_24 : vector<16xi32>
      %mul3A_324 = arith.constant 64 : i32
      %mul3A_325 = arith.muli %add3A_314, %mul3A_324 : i32
      %add3A_326 = arith.constant 0 : i32
      %add3A_327 = arith.addi %mul3A_325, %add3A_326 : i32
      %swap3A_328 = arith.index_cast %add3A_327 : i32 to index
      %swap3A_329 = tpu.vector_load %arg10[%swap3A_328] {strides = array<i32>} : memref<16384xi32, #tpu.memory_space<vmem>>, vector<16xi32>,
      %swap3A_330 = vector.shape_cast %swap3A_329 : vector<16xi32> to vector<16xi32>
      %swap3A_331 = vector.shape_cast %add3A_323 : vector<16xi32> to vector<16xi32>
      tpu.vector_store %arg10[%swap3A_328], %swap3A_331 {strides = array<i32>} : memref<16384xi32, #tpu.memory_space<vmem>>, vector<16xi32>,
      %add3A_332 = arith.addi %gather3A_322, %add3A_31 : vector<16xi32>
      %mul3A_333 = arith.constant 64 : i32
      %mul3A_334 = arith.muli %add3A_314, %mul3A_333 : i32
      %add3A_335 = arith.constant 16 : i32
      %add3A_336 = arith.addi %mul3A_334, %add3A_335 : i32
      %swap3A_337 = arith.index_cast %add3A_336 : i32 to index
      %swap3A_338 = tpu.vector_load %arg10[%swap3A_337] {strides = array<i32>} : memref<16384xi32, #tpu.memory_space<vmem>>, vector<16xi32>,
      %swap3A_339 = vector.shape_cast %swap3A_338 : vector<16xi32> to vector<16xi32>
      %swap3A_340 = vector.shape_cast %add3A_332 : vector<16xi32> to vector<16xi32>
      tpu.vector_store %arg10[%swap3A_337], %swap3A_340 {strides = array<i32>} : memref<16384xi32, #tpu.memory_space<vmem>>, vector<16xi32>,
      %add3A_341 = arith.addi %gather3A_322, %add3A_38 : vector<16xi32>
      %mul3A_342 = arith.constant 64 : i32
      %mul3A_343 = arith.muli %add3A_314, %mul3A_342 : i32
      %add3A_344 = arith.constant 32 : i32
      %add3A_345 = arith.addi %mul3A_343, %add3A_344 : i32
      %swap3A_346 = arith.index_cast %add3A_345 : i32 to index
      %swap3A_347 = tpu.vector_load %arg10[%swap3A_346] {strides = array<i32>} : memref<16384xi32, #tpu.memory_space<vmem>>, vector<16xi32>,
      %swap3A_348 = vector.shape_cast %swap3A_347 : vector<16xi32> to vector<16xi32>
      %swap3A_349 = vector.shape_cast %add3A_341 : vector<16xi32> to vector<16xi32>
      tpu.vector_store %arg10[%swap3A_346], %swap3A_349 {strides = array<i32>} : memref<16384xi32, #tpu.memory_space<vmem>>, vector<16xi32>,
      %add3A_350 = arith.addi %gather3A_322, %add3A_45 : vector<16xi32>
      %mul3A_351 = arith.constant 64 : i32
      %mul3A_352 = arith.muli %add3A_314, %mul3A_351 : i32
      %add3A_353 = arith.constant 48 : i32
      %add3A_354 = arith.addi %mul3A_352, %add3A_353 : i32
      %swap3A_355 = arith.index_cast %add3A_354 : i32 to index
      %swap3A_356 = tpu.vector_load %arg10[%swap3A_355] {strides = array<i32>} : memref<16384xi32, #tpu.memory_space<vmem>>, vector<16xi32>,
      %swap3A_357 = vector.shape_cast %swap3A_356 : vector<16xi32> to vector<16xi32>
      %swap3A_358 = vector.shape_cast %add3A_350 : vector<16xi32> to vector<16xi32>
      tpu.vector_store %arg10[%swap3A_355], %swap3A_358 {strides = array<i32>} : memref<16384xi32, #tpu.memory_space<vmem>>, vector<16xi32>,
      %mul3A_359 = arith.constant 128 : i32
      %mul3A_360 = arith.muli %scan3A_244, %mul3A_359 : i32
      %mul3A_361 = arith.constant 128 : i32
      %mul3A_362 = arith.muli %scan3A_244, %mul3A_361 : i32
      %dma_start3A_363 = tpu.memref_slice %arg11[%mul3A_362] : memref<16384xf32, #tpu.memory_space<vmem>> -> memref<128xf32, #tpu.memory_space<vmem>>
      %dma_start3A_364 = tpu.memref_slice %arg10[%mul3A_360] : memref<16384xi32, #tpu.memory_space<vmem>> -> memref<128xi32, #tpu.memory_space<vmem>>
      %dma_start3A_365 = arith.constant 0 : i32
      %dma_start3A_366 = tpu.memref_slice %arg2[%dma_start3A_365] : memref<16777216xf32, #tpu.memory_space<hbm>> -> memref<16777216xf32, #tpu.memory_space<hbm>>
      tpu.enqueue_indirect_dma source(%dma_start3A_366 : memref<16777216xf32, #tpu.memory_space<hbm>>) target(%dma_start3A_363 : memref<128xf32, #tpu.memory_space<vmem>>) offsets(%dma_start3A_364 : memref<128xi32, #tpu.memory_space<vmem>>) semaphore(%arg16 : memref<!tpu.dma_semaphore, #tpu.memory_space<semaphore_mem>>)
      %scan3A_367 = arith.constant 0 : i32
      scf.yield %scan3A_367 : i32
    }
    %scan3A_59 = arith.constant 16 : i32
    %scan3A_60 = arith.constant 0 : i32
    %scan3A_61 = arith.constant 32 : i32
    %scan3A_62 = arith.constant 16 : i32
    %scan3A_63 = arith.addi %scan3A_61, %scan3A_62 : i32
    %scan3A_64 = arith.constant 1 : i32
    %scan3A_65 = scf.for %scan3A_244 = %scan3A_61 to %scan3A_63 step %scan3A_64 iter_args(%scan3A_245 = %scan3A_60) -> (i32)  : i32 {
      %mul3A_246 = arith.constant 2 : i32
      %mul3A_247 = arith.muli %scan3A_244, %mul3A_246 : i32
      %jit3A = arith.constant 16 : i32
      %div3A = arith.divsi %mul3A_247, %jit3A : i32
      %sign3A = arith.constant 0 : i32
      %sign3A_248 = arith.cmpi sgt, %mul3A_247, %sign3A : i32
      %sign3A_249 = arith.extui %sign3A_248 : i1 to i32
      %sign3A_250 = arith.constant 0 : i32
      %sign3A_251 = arith.cmpi slt, %mul3A_247, %sign3A_250 : i32
      %sign3A_252 = arith.extui %sign3A_251 : i1 to i32
      %sign3A_253 = arith.subi %sign3A_249, %sign3A_252 : i32
      %sign3A_254 = arith.constant 0 : i32
      %sign3A_255 = arith.cmpi sgt, %jit3A, %sign3A_254 : i32
      %sign3A_256 = arith.extui %sign3A_255 : i1 to i32
      %sign3A_257 = arith.constant 0 : i32
      %sign3A_258 = arith.cmpi slt, %jit3A, %sign3A_257 : i32
      %sign3A_259 = arith.extui %sign3A_258 : i1 to i32
      %sign3A_260 = arith.subi %sign3A_256, %sign3A_259 : i32
      %ne3A = arith.cmpi ne, %sign3A_253, %sign3A_260 : i32
      %rem3A = arith.remsi %mul3A_247, %jit3A : i32
      %ne3A_261 = arith.constant 0 : i32
      %ne3A_262 = arith.cmpi ne, %rem3A, %ne3A_261 : i32
      %and3A = arith.andi %ne3A, %ne3A_262 : i1
      %sub3A = arith.constant 1 : i32
      %sub3A_263 = arith.subi %div3A, %sub3A : i32
      %select_n3A = arith.select %and3A, %sub3A_263, %div3A : i32
      %mul3A_264 = arith.constant 16 : i32
      %mul3A_265 = arith.muli %select_n3A, %mul3A_264 : i32
      %get3A = arith.index_cast %mul3A_265 : i32 to index
      %get3A_266 = tpu.vector_load %arg9[%get3A] {strides = array<i32>} : memref<256xi32, #tpu.memory_space<vmem>>, vector<16xi32>,
      %get3A_267 = vector.shape_cast %get3A_266 : vector<16xi32> to vector<16xi32>
      %add3A_268 = arith.constant 0 : i32
      %add3A_269 = arith.addi %mul3A_247, %add3A_268 : i32
      %rem3A_270 = arith.constant 16 : i32
      %rem3A_271 = arith.remsi %add3A_269, %rem3A_270 : i32
      %broadcast_in_dim3A_272 = arith.constant 1 : i32
      %broadcast_in_dim3A_273 = vector.broadcast %broadcast_in_dim3A_272 : i32 to vector<16x1xi32>
      %mul3A_274 = vector.broadcast %rem3A_271 : i32 to vector<16x1xi32>
      %mul3A_275 = arith.muli %mul3A_274, %broadcast_in_dim3A_273 : vector<16x1xi32>
      %gather3A = vector.shape_cast %mul3A_275 : vector<16x1xi32> to vector<16xi32>
      %gather3A_276 = tpu.dynamic_gather %get3A_267[%gather3A] in [0] : vector<16xi32>, vector<16xi32> -> vector<16xi32>
      %add3A_277 = arith.addi %gather3A_276, %add3A_24 : vector<16xi32>
      %mul3A_278 = arith.constant 64 : i32
      %mul3A_279 = arith.muli %add3A_269, %mul3A_278 : i32
      %add3A_280 = arith.constant 0 : i32
      %add3A_281 = arith.addi %mul3A_279, %add3A_280 : i32
      %swap3A_282 = arith.index_cast %add3A_281 : i32 to index
      %swap3A_283 = tpu.vector_load %arg10[%swap3A_282] {strides = array<i32>} : memref<16384xi32, #tpu.memory_space<vmem>>, vector<16xi32>,
      %swap3A_284 = vector.shape_cast %swap3A_283 : vector<16xi32> to vector<16xi32>
      %swap3A_285 = vector.shape_cast %add3A_277 : vector<16xi32> to vector<16xi32>
      tpu.vector_store %arg10[%swap3A_282], %swap3A_285 {strides = array<i32>} : memref<16384xi32, #tpu.memory_space<vmem>>, vector<16xi32>,
      %add3A_286 = arith.addi %gather3A_276, %add3A_31 : vector<16xi32>
      %mul3A_287 = arith.constant 64 : i32
      %mul3A_288 = arith.muli %add3A_269, %mul3A_287 : i32
      %add3A_289 = arith.constant 16 : i32
      %add3A_290 = arith.addi %mul3A_288, %add3A_289 : i32
      %swap3A_291 = arith.index_cast %add3A_290 : i32 to index
      %swap3A_292 = tpu.vector_load %arg10[%swap3A_291] {strides = array<i32>} : memref<16384xi32, #tpu.memory_space<vmem>>, vector<16xi32>,
      %swap3A_293 = vector.shape_cast %swap3A_292 : vector<16xi32> to vector<16xi32>
      %swap3A_294 = vector.shape_cast %add3A_286 : vector<16xi32> to vector<16xi32>
      tpu.vector_store %arg10[%swap3A_291], %swap3A_294 {strides = array<i32>} : memref<16384xi32, #tpu.memory_space<vmem>>, vector<16xi32>,
      %add3A_295 = arith.addi %gather3A_276, %add3A_38 : vector<16xi32>
      %mul3A_296 = arith.constant 64 : i32
      %mul3A_297 = arith.muli %add3A_269, %mul3A_296 : i32
      %add3A_298 = arith.constant 32 : i32
      %add3A_299 = arith.addi %mul3A_297, %add3A_298 : i32
      %swap3A_300 = arith.index_cast %add3A_299 : i32 to index
      %swap3A_301 = tpu.vector_load %arg10[%swap3A_300] {strides = array<i32>} : memref<16384xi32, #tpu.memory_space<vmem>>, vector<16xi32>,
      %swap3A_302 = vector.shape_cast %swap3A_301 : vector<16xi32> to vector<16xi32>
      %swap3A_303 = vector.shape_cast %add3A_295 : vector<16xi32> to vector<16xi32>
      tpu.vector_store %arg10[%swap3A_300], %swap3A_303 {strides = array<i32>} : memref<16384xi32, #tpu.memory_space<vmem>>, vector<16xi32>,
      %add3A_304 = arith.addi %gather3A_276, %add3A_45 : vector<16xi32>
      %mul3A_305 = arith.constant 64 : i32
      %mul3A_306 = arith.muli %add3A_269, %mul3A_305 : i32
      %add3A_307 = arith.constant 48 : i32
      %add3A_308 = arith.addi %mul3A_306, %add3A_307 : i32
      %swap3A_309 = arith.index_cast %add3A_308 : i32 to index
      %swap3A_310 = tpu.vector_load %arg10[%swap3A_309] {strides = array<i32>} : memref<16384xi32, #tpu.memory_space<vmem>>, vector<16xi32>,
      %swap3A_311 = vector.shape_cast %swap3A_310 : vector<16xi32> to vector<16xi32>
      %swap3A_312 = vector.shape_cast %add3A_304 : vector<16xi32> to vector<16xi32>
      tpu.vector_store %arg10[%swap3A_309], %swap3A_312 {strides = array<i32>} : memref<16384xi32, #tpu.memory_space<vmem>>, vector<16xi32>,
      %add3A_313 = arith.constant 1 : i32
      %add3A_314 = arith.addi %mul3A_247, %add3A_313 : i32
      %rem3A_315 = arith.constant 16 : i32
      %rem3A_316 = arith.remsi %add3A_314, %rem3A_315 : i32
      %broadcast_in_dim3A_317 = arith.constant 1 : i32
      %broadcast_in_dim3A_318 = vector.broadcast %broadcast_in_dim3A_317 : i32 to vector<16x1xi32>
      %mul3A_319 = vector.broadcast %rem3A_316 : i32 to vector<16x1xi32>
      %mul3A_320 = arith.muli %mul3A_319, %broadcast_in_dim3A_318 : vector<16x1xi32>
      %gather3A_321 = vector.shape_cast %mul3A_320 : vector<16x1xi32> to vector<16xi32>
      %gather3A_322 = tpu.dynamic_gather %get3A_267[%gather3A_321] in [0] : vector<16xi32>, vector<16xi32> -> vector<16xi32>
      %add3A_323 = arith.addi %gather3A_322, %add3A_24 : vector<16xi32>
      %mul3A_324 = arith.constant 64 : i32
      %mul3A_325 = arith.muli %add3A_314, %mul3A_324 : i32
      %add3A_326 = arith.constant 0 : i32
      %add3A_327 = arith.addi %mul3A_325, %add3A_326 : i32
      %swap3A_328 = arith.index_cast %add3A_327 : i32 to index
      %swap3A_329 = tpu.vector_load %arg10[%swap3A_328] {strides = array<i32>} : memref<16384xi32, #tpu.memory_space<vmem>>, vector<16xi32>,
      %swap3A_330 = vector.shape_cast %swap3A_329 : vector<16xi32> to vector<16xi32>
      %swap3A_331 = vector.shape_cast %add3A_323 : vector<16xi32> to vector<16xi32>
      tpu.vector_store %arg10[%swap3A_328], %swap3A_331 {strides = array<i32>} : memref<16384xi32, #tpu.memory_space<vmem>>, vector<16xi32>,
      %add3A_332 = arith.addi %gather3A_322, %add3A_31 : vector<16xi32>
      %mul3A_333 = arith.constant 64 : i32
      %mul3A_334 = arith.muli %add3A_314, %mul3A_333 : i32
      %add3A_335 = arith.constant 16 : i32
      %add3A_336 = arith.addi %mul3A_334, %add3A_335 : i32
      %swap3A_337 = arith.index_cast %add3A_336 : i32 to index
      %swap3A_338 = tpu.vector_load %arg10[%swap3A_337] {strides = array<i32>} : memref<16384xi32, #tpu.memory_space<vmem>>, vector<16xi32>,
      %swap3A_339 = vector.shape_cast %swap3A_338 : vector<16xi32> to vector<16xi32>
      %swap3A_340 = vector.shape_cast %add3A_332 : vector<16xi32> to vector<16xi32>
      tpu.vector_store %arg10[%swap3A_337], %swap3A_340 {strides = array<i32>} : memref<16384xi32, #tpu.memory_space<vmem>>, vector<16xi32>,
      %add3A_341 = arith.addi %gather3A_322, %add3A_38 : vector<16xi32>
      %mul3A_342 = arith.constant 64 : i32
      %mul3A_343 = arith.muli %add3A_314, %mul3A_342 : i32
      %add3A_344 = arith.constant 32 : i32
      %add3A_345 = arith.addi %mul3A_343, %add3A_344 : i32
      %swap3A_346 = arith.index_cast %add3A_345 : i32 to index
      %swap3A_347 = tpu.vector_load %arg10[%swap3A_346] {strides = array<i32>} : memref<16384xi32, #tpu.memory_space<vmem>>, vector<16xi32>,
      %swap3A_348 = vector.shape_cast %swap3A_347 : vector<16xi32> to vector<16xi32>
      %swap3A_349 = vector.shape_cast %add3A_341 : vector<16xi32> to vector<16xi32>
      tpu.vector_store %arg10[%swap3A_346], %swap3A_349 {strides = array<i32>} : memref<16384xi32, #tpu.memory_space<vmem>>, vector<16xi32>,
      %add3A_350 = arith.addi %gather3A_322, %add3A_45 : vector<16xi32>
      %mul3A_351 = arith.constant 64 : i32
      %mul3A_352 = arith.muli %add3A_314, %mul3A_351 : i32
      %add3A_353 = arith.constant 48 : i32
      %add3A_354 = arith.addi %mul3A_352, %add3A_353 : i32
      %swap3A_355 = arith.index_cast %add3A_354 : i32 to index
      %swap3A_356 = tpu.vector_load %arg10[%swap3A_355] {strides = array<i32>} : memref<16384xi32, #tpu.memory_space<vmem>>, vector<16xi32>,
      %swap3A_357 = vector.shape_cast %swap3A_356 : vector<16xi32> to vector<16xi32>
      %swap3A_358 = vector.shape_cast %add3A_350 : vector<16xi32> to vector<16xi32>
      tpu.vector_store %arg10[%swap3A_355], %swap3A_358 {strides = array<i32>} : memref<16384xi32, #tpu.memory_space<vmem>>, vector<16xi32>,
      %mul3A_359 = arith.constant 128 : i32
      %mul3A_360 = arith.muli %scan3A_244, %mul3A_359 : i32
      %mul3A_361 = arith.constant 128 : i32
      %mul3A_362 = arith.muli %scan3A_244, %mul3A_361 : i32
      %dma_start3A_363 = tpu.memref_slice %arg11[%mul3A_362] : memref<16384xf32, #tpu.memory_space<vmem>> -> memref<128xf32, #tpu.memory_space<vmem>>
      %dma_start3A_364 = tpu.memref_slice %arg10[%mul3A_360] : memref<16384xi32, #tpu.memory_space<vmem>> -> memref<128xi32, #tpu.memory_space<vmem>>
      %dma_start3A_365 = arith.constant 0 : i32
      %dma_start3A_366 = tpu.memref_slice %arg2[%dma_start3A_365] : memref<16777216xf32, #tpu.memory_space<hbm>> -> memref<16777216xf32, #tpu.memory_space<hbm>>
      tpu.enqueue_indirect_dma source(%dma_start3A_366 : memref<16777216xf32, #tpu.memory_space<hbm>>) target(%dma_start3A_363 : memref<128xf32, #tpu.memory_space<vmem>>) offsets(%dma_start3A_364 : memref<128xi32, #tpu.memory_space<vmem>>) semaphore(%arg17 : memref<!tpu.dma_semaphore, #tpu.memory_space<semaphore_mem>>)
      %scan3A_367 = arith.constant 0 : i32
      scf.yield %scan3A_367 : i32
    }
    %scan3A_66 = arith.constant 16 : i32
    %scan3A_67 = arith.constant 0 : i32
    %scan3A_68 = arith.constant 48 : i32
    %scan3A_69 = arith.constant 16 : i32
    %scan3A_70 = arith.addi %scan3A_68, %scan3A_69 : i32
    %scan3A_71 = arith.constant 1 : i32
    %scan3A_72 = scf.for %scan3A_244 = %scan3A_68 to %scan3A_70 step %scan3A_71 iter_args(%scan3A_245 = %scan3A_67) -> (i32)  : i32 {
      %mul3A_246 = arith.constant 2 : i32
      %mul3A_247 = arith.muli %scan3A_244, %mul3A_246 : i32
      %jit3A = arith.constant 16 : i32
      %div3A = arith.divsi %mul3A_247, %jit3A : i32
      %sign3A = arith.constant 0 : i32
      %sign3A_248 = arith.cmpi sgt, %mul3A_247, %sign3A : i32
      %sign3A_249 = arith.extui %sign3A_248 : i1 to i32
      %sign3A_250 = arith.constant 0 : i32
      %sign3A_251 = arith.cmpi slt, %mul3A_247, %sign3A_250 : i32
      %sign3A_252 = arith.extui %sign3A_251 : i1 to i32
      %sign3A_253 = arith.subi %sign3A_249, %sign3A_252 : i32
      %sign3A_254 = arith.constant 0 : i32
      %sign3A_255 = arith.cmpi sgt, %jit3A, %sign3A_254 : i32
      %sign3A_256 = arith.extui %sign3A_255 : i1 to i32
      %sign3A_257 = arith.constant 0 : i32
      %sign3A_258 = arith.cmpi slt, %jit3A, %sign3A_257 : i32
      %sign3A_259 = arith.extui %sign3A_258 : i1 to i32
      %sign3A_260 = arith.subi %sign3A_256, %sign3A_259 : i32
      %ne3A = arith.cmpi ne, %sign3A_253, %sign3A_260 : i32
      %rem3A = arith.remsi %mul3A_247, %jit3A : i32
      %ne3A_261 = arith.constant 0 : i32
      %ne3A_262 = arith.cmpi ne, %rem3A, %ne3A_261 : i32
      %and3A = arith.andi %ne3A, %ne3A_262 : i1
      %sub3A = arith.constant 1 : i32
      %sub3A_263 = arith.subi %div3A, %sub3A : i32
      %select_n3A = arith.select %and3A, %sub3A_263, %div3A : i32
      %mul3A_264 = arith.constant 16 : i32
      %mul3A_265 = arith.muli %select_n3A, %mul3A_264 : i32
      %get3A = arith.index_cast %mul3A_265 : i32 to index
      %get3A_266 = tpu.vector_load %arg9[%get3A] {strides = array<i32>} : memref<256xi32, #tpu.memory_space<vmem>>, vector<16xi32>,
      %get3A_267 = vector.shape_cast %get3A_266 : vector<16xi32> to vector<16xi32>
      %add3A_268 = arith.constant 0 : i32
      %add3A_269 = arith.addi %mul3A_247, %add3A_268 : i32
      %rem3A_270 = arith.constant 16 : i32
      %rem3A_271 = arith.remsi %add3A_269, %rem3A_270 : i32
      %broadcast_in_dim3A_272 = arith.constant 1 : i32
      %broadcast_in_dim3A_273 = vector.broadcast %broadcast_in_dim3A_272 : i32 to vector<16x1xi32>
      %mul3A_274 = vector.broadcast %rem3A_271 : i32 to vector<16x1xi32>
      %mul3A_275 = arith.muli %mul3A_274, %broadcast_in_dim3A_273 : vector<16x1xi32>
      %gather3A = vector.shape_cast %mul3A_275 : vector<16x1xi32> to vector<16xi32>
      %gather3A_276 = tpu.dynamic_gather %get3A_267[%gather3A] in [0] : vector<16xi32>, vector<16xi32> -> vector<16xi32>
      %add3A_277 = arith.addi %gather3A_276, %add3A_24 : vector<16xi32>
      %mul3A_278 = arith.constant 64 : i32
      %mul3A_279 = arith.muli %add3A_269, %mul3A_278 : i32
      %add3A_280 = arith.constant 0 : i32
      %add3A_281 = arith.addi %mul3A_279, %add3A_280 : i32
      %swap3A_282 = arith.index_cast %add3A_281 : i32 to index
      %swap3A_283 = tpu.vector_load %arg10[%swap3A_282] {strides = array<i32>} : memref<16384xi32, #tpu.memory_space<vmem>>, vector<16xi32>,
      %swap3A_284 = vector.shape_cast %swap3A_283 : vector<16xi32> to vector<16xi32>
      %swap3A_285 = vector.shape_cast %add3A_277 : vector<16xi32> to vector<16xi32>
      tpu.vector_store %arg10[%swap3A_282], %swap3A_285 {strides = array<i32>} : memref<16384xi32, #tpu.memory_space<vmem>>, vector<16xi32>,
      %add3A_286 = arith.addi %gather3A_276, %add3A_31 : vector<16xi32>
      %mul3A_287 = arith.constant 64 : i32
      %mul3A_288 = arith.muli %add3A_269, %mul3A_287 : i32
      %add3A_289 = arith.constant 16 : i32
      %add3A_290 = arith.addi %mul3A_288, %add3A_289 : i32
      %swap3A_291 = arith.index_cast %add3A_290 : i32 to index
      %swap3A_292 = tpu.vector_load %arg10[%swap3A_291] {strides = array<i32>} : memref<16384xi32, #tpu.memory_space<vmem>>, vector<16xi32>,
      %swap3A_293 = vector.shape_cast %swap3A_292 : vector<16xi32> to vector<16xi32>
      %swap3A_294 = vector.shape_cast %add3A_286 : vector<16xi32> to vector<16xi32>
      tpu.vector_store %arg10[%swap3A_291], %swap3A_294 {strides = array<i32>} : memref<16384xi32, #tpu.memory_space<vmem>>, vector<16xi32>,
      %add3A_295 = arith.addi %gather3A_276, %add3A_38 : vector<16xi32>
      %mul3A_296 = arith.constant 64 : i32
      %mul3A_297 = arith.muli %add3A_269, %mul3A_296 : i32
      %add3A_298 = arith.constant 32 : i32
      %add3A_299 = arith.addi %mul3A_297, %add3A_298 : i32
      %swap3A_300 = arith.index_cast %add3A_299 : i32 to index
      %swap3A_301 = tpu.vector_load %arg10[%swap3A_300] {strides = array<i32>} : memref<16384xi32, #tpu.memory_space<vmem>>, vector<16xi32>,
      %swap3A_302 = vector.shape_cast %swap3A_301 : vector<16xi32> to vector<16xi32>
      %swap3A_303 = vector.shape_cast %add3A_295 : vector<16xi32> to vector<16xi32>
      tpu.vector_store %arg10[%swap3A_300], %swap3A_303 {strides = array<i32>} : memref<16384xi32, #tpu.memory_space<vmem>>, vector<16xi32>,
      %add3A_304 = arith.addi %gather3A_276, %add3A_45 : vector<16xi32>
      %mul3A_305 = arith.constant 64 : i32
      %mul3A_306 = arith.muli %add3A_269, %mul3A_305 : i32
      %add3A_307 = arith.constant 48 : i32
      %add3A_308 = arith.addi %mul3A_306, %add3A_307 : i32
      %swap3A_309 = arith.index_cast %add3A_308 : i32 to index
      %swap3A_310 = tpu.vector_load %arg10[%swap3A_309] {strides = array<i32>} : memref<16384xi32, #tpu.memory_space<vmem>>, vector<16xi32>,
      %swap3A_311 = vector.shape_cast %swap3A_310 : vector<16xi32> to vector<16xi32>
      %swap3A_312 = vector.shape_cast %add3A_304 : vector<16xi32> to vector<16xi32>
      tpu.vector_store %arg10[%swap3A_309], %swap3A_312 {strides = array<i32>} : memref<16384xi32, #tpu.memory_space<vmem>>, vector<16xi32>,
      %add3A_313 = arith.constant 1 : i32
      %add3A_314 = arith.addi %mul3A_247, %add3A_313 : i32
      %rem3A_315 = arith.constant 16 : i32
      %rem3A_316 = arith.remsi %add3A_314, %rem3A_315 : i32
      %broadcast_in_dim3A_317 = arith.constant 1 : i32
      %broadcast_in_dim3A_318 = vector.broadcast %broadcast_in_dim3A_317 : i32 to vector<16x1xi32>
      %mul3A_319 = vector.broadcast %rem3A_316 : i32 to vector<16x1xi32>
      %mul3A_320 = arith.muli %mul3A_319, %broadcast_in_dim3A_318 : vector<16x1xi32>
      %gather3A_321 = vector.shape_cast %mul3A_320 : vector<16x1xi32> to vector<16xi32>
      %gather3A_322 = tpu.dynamic_gather %get3A_267[%gather3A_321] in [0] : vector<16xi32>, vector<16xi32> -> vector<16xi32>
      %add3A_323 = arith.addi %gather3A_322, %add3A_24 : vector<16xi32>
      %mul3A_324 = arith.constant 64 : i32
      %mul3A_325 = arith.muli %add3A_314, %mul3A_324 : i32
      %add3A_326 = arith.constant 0 : i32
      %add3A_327 = arith.addi %mul3A_325, %add3A_326 : i32
      %swap3A_328 = arith.index_cast %add3A_327 : i32 to index
      %swap3A_329 = tpu.vector_load %arg10[%swap3A_328] {strides = array<i32>} : memref<16384xi32, #tpu.memory_space<vmem>>, vector<16xi32>,
      %swap3A_330 = vector.shape_cast %swap3A_329 : vector<16xi32> to vector<16xi32>
      %swap3A_331 = vector.shape_cast %add3A_323 : vector<16xi32> to vector<16xi32>
      tpu.vector_store %arg10[%swap3A_328], %swap3A_331 {strides = array<i32>} : memref<16384xi32, #tpu.memory_space<vmem>>, vector<16xi32>,
      %add3A_332 = arith.addi %gather3A_322, %add3A_31 : vector<16xi32>
      %mul3A_333 = arith.constant 64 : i32
      %mul3A_334 = arith.muli %add3A_314, %mul3A_333 : i32
      %add3A_335 = arith.constant 16 : i32
      %add3A_336 = arith.addi %mul3A_334, %add3A_335 : i32
      %swap3A_337 = arith.index_cast %add3A_336 : i32 to index
      %swap3A_338 = tpu.vector_load %arg10[%swap3A_337] {strides = array<i32>} : memref<16384xi32, #tpu.memory_space<vmem>>, vector<16xi32>,
      %swap3A_339 = vector.shape_cast %swap3A_338 : vector<16xi32> to vector<16xi32>
      %swap3A_340 = vector.shape_cast %add3A_332 : vector<16xi32> to vector<16xi32>
      tpu.vector_store %arg10[%swap3A_337], %swap3A_340 {strides = array<i32>} : memref<16384xi32, #tpu.memory_space<vmem>>, vector<16xi32>,
      %add3A_341 = arith.addi %gather3A_322, %add3A_38 : vector<16xi32>
      %mul3A_342 = arith.constant 64 : i32
      %mul3A_343 = arith.muli %add3A_314, %mul3A_342 : i32
      %add3A_344 = arith.constant 32 : i32
      %add3A_345 = arith.addi %mul3A_343, %add3A_344 : i32
      %swap3A_346 = arith.index_cast %add3A_345 : i32 to index
      %swap3A_347 = tpu.vector_load %arg10[%swap3A_346] {strides = array<i32>} : memref<16384xi32, #tpu.memory_space<vmem>>, vector<16xi32>,
      %swap3A_348 = vector.shape_cast %swap3A_347 : vector<16xi32> to vector<16xi32>
      %swap3A_349 = vector.shape_cast %add3A_341 : vector<16xi32> to vector<16xi32>
      tpu.vector_store %arg10[%swap3A_346], %swap3A_349 {strides = array<i32>} : memref<16384xi32, #tpu.memory_space<vmem>>, vector<16xi32>,
      %add3A_350 = arith.addi %gather3A_322, %add3A_45 : vector<16xi32>
      %mul3A_351 = arith.constant 64 : i32
      %mul3A_352 = arith.muli %add3A_314, %mul3A_351 : i32
      %add3A_353 = arith.constant 48 : i32
      %add3A_354 = arith.addi %mul3A_352, %add3A_353 : i32
      %swap3A_355 = arith.index_cast %add3A_354 : i32 to index
      %swap3A_356 = tpu.vector_load %arg10[%swap3A_355] {strides = array<i32>} : memref<16384xi32, #tpu.memory_space<vmem>>, vector<16xi32>,
      %swap3A_357 = vector.shape_cast %swap3A_356 : vector<16xi32> to vector<16xi32>
      %swap3A_358 = vector.shape_cast %add3A_350 : vector<16xi32> to vector<16xi32>
      tpu.vector_store %arg10[%swap3A_355], %swap3A_358 {strides = array<i32>} : memref<16384xi32, #tpu.memory_space<vmem>>, vector<16xi32>,
      %mul3A_359 = arith.constant 128 : i32
      %mul3A_360 = arith.muli %scan3A_244, %mul3A_359 : i32
      %mul3A_361 = arith.constant 128 : i32
      %mul3A_362 = arith.muli %scan3A_244, %mul3A_361 : i32
      %dma_start3A_363 = tpu.memref_slice %arg11[%mul3A_362] : memref<16384xf32, #tpu.memory_space<vmem>> -> memref<128xf32, #tpu.memory_space<vmem>>
      %dma_start3A_364 = tpu.memref_slice %arg10[%mul3A_360] : memref<16384xi32, #tpu.memory_space<vmem>> -> memref<128xi32, #tpu.memory_space<vmem>>
      %dma_start3A_365 = arith.constant 0 : i32
      %dma_start3A_366 = tpu.memref_slice %arg2[%dma_start3A_365] : memref<16777216xf32, #tpu.memory_space<hbm>> -> memref<16777216xf32, #tpu.memory_space<hbm>>
      tpu.enqueue_indirect_dma source(%dma_start3A_366 : memref<16777216xf32, #tpu.memory_space<hbm>>) target(%dma_start3A_363 : memref<128xf32, #tpu.memory_space<vmem>>) offsets(%dma_start3A_364 : memref<128xi32, #tpu.memory_space<vmem>>) semaphore(%arg18 : memref<!tpu.dma_semaphore, #tpu.memory_space<semaphore_mem>>)
      %scan3A_367 = arith.constant 0 : i32
      scf.yield %scan3A_367 : i32
    }
    %scan3A_73 = arith.constant 16 : i32
    %scan3A_74 = arith.constant 0 : i32
    %scan3A_75 = arith.constant 64 : i32
    %scan3A_76 = arith.constant 16 : i32
    %scan3A_77 = arith.addi %scan3A_75, %scan3A_76 : i32
    %scan3A_78 = arith.constant 1 : i32
    %scan3A_79 = scf.for %scan3A_244 = %scan3A_75 to %scan3A_77 step %scan3A_78 iter_args(%scan3A_245 = %scan3A_74) -> (i32)  : i32 {
      %mul3A_246 = arith.constant 2 : i32
      %mul3A_247 = arith.muli %scan3A_244, %mul3A_246 : i32
      %jit3A = arith.constant 16 : i32
      %div3A = arith.divsi %mul3A_247, %jit3A : i32
      %sign3A = arith.constant 0 : i32
      %sign3A_248 = arith.cmpi sgt, %mul3A_247, %sign3A : i32
      %sign3A_249 = arith.extui %sign3A_248 : i1 to i32
      %sign3A_250 = arith.constant 0 : i32
      %sign3A_251 = arith.cmpi slt, %mul3A_247, %sign3A_250 : i32
      %sign3A_252 = arith.extui %sign3A_251 : i1 to i32
      %sign3A_253 = arith.subi %sign3A_249, %sign3A_252 : i32
      %sign3A_254 = arith.constant 0 : i32
      %sign3A_255 = arith.cmpi sgt, %jit3A, %sign3A_254 : i32
      %sign3A_256 = arith.extui %sign3A_255 : i1 to i32
      %sign3A_257 = arith.constant 0 : i32
      %sign3A_258 = arith.cmpi slt, %jit3A, %sign3A_257 : i32
      %sign3A_259 = arith.extui %sign3A_258 : i1 to i32
      %sign3A_260 = arith.subi %sign3A_256, %sign3A_259 : i32
      %ne3A = arith.cmpi ne, %sign3A_253, %sign3A_260 : i32
      %rem3A = arith.remsi %mul3A_247, %jit3A : i32
      %ne3A_261 = arith.constant 0 : i32
      %ne3A_262 = arith.cmpi ne, %rem3A, %ne3A_261 : i32
      %and3A = arith.andi %ne3A, %ne3A_262 : i1
      %sub3A = arith.constant 1 : i32
      %sub3A_263 = arith.subi %div3A, %sub3A : i32
      %select_n3A = arith.select %and3A, %sub3A_263, %div3A : i32
      %mul3A_264 = arith.constant 16 : i32
      %mul3A_265 = arith.muli %select_n3A, %mul3A_264 : i32
      %get3A = arith.index_cast %mul3A_265 : i32 to index
      %get3A_266 = tpu.vector_load %arg9[%get3A] {strides = array<i32>} : memref<256xi32, #tpu.memory_space<vmem>>, vector<16xi32>,
      %get3A_267 = vector.shape_cast %get3A_266 : vector<16xi32> to vector<16xi32>
      %add3A_268 = arith.constant 0 : i32
      %add3A_269 = arith.addi %mul3A_247, %add3A_268 : i32
      %rem3A_270 = arith.constant 16 : i32
      %rem3A_271 = arith.remsi %add3A_269, %rem3A_270 : i32
      %broadcast_in_dim3A_272 = arith.constant 1 : i32
      %broadcast_in_dim3A_273 = vector.broadcast %broadcast_in_dim3A_272 : i32 to vector<16x1xi32>
      %mul3A_274 = vector.broadcast %rem3A_271 : i32 to vector<16x1xi32>
      %mul3A_275 = arith.muli %mul3A_274, %broadcast_in_dim3A_273 : vector<16x1xi32>
      %gather3A = vector.shape_cast %mul3A_275 : vector<16x1xi32> to vector<16xi32>
      %gather3A_276 = tpu.dynamic_gather %get3A_267[%gather3A] in [0] : vector<16xi32>, vector<16xi32> -> vector<16xi32>
      %add3A_277 = arith.addi %gather3A_276, %add3A_24 : vector<16xi32>
      %mul3A_278 = arith.constant 64 : i32
      %mul3A_279 = arith.muli %add3A_269, %mul3A_278 : i32
      %add3A_280 = arith.constant 0 : i32
      %add3A_281 = arith.addi %mul3A_279, %add3A_280 : i32
      %swap3A_282 = arith.index_cast %add3A_281 : i32 to index
      %swap3A_283 = tpu.vector_load %arg10[%swap3A_282] {strides = array<i32>} : memref<16384xi32, #tpu.memory_space<vmem>>, vector<16xi32>,
      %swap3A_284 = vector.shape_cast %swap3A_283 : vector<16xi32> to vector<16xi32>
      %swap3A_285 = vector.shape_cast %add3A_277 : vector<16xi32> to vector<16xi32>
      tpu.vector_store %arg10[%swap3A_282], %swap3A_285 {strides = array<i32>} : memref<16384xi32, #tpu.memory_space<vmem>>, vector<16xi32>,
      %add3A_286 = arith.addi %gather3A_276, %add3A_31 : vector<16xi32>
      %mul3A_287 = arith.constant 64 : i32
      %mul3A_288 = arith.muli %add3A_269, %mul3A_287 : i32
      %add3A_289 = arith.constant 16 : i32
      %add3A_290 = arith.addi %mul3A_288, %add3A_289 : i32
      %swap3A_291 = arith.index_cast %add3A_290 : i32 to index
      %swap3A_292 = tpu.vector_load %arg10[%swap3A_291] {strides = array<i32>} : memref<16384xi32, #tpu.memory_space<vmem>>, vector<16xi32>,
      %swap3A_293 = vector.shape_cast %swap3A_292 : vector<16xi32> to vector<16xi32>
      %swap3A_294 = vector.shape_cast %add3A_286 : vector<16xi32> to vector<16xi32>
      tpu.vector_store %arg10[%swap3A_291], %swap3A_294 {strides = array<i32>} : memref<16384xi32, #tpu.memory_space<vmem>>, vector<16xi32>,
      %add3A_295 = arith.addi %gather3A_276, %add3A_38 : vector<16xi32>
      %mul3A_296 = arith.constant 64 : i32
      %mul3A_297 = arith.muli %add3A_269, %mul3A_296 : i32
      %add3A_298 = arith.constant 32 : i32
      %add3A_299 = arith.addi %mul3A_297, %add3A_298 : i32
      %swap3A_300 = arith.index_cast %add3A_299 : i32 to index
      %swap3A_301 = tpu.vector_load %arg10[%swap3A_300] {strides = array<i32>} : memref<16384xi32, #tpu.memory_space<vmem>>, vector<16xi32>,
      %swap3A_302 = vector.shape_cast %swap3A_301 : vector<16xi32> to vector<16xi32>
      %swap3A_303 = vector.shape_cast %add3A_295 : vector<16xi32> to vector<16xi32>
      tpu.vector_store %arg10[%swap3A_300], %swap3A_303 {strides = array<i32>} : memref<16384xi32, #tpu.memory_space<vmem>>, vector<16xi32>,
      %add3A_304 = arith.addi %gather3A_276, %add3A_45 : vector<16xi32>
      %mul3A_305 = arith.constant 64 : i32
      %mul3A_306 = arith.muli %add3A_269, %mul3A_305 : i32
      %add3A_307 = arith.constant 48 : i32
      %add3A_308 = arith.addi %mul3A_306, %add3A_307 : i32
      %swap3A_309 = arith.index_cast %add3A_308 : i32 to index
      %swap3A_310 = tpu.vector_load %arg10[%swap3A_309] {strides = array<i32>} : memref<16384xi32, #tpu.memory_space<vmem>>, vector<16xi32>,
      %swap3A_311 = vector.shape_cast %swap3A_310 : vector<16xi32> to vector<16xi32>
      %swap3A_312 = vector.shape_cast %add3A_304 : vector<16xi32> to vector<16xi32>
      tpu.vector_store %arg10[%swap3A_309], %swap3A_312 {strides = array<i32>} : memref<16384xi32, #tpu.memory_space<vmem>>, vector<16xi32>,
      %add3A_313 = arith.constant 1 : i32
      %add3A_314 = arith.addi %mul3A_247, %add3A_313 : i32
      %rem3A_315 = arith.constant 16 : i32
      %rem3A_316 = arith.remsi %add3A_314, %rem3A_315 : i32
      %broadcast_in_dim3A_317 = arith.constant 1 : i32
      %broadcast_in_dim3A_318 = vector.broadcast %broadcast_in_dim3A_317 : i32 to vector<16x1xi32>
      %mul3A_319 = vector.broadcast %rem3A_316 : i32 to vector<16x1xi32>
      %mul3A_320 = arith.muli %mul3A_319, %broadcast_in_dim3A_318 : vector<16x1xi32>
      %gather3A_321 = vector.shape_cast %mul3A_320 : vector<16x1xi32> to vector<16xi32>
      %gather3A_322 = tpu.dynamic_gather %get3A_267[%gather3A_321] in [0] : vector<16xi32>, vector<16xi32> -> vector<16xi32>
      %add3A_323 = arith.addi %gather3A_322, %add3A_24 : vector<16xi32>
      %mul3A_324 = arith.constant 64 : i32
      %mul3A_325 = arith.muli %add3A_314, %mul3A_324 : i32
      %add3A_326 = arith.constant 0 : i32
      %add3A_327 = arith.addi %mul3A_325, %add3A_326 : i32
      %swap3A_328 = arith.index_cast %add3A_327 : i32 to index
      %swap3A_329 = tpu.vector_load %arg10[%swap3A_328] {strides = array<i32>} : memref<16384xi32, #tpu.memory_space<vmem>>, vector<16xi32>,
      %swap3A_330 = vector.shape_cast %swap3A_329 : vector<16xi32> to vector<16xi32>
      %swap3A_331 = vector.shape_cast %add3A_323 : vector<16xi32> to vector<16xi32>
      tpu.vector_store %arg10[%swap3A_328], %swap3A_331 {strides = array<i32>} : memref<16384xi32, #tpu.memory_space<vmem>>, vector<16xi32>,
      %add3A_332 = arith.addi %gather3A_322, %add3A_31 : vector<16xi32>
      %mul3A_333 = arith.constant 64 : i32
      %mul3A_334 = arith.muli %add3A_314, %mul3A_333 : i32
      %add3A_335 = arith.constant 16 : i32
      %add3A_336 = arith.addi %mul3A_334, %add3A_335 : i32
      %swap3A_337 = arith.index_cast %add3A_336 : i32 to index
      %swap3A_338 = tpu.vector_load %arg10[%swap3A_337] {strides = array<i32>} : memref<16384xi32, #tpu.memory_space<vmem>>, vector<16xi32>,
      %swap3A_339 = vector.shape_cast %swap3A_338 : vector<16xi32> to vector<16xi32>
      %swap3A_340 = vector.shape_cast %add3A_332 : vector<16xi32> to vector<16xi32>
      tpu.vector_store %arg10[%swap3A_337], %swap3A_340 {strides = array<i32>} : memref<16384xi32, #tpu.memory_space<vmem>>, vector<16xi32>,
      %add3A_341 = arith.addi %gather3A_322, %add3A_38 : vector<16xi32>
      %mul3A_342 = arith.constant 64 : i32
      %mul3A_343 = arith.muli %add3A_314, %mul3A_342 : i32
      %add3A_344 = arith.constant 32 : i32
      %add3A_345 = arith.addi %mul3A_343, %add3A_344 : i32
      %swap3A_346 = arith.index_cast %add3A_345 : i32 to index
      %swap3A_347 = tpu.vector_load %arg10[%swap3A_346] {strides = array<i32>} : memref<16384xi32, #tpu.memory_space<vmem>>, vector<16xi32>,
      %swap3A_348 = vector.shape_cast %swap3A_347 : vector<16xi32> to vector<16xi32>
      %swap3A_349 = vector.shape_cast %add3A_341 : vector<16xi32> to vector<16xi32>
      tpu.vector_store %arg10[%swap3A_346], %swap3A_349 {strides = array<i32>} : memref<16384xi32, #tpu.memory_space<vmem>>, vector<16xi32>,
      %add3A_350 = arith.addi %gather3A_322, %add3A_45 : vector<16xi32>
      %mul3A_351 = arith.constant 64 : i32
      %mul3A_352 = arith.muli %add3A_314, %mul3A_351 : i32
      %add3A_353 = arith.constant 48 : i32
      %add3A_354 = arith.addi %mul3A_352, %add3A_353 : i32
      %swap3A_355 = arith.index_cast %add3A_354 : i32 to index
      %swap3A_356 = tpu.vector_load %arg10[%swap3A_355] {strides = array<i32>} : memref<16384xi32, #tpu.memory_space<vmem>>, vector<16xi32>,
      %swap3A_357 = vector.shape_cast %swap3A_356 : vector<16xi32> to vector<16xi32>
      %swap3A_358 = vector.shape_cast %add3A_350 : vector<16xi32> to vector<16xi32>
      tpu.vector_store %arg10[%swap3A_355], %swap3A_358 {strides = array<i32>} : memref<16384xi32, #tpu.memory_space<vmem>>, vector<16xi32>,
      %mul3A_359 = arith.constant 128 : i32
      %mul3A_360 = arith.muli %scan3A_244, %mul3A_359 : i32
      %mul3A_361 = arith.constant 128 : i32
      %mul3A_362 = arith.muli %scan3A_244, %mul3A_361 : i32
      %dma_start3A_363 = tpu.memref_slice %arg11[%mul3A_362] : memref<16384xf32, #tpu.memory_space<vmem>> -> memref<128xf32, #tpu.memory_space<vmem>>
      %dma_start3A_364 = tpu.memref_slice %arg10[%mul3A_360] : memref<16384xi32, #tpu.memory_space<vmem>> -> memref<128xi32, #tpu.memory_space<vmem>>
      %dma_start3A_365 = arith.constant 0 : i32
      %dma_start3A_366 = tpu.memref_slice %arg2[%dma_start3A_365] : memref<16777216xf32, #tpu.memory_space<hbm>> -> memref<16777216xf32, #tpu.memory_space<hbm>>
      tpu.enqueue_indirect_dma source(%dma_start3A_366 : memref<16777216xf32, #tpu.memory_space<hbm>>) target(%dma_start3A_363 : memref<128xf32, #tpu.memory_space<vmem>>) offsets(%dma_start3A_364 : memref<128xi32, #tpu.memory_space<vmem>>) semaphore(%arg19 : memref<!tpu.dma_semaphore, #tpu.memory_space<semaphore_mem>>)
      %scan3A_367 = arith.constant 0 : i32
      scf.yield %scan3A_367 : i32
    }
    %scan3A_80 = arith.constant 16 : i32
    %scan3A_81 = arith.constant 0 : i32
    %scan3A_82 = arith.constant 80 : i32
    %scan3A_83 = arith.constant 16 : i32
    %scan3A_84 = arith.addi %scan3A_82, %scan3A_83 : i32
    %scan3A_85 = arith.constant 1 : i32
    %scan3A_86 = scf.for %scan3A_244 = %scan3A_82 to %scan3A_84 step %scan3A_85 iter_args(%scan3A_245 = %scan3A_81) -> (i32)  : i32 {
      %mul3A_246 = arith.constant 2 : i32
      %mul3A_247 = arith.muli %scan3A_244, %mul3A_246 : i32
      %jit3A = arith.constant 16 : i32
      %div3A = arith.divsi %mul3A_247, %jit3A : i32
      %sign3A = arith.constant 0 : i32
      %sign3A_248 = arith.cmpi sgt, %mul3A_247, %sign3A : i32
      %sign3A_249 = arith.extui %sign3A_248 : i1 to i32
      %sign3A_250 = arith.constant 0 : i32
      %sign3A_251 = arith.cmpi slt, %mul3A_247, %sign3A_250 : i32
      %sign3A_252 = arith.extui %sign3A_251 : i1 to i32
      %sign3A_253 = arith.subi %sign3A_249, %sign3A_252 : i32
      %sign3A_254 = arith.constant 0 : i32
      %sign3A_255 = arith.cmpi sgt, %jit3A, %sign3A_254 : i32
      %sign3A_256 = arith.extui %sign3A_255 : i1 to i32
      %sign3A_257 = arith.constant 0 : i32
      %sign3A_258 = arith.cmpi slt, %jit3A, %sign3A_257 : i32
      %sign3A_259 = arith.extui %sign3A_258 : i1 to i32
      %sign3A_260 = arith.subi %sign3A_256, %sign3A_259 : i32
      %ne3A = arith.cmpi ne, %sign3A_253, %sign3A_260 : i32
      %rem3A = arith.remsi %mul3A_247, %jit3A : i32
      %ne3A_261 = arith.constant 0 : i32
      %ne3A_262 = arith.cmpi ne, %rem3A, %ne3A_261 : i32
      %and3A = arith.andi %ne3A, %ne3A_262 : i1
      %sub3A = arith.constant 1 : i32
      %sub3A_263 = arith.subi %div3A, %sub3A : i32
      %select_n3A = arith.select %and3A, %sub3A_263, %div3A : i32
      %mul3A_264 = arith.constant 16 : i32
      %mul3A_265 = arith.muli %select_n3A, %mul3A_264 : i32
      %get3A = arith.index_cast %mul3A_265 : i32 to index
      %get3A_266 = tpu.vector_load %arg9[%get3A] {strides = array<i32>} : memref<256xi32, #tpu.memory_space<vmem>>, vector<16xi32>,
      %get3A_267 = vector.shape_cast %get3A_266 : vector<16xi32> to vector<16xi32>
      %add3A_268 = arith.constant 0 : i32
      %add3A_269 = arith.addi %mul3A_247, %add3A_268 : i32
      %rem3A_270 = arith.constant 16 : i32
      %rem3A_271 = arith.remsi %add3A_269, %rem3A_270 : i32
      %broadcast_in_dim3A_272 = arith.constant 1 : i32
      %broadcast_in_dim3A_273 = vector.broadcast %broadcast_in_dim3A_272 : i32 to vector<16x1xi32>
      %mul3A_274 = vector.broadcast %rem3A_271 : i32 to vector<16x1xi32>
      %mul3A_275 = arith.muli %mul3A_274, %broadcast_in_dim3A_273 : vector<16x1xi32>
      %gather3A = vector.shape_cast %mul3A_275 : vector<16x1xi32> to vector<16xi32>
      %gather3A_276 = tpu.dynamic_gather %get3A_267[%gather3A] in [0] : vector<16xi32>, vector<16xi32> -> vector<16xi32>
      %add3A_277 = arith.addi %gather3A_276, %add3A_24 : vector<16xi32>
      %mul3A_278 = arith.constant 64 : i32
      %mul3A_279 = arith.muli %add3A_269, %mul3A_278 : i32
      %add3A_280 = arith.constant 0 : i32
      %add3A_281 = arith.addi %mul3A_279, %add3A_280 : i32
      %swap3A_282 = arith.index_cast %add3A_281 : i32 to index
      %swap3A_283 = tpu.vector_load %arg10[%swap3A_282] {strides = array<i32>} : memref<16384xi32, #tpu.memory_space<vmem>>, vector<16xi32>,
      %swap3A_284 = vector.shape_cast %swap3A_283 : vector<16xi32> to vector<16xi32>
      %swap3A_285 = vector.shape_cast %add3A_277 : vector<16xi32> to vector<16xi32>
      tpu.vector_store %arg10[%swap3A_282], %swap3A_285 {strides = array<i32>} : memref<16384xi32, #tpu.memory_space<vmem>>, vector<16xi32>,
      %add3A_286 = arith.addi %gather3A_276, %add3A_31 : vector<16xi32>
      %mul3A_287 = arith.constant 64 : i32
      %mul3A_288 = arith.muli %add3A_269, %mul3A_287 : i32
      %add3A_289 = arith.constant 16 : i32
      %add3A_290 = arith.addi %mul3A_288, %add3A_289 : i32
      %swap3A_291 = arith.index_cast %add3A_290 : i32 to index
      %swap3A_292 = tpu.vector_load %arg10[%swap3A_291] {strides = array<i32>} : memref<16384xi32, #tpu.memory_space<vmem>>, vector<16xi32>,
      %swap3A_293 = vector.shape_cast %swap3A_292 : vector<16xi32> to vector<16xi32>
      %swap3A_294 = vector.shape_cast %add3A_286 : vector<16xi32> to vector<16xi32>
      tpu.vector_store %arg10[%swap3A_291], %swap3A_294 {strides = array<i32>} : memref<16384xi32, #tpu.memory_space<vmem>>, vector<16xi32>,
      %add3A_295 = arith.addi %gather3A_276, %add3A_38 : vector<16xi32>
      %mul3A_296 = arith.constant 64 : i32
      %mul3A_297 = arith.muli %add3A_269, %mul3A_296 : i32
      %add3A_298 = arith.constant 32 : i32
      %add3A_299 = arith.addi %mul3A_297, %add3A_298 : i32
      %swap3A_300 = arith.index_cast %add3A_299 : i32 to index
      %swap3A_301 = tpu.vector_load %arg10[%swap3A_300] {strides = array<i32>} : memref<16384xi32, #tpu.memory_space<vmem>>, vector<16xi32>,
      %swap3A_302 = vector.shape_cast %swap3A_301 : vector<16xi32> to vector<16xi32>
      %swap3A_303 = vector.shape_cast %add3A_295 : vector<16xi32> to vector<16xi32>
      tpu.vector_store %arg10[%swap3A_300], %swap3A_303 {strides = array<i32>} : memref<16384xi32, #tpu.memory_space<vmem>>, vector<16xi32>,
      %add3A_304 = arith.addi %gather3A_276, %add3A_45 : vector<16xi32>
      %mul3A_305 = arith.constant 64 : i32
      %mul3A_306 = arith.muli %add3A_269, %mul3A_305 : i32
      %add3A_307 = arith.constant 48 : i32
      %add3A_308 = arith.addi %mul3A_306, %add3A_307 : i32
      %swap3A_309 = arith.index_cast %add3A_308 : i32 to index
      %swap3A_310 = tpu.vector_load %arg10[%swap3A_309] {strides = array<i32>} : memref<16384xi32, #tpu.memory_space<vmem>>, vector<16xi32>,
      %swap3A_311 = vector.shape_cast %swap3A_310 : vector<16xi32> to vector<16xi32>
      %swap3A_312 = vector.shape_cast %add3A_304 : vector<16xi32> to vector<16xi32>
      tpu.vector_store %arg10[%swap3A_309], %swap3A_312 {strides = array<i32>} : memref<16384xi32, #tpu.memory_space<vmem>>, vector<16xi32>,
      %add3A_313 = arith.constant 1 : i32
      %add3A_314 = arith.addi %mul3A_247, %add3A_313 : i32
      %rem3A_315 = arith.constant 16 : i32
      %rem3A_316 = arith.remsi %add3A_314, %rem3A_315 : i32
      %broadcast_in_dim3A_317 = arith.constant 1 : i32
      %broadcast_in_dim3A_318 = vector.broadcast %broadcast_in_dim3A_317 : i32 to vector<16x1xi32>
      %mul3A_319 = vector.broadcast %rem3A_316 : i32 to vector<16x1xi32>
      %mul3A_320 = arith.muli %mul3A_319, %broadcast_in_dim3A_318 : vector<16x1xi32>
      %gather3A_321 = vector.shape_cast %mul3A_320 : vector<16x1xi32> to vector<16xi32>
      %gather3A_322 = tpu.dynamic_gather %get3A_267[%gather3A_321] in [0] : vector<16xi32>, vector<16xi32> -> vector<16xi32>
      %add3A_323 = arith.addi %gather3A_322, %add3A_24 : vector<16xi32>
      %mul3A_324 = arith.constant 64 : i32
      %mul3A_325 = arith.muli %add3A_314, %mul3A_324 : i32
      %add3A_326 = arith.constant 0 : i32
      %add3A_327 = arith.addi %mul3A_325, %add3A_326 : i32
      %swap3A_328 = arith.index_cast %add3A_327 : i32 to index
      %swap3A_329 = tpu.vector_load %arg10[%swap3A_328] {strides = array<i32>} : memref<16384xi32, #tpu.memory_space<vmem>>, vector<16xi32>,
      %swap3A_330 = vector.shape_cast %swap3A_329 : vector<16xi32> to vector<16xi32>
      %swap3A_331 = vector.shape_cast %add3A_323 : vector<16xi32> to vector<16xi32>
      tpu.vector_store %arg10[%swap3A_328], %swap3A_331 {strides = array<i32>} : memref<16384xi32, #tpu.memory_space<vmem>>, vector<16xi32>,
      %add3A_332 = arith.addi %gather3A_322, %add3A_31 : vector<16xi32>
      %mul3A_333 = arith.constant 64 : i32
      %mul3A_334 = arith.muli %add3A_314, %mul3A_333 : i32
      %add3A_335 = arith.constant 16 : i32
      %add3A_336 = arith.addi %mul3A_334, %add3A_335 : i32
      %swap3A_337 = arith.index_cast %add3A_336 : i32 to index
      %swap3A_338 = tpu.vector_load %arg10[%swap3A_337] {strides = array<i32>} : memref<16384xi32, #tpu.memory_space<vmem>>, vector<16xi32>,
      %swap3A_339 = vector.shape_cast %swap3A_338 : vector<16xi32> to vector<16xi32>
      %swap3A_340 = vector.shape_cast %add3A_332 : vector<16xi32> to vector<16xi32>
      tpu.vector_store %arg10[%swap3A_337], %swap3A_340 {strides = array<i32>} : memref<16384xi32, #tpu.memory_space<vmem>>, vector<16xi32>,
      %add3A_341 = arith.addi %gather3A_322, %add3A_38 : vector<16xi32>
      %mul3A_342 = arith.constant 64 : i32
      %mul3A_343 = arith.muli %add3A_314, %mul3A_342 : i32
      %add3A_344 = arith.constant 32 : i32
      %add3A_345 = arith.addi %mul3A_343, %add3A_344 : i32
      %swap3A_346 = arith.index_cast %add3A_345 : i32 to index
      %swap3A_347 = tpu.vector_load %arg10[%swap3A_346] {strides = array<i32>} : memref<16384xi32, #tpu.memory_space<vmem>>, vector<16xi32>,
      %swap3A_348 = vector.shape_cast %swap3A_347 : vector<16xi32> to vector<16xi32>
      %swap3A_349 = vector.shape_cast %add3A_341 : vector<16xi32> to vector<16xi32>
      tpu.vector_store %arg10[%swap3A_346], %swap3A_349 {strides = array<i32>} : memref<16384xi32, #tpu.memory_space<vmem>>, vector<16xi32>,
      %add3A_350 = arith.addi %gather3A_322, %add3A_45 : vector<16xi32>
      %mul3A_351 = arith.constant 64 : i32
      %mul3A_352 = arith.muli %add3A_314, %mul3A_351 : i32
      %add3A_353 = arith.constant 48 : i32
      %add3A_354 = arith.addi %mul3A_352, %add3A_353 : i32
      %swap3A_355 = arith.index_cast %add3A_354 : i32 to index
      %swap3A_356 = tpu.vector_load %arg10[%swap3A_355] {strides = array<i32>} : memref<16384xi32, #tpu.memory_space<vmem>>, vector<16xi32>,
      %swap3A_357 = vector.shape_cast %swap3A_356 : vector<16xi32> to vector<16xi32>
      %swap3A_358 = vector.shape_cast %add3A_350 : vector<16xi32> to vector<16xi32>
      tpu.vector_store %arg10[%swap3A_355], %swap3A_358 {strides = array<i32>} : memref<16384xi32, #tpu.memory_space<vmem>>, vector<16xi32>,
      %mul3A_359 = arith.constant 128 : i32
      %mul3A_360 = arith.muli %scan3A_244, %mul3A_359 : i32
      %mul3A_361 = arith.constant 128 : i32
      %mul3A_362 = arith.muli %scan3A_244, %mul3A_361 : i32
      %dma_start3A_363 = tpu.memref_slice %arg11[%mul3A_362] : memref<16384xf32, #tpu.memory_space<vmem>> -> memref<128xf32, #tpu.memory_space<vmem>>
      %dma_start3A_364 = tpu.memref_slice %arg10[%mul3A_360] : memref<16384xi32, #tpu.memory_space<vmem>> -> memref<128xi32, #tpu.memory_space<vmem>>
      %dma_start3A_365 = arith.constant 0 : i32
      %dma_start3A_366 = tpu.memref_slice %arg2[%dma_start3A_365] : memref<16777216xf32, #tpu.memory_space<hbm>> -> memref<16777216xf32, #tpu.memory_space<hbm>>
      tpu.enqueue_indirect_dma source(%dma_start3A_366 : memref<16777216xf32, #tpu.memory_space<hbm>>) target(%dma_start3A_363 : memref<128xf32, #tpu.memory_space<vmem>>) offsets(%dma_start3A_364 : memref<128xi32, #tpu.memory_space<vmem>>) semaphore(%arg20 : memref<!tpu.dma_semaphore, #tpu.memory_space<semaphore_mem>>)
      %scan3A_367 = arith.constant 0 : i32
      scf.yield %scan3A_367 : i32
    }
    %scan3A_87 = arith.constant 16 : i32
    %scan3A_88 = arith.constant 0 : i32
    %scan3A_89 = arith.constant 96 : i32
    %scan3A_90 = arith.constant 16 : i32
    %scan3A_91 = arith.addi %scan3A_89, %scan3A_90 : i32
    %scan3A_92 = arith.constant 1 : i32
    %scan3A_93 = scf.for %scan3A_244 = %scan3A_89 to %scan3A_91 step %scan3A_92 iter_args(%scan3A_245 = %scan3A_88) -> (i32)  : i32 {
      %mul3A_246 = arith.constant 2 : i32
      %mul3A_247 = arith.muli %scan3A_244, %mul3A_246 : i32
      %jit3A = arith.constant 16 : i32
      %div3A = arith.divsi %mul3A_247, %jit3A : i32
      %sign3A = arith.constant 0 : i32
      %sign3A_248 = arith.cmpi sgt, %mul3A_247, %sign3A : i32
      %sign3A_249 = arith.extui %sign3A_248 : i1 to i32
      %sign3A_250 = arith.constant 0 : i32
      %sign3A_251 = arith.cmpi slt, %mul3A_247, %sign3A_250 : i32
      %sign3A_252 = arith.extui %sign3A_251 : i1 to i32
      %sign3A_253 = arith.subi %sign3A_249, %sign3A_252 : i32
      %sign3A_254 = arith.constant 0 : i32
      %sign3A_255 = arith.cmpi sgt, %jit3A, %sign3A_254 : i32
      %sign3A_256 = arith.extui %sign3A_255 : i1 to i32
      %sign3A_257 = arith.constant 0 : i32
      %sign3A_258 = arith.cmpi slt, %jit3A, %sign3A_257 : i32
      %sign3A_259 = arith.extui %sign3A_258 : i1 to i32
      %sign3A_260 = arith.subi %sign3A_256, %sign3A_259 : i32
      %ne3A = arith.cmpi ne, %sign3A_253, %sign3A_260 : i32
      %rem3A = arith.remsi %mul3A_247, %jit3A : i32
      %ne3A_261 = arith.constant 0 : i32
      %ne3A_262 = arith.cmpi ne, %rem3A, %ne3A_261 : i32
      %and3A = arith.andi %ne3A, %ne3A_262 : i1
      %sub3A = arith.constant 1 : i32
      %sub3A_263 = arith.subi %div3A, %sub3A : i32
      %select_n3A = arith.select %and3A, %sub3A_263, %div3A : i32
      %mul3A_264 = arith.constant 16 : i32
      %mul3A_265 = arith.muli %select_n3A, %mul3A_264 : i32
      %get3A = arith.index_cast %mul3A_265 : i32 to index
      %get3A_266 = tpu.vector_load %arg9[%get3A] {strides = array<i32>} : memref<256xi32, #tpu.memory_space<vmem>>, vector<16xi32>,
      %get3A_267 = vector.shape_cast %get3A_266 : vector<16xi32> to vector<16xi32>
      %add3A_268 = arith.constant 0 : i32
      %add3A_269 = arith.addi %mul3A_247, %add3A_268 : i32
      %rem3A_270 = arith.constant 16 : i32
      %rem3A_271 = arith.remsi %add3A_269, %rem3A_270 : i32
      %broadcast_in_dim3A_272 = arith.constant 1 : i32
      %broadcast_in_dim3A_273 = vector.broadcast %broadcast_in_dim3A_272 : i32 to vector<16x1xi32>
      %mul3A_274 = vector.broadcast %rem3A_271 : i32 to vector<16x1xi32>
      %mul3A_275 = arith.muli %mul3A_274, %broadcast_in_dim3A_273 : vector<16x1xi32>
      %gather3A = vector.shape_cast %mul3A_275 : vector<16x1xi32> to vector<16xi32>
      %gather3A_276 = tpu.dynamic_gather %get3A_267[%gather3A] in [0] : vector<16xi32>, vector<16xi32> -> vector<16xi32>
      %add3A_277 = arith.addi %gather3A_276, %add3A_24 : vector<16xi32>
      %mul3A_278 = arith.constant 64 : i32
      %mul3A_279 = arith.muli %add3A_269, %mul3A_278 : i32
      %add3A_280 = arith.constant 0 : i32
      %add3A_281 = arith.addi %mul3A_279, %add3A_280 : i32
      %swap3A_282 = arith.index_cast %add3A_281 : i32 to index
      %swap3A_283 = tpu.vector_load %arg10[%swap3A_282] {strides = array<i32>} : memref<16384xi32, #tpu.memory_space<vmem>>, vector<16xi32>,
      %swap3A_284 = vector.shape_cast %swap3A_283 : vector<16xi32> to vector<16xi32>
      %swap3A_285 = vector.shape_cast %add3A_277 : vector<16xi32> to vector<16xi32>
      tpu.vector_store %arg10[%swap3A_282], %swap3A_285 {strides = array<i32>} : memref<16384xi32, #tpu.memory_space<vmem>>, vector<16xi32>,
      %add3A_286 = arith.addi %gather3A_276, %add3A_31 : vector<16xi32>
      %mul3A_287 = arith.constant 64 : i32
      %mul3A_288 = arith.muli %add3A_269, %mul3A_287 : i32
      %add3A_289 = arith.constant 16 : i32
      %add3A_290 = arith.addi %mul3A_288, %add3A_289 : i32
      %swap3A_291 = arith.index_cast %add3A_290 : i32 to index
      %swap3A_292 = tpu.vector_load %arg10[%swap3A_291] {strides = array<i32>} : memref<16384xi32, #tpu.memory_space<vmem>>, vector<16xi32>,
      %swap3A_293 = vector.shape_cast %swap3A_292 : vector<16xi32> to vector<16xi32>
      %swap3A_294 = vector.shape_cast %add3A_286 : vector<16xi32> to vector<16xi32>
      tpu.vector_store %arg10[%swap3A_291], %swap3A_294 {strides = array<i32>} : memref<16384xi32, #tpu.memory_space<vmem>>, vector<16xi32>,
      %add3A_295 = arith.addi %gather3A_276, %add3A_38 : vector<16xi32>
      %mul3A_296 = arith.constant 64 : i32
      %mul3A_297 = arith.muli %add3A_269, %mul3A_296 : i32
      %add3A_298 = arith.constant 32 : i32
      %add3A_299 = arith.addi %mul3A_297, %add3A_298 : i32
      %swap3A_300 = arith.index_cast %add3A_299 : i32 to index
      %swap3A_301 = tpu.vector_load %arg10[%swap3A_300] {strides = array<i32>} : memref<16384xi32, #tpu.memory_space<vmem>>, vector<16xi32>,
      %swap3A_302 = vector.shape_cast %swap3A_301 : vector<16xi32> to vector<16xi32>
      %swap3A_303 = vector.shape_cast %add3A_295 : vector<16xi32> to vector<16xi32>
      tpu.vector_store %arg10[%swap3A_300], %swap3A_303 {strides = array<i32>} : memref<16384xi32, #tpu.memory_space<vmem>>, vector<16xi32>,
      %add3A_304 = arith.addi %gather3A_276, %add3A_45 : vector<16xi32>
      %mul3A_305 = arith.constant 64 : i32
      %mul3A_306 = arith.muli %add3A_269, %mul3A_305 : i32
      %add3A_307 = arith.constant 48 : i32
      %add3A_308 = arith.addi %mul3A_306, %add3A_307 : i32
      %swap3A_309 = arith.index_cast %add3A_308 : i32 to index
      %swap3A_310 = tpu.vector_load %arg10[%swap3A_309] {strides = array<i32>} : memref<16384xi32, #tpu.memory_space<vmem>>, vector<16xi32>,
      %swap3A_311 = vector.shape_cast %swap3A_310 : vector<16xi32> to vector<16xi32>
      %swap3A_312 = vector.shape_cast %add3A_304 : vector<16xi32> to vector<16xi32>
      tpu.vector_store %arg10[%swap3A_309], %swap3A_312 {strides = array<i32>} : memref<16384xi32, #tpu.memory_space<vmem>>, vector<16xi32>,
      %add3A_313 = arith.constant 1 : i32
      %add3A_314 = arith.addi %mul3A_247, %add3A_313 : i32
      %rem3A_315 = arith.constant 16 : i32
      %rem3A_316 = arith.remsi %add3A_314, %rem3A_315 : i32
      %broadcast_in_dim3A_317 = arith.constant 1 : i32
      %broadcast_in_dim3A_318 = vector.broadcast %broadcast_in_dim3A_317 : i32 to vector<16x1xi32>
      %mul3A_319 = vector.broadcast %rem3A_316 : i32 to vector<16x1xi32>
      %mul3A_320 = arith.muli %mul3A_319, %broadcast_in_dim3A_318 : vector<16x1xi32>
      %gather3A_321 = vector.shape_cast %mul3A_320 : vector<16x1xi32> to vector<16xi32>
      %gather3A_322 = tpu.dynamic_gather %get3A_267[%gather3A_321] in [0] : vector<16xi32>, vector<16xi32> -> vector<16xi32>
      %add3A_323 = arith.addi %gather3A_322, %add3A_24 : vector<16xi32>
      %mul3A_324 = arith.constant 64 : i32
      %mul3A_325 = arith.muli %add3A_314, %mul3A_324 : i32
      %add3A_326 = arith.constant 0 : i32
      %add3A_327 = arith.addi %mul3A_325, %add3A_326 : i32
      %swap3A_328 = arith.index_cast %add3A_327 : i32 to index
      %swap3A_329 = tpu.vector_load %arg10[%swap3A_328] {strides = array<i32>} : memref<16384xi32, #tpu.memory_space<vmem>>, vector<16xi32>,
      %swap3A_330 = vector.shape_cast %swap3A_329 : vector<16xi32> to vector<16xi32>
      %swap3A_331 = vector.shape_cast %add3A_323 : vector<16xi32> to vector<16xi32>
      tpu.vector_store %arg10[%swap3A_328], %swap3A_331 {strides = array<i32>} : memref<16384xi32, #tpu.memory_space<vmem>>, vector<16xi32>,
      %add3A_332 = arith.addi %gather3A_322, %add3A_31 : vector<16xi32>
      %mul3A_333 = arith.constant 64 : i32
      %mul3A_334 = arith.muli %add3A_314, %mul3A_333 : i32
      %add3A_335 = arith.constant 16 : i32
      %add3A_336 = arith.addi %mul3A_334, %add3A_335 : i32
      %swap3A_337 = arith.index_cast %add3A_336 : i32 to index
      %swap3A_338 = tpu.vector_load %arg10[%swap3A_337] {strides = array<i32>} : memref<16384xi32, #tpu.memory_space<vmem>>, vector<16xi32>,
      %swap3A_339 = vector.shape_cast %swap3A_338 : vector<16xi32> to vector<16xi32>
      %swap3A_340 = vector.shape_cast %add3A_332 : vector<16xi32> to vector<16xi32>
      tpu.vector_store %arg10[%swap3A_337], %swap3A_340 {strides = array<i32>} : memref<16384xi32, #tpu.memory_space<vmem>>, vector<16xi32>,
      %add3A_341 = arith.addi %gather3A_322, %add3A_38 : vector<16xi32>
      %mul3A_342 = arith.constant 64 : i32
      %mul3A_343 = arith.muli %add3A_314, %mul3A_342 : i32
      %add3A_344 = arith.constant 32 : i32
      %add3A_345 = arith.addi %mul3A_343, %add3A_344 : i32
      %swap3A_346 = arith.index_cast %add3A_345 : i32 to index
      %swap3A_347 = tpu.vector_load %arg10[%swap3A_346] {strides = array<i32>} : memref<16384xi32, #tpu.memory_space<vmem>>, vector<16xi32>,
      %swap3A_348 = vector.shape_cast %swap3A_347 : vector<16xi32> to vector<16xi32>
      %swap3A_349 = vector.shape_cast %add3A_341 : vector<16xi32> to vector<16xi32>
      tpu.vector_store %arg10[%swap3A_346], %swap3A_349 {strides = array<i32>} : memref<16384xi32, #tpu.memory_space<vmem>>, vector<16xi32>,
      %add3A_350 = arith.addi %gather3A_322, %add3A_45 : vector<16xi32>
      %mul3A_351 = arith.constant 64 : i32
      %mul3A_352 = arith.muli %add3A_314, %mul3A_351 : i32
      %add3A_353 = arith.constant 48 : i32
      %add3A_354 = arith.addi %mul3A_352, %add3A_353 : i32
      %swap3A_355 = arith.index_cast %add3A_354 : i32 to index
      %swap3A_356 = tpu.vector_load %arg10[%swap3A_355] {strides = array<i32>} : memref<16384xi32, #tpu.memory_space<vmem>>, vector<16xi32>,
      %swap3A_357 = vector.shape_cast %swap3A_356 : vector<16xi32> to vector<16xi32>
      %swap3A_358 = vector.shape_cast %add3A_350 : vector<16xi32> to vector<16xi32>
      tpu.vector_store %arg10[%swap3A_355], %swap3A_358 {strides = array<i32>} : memref<16384xi32, #tpu.memory_space<vmem>>, vector<16xi32>,
      %mul3A_359 = arith.constant 128 : i32
      %mul3A_360 = arith.muli %scan3A_244, %mul3A_359 : i32
      %mul3A_361 = arith.constant 128 : i32
      %mul3A_362 = arith.muli %scan3A_244, %mul3A_361 : i32
      %dma_start3A_363 = tpu.memref_slice %arg11[%mul3A_362] : memref<16384xf32, #tpu.memory_space<vmem>> -> memref<128xf32, #tpu.memory_space<vmem>>
      %dma_start3A_364 = tpu.memref_slice %arg10[%mul3A_360] : memref<16384xi32, #tpu.memory_space<vmem>> -> memref<128xi32, #tpu.memory_space<vmem>>
      %dma_start3A_365 = arith.constant 0 : i32
      %dma_start3A_366 = tpu.memref_slice %arg2[%dma_start3A_365] : memref<16777216xf32, #tpu.memory_space<hbm>> -> memref<16777216xf32, #tpu.memory_space<hbm>>
      tpu.enqueue_indirect_dma source(%dma_start3A_366 : memref<16777216xf32, #tpu.memory_space<hbm>>) target(%dma_start3A_363 : memref<128xf32, #tpu.memory_space<vmem>>) offsets(%dma_start3A_364 : memref<128xi32, #tpu.memory_space<vmem>>) semaphore(%arg21 : memref<!tpu.dma_semaphore, #tpu.memory_space<semaphore_mem>>)
      %scan3A_367 = arith.constant 0 : i32
      scf.yield %scan3A_367 : i32
    }
    %scan3A_94 = arith.constant 16 : i32
    %scan3A_95 = arith.constant 0 : i32
    %scan3A_96 = arith.constant 112 : i32
    %scan3A_97 = arith.constant 16 : i32
    %scan3A_98 = arith.addi %scan3A_96, %scan3A_97 : i32
    %scan3A_99 = arith.constant 1 : i32
    %scan3A_100 = scf.for %scan3A_244 = %scan3A_96 to %scan3A_98 step %scan3A_99 iter_args(%scan3A_245 = %scan3A_95) -> (i32)  : i32 {
      %mul3A_246 = arith.constant 2 : i32
      %mul3A_247 = arith.muli %scan3A_244, %mul3A_246 : i32
      %jit3A = arith.constant 16 : i32
      %div3A = arith.divsi %mul3A_247, %jit3A : i32
      %sign3A = arith.constant 0 : i32
      %sign3A_248 = arith.cmpi sgt, %mul3A_247, %sign3A : i32
      %sign3A_249 = arith.extui %sign3A_248 : i1 to i32
      %sign3A_250 = arith.constant 0 : i32
      %sign3A_251 = arith.cmpi slt, %mul3A_247, %sign3A_250 : i32
      %sign3A_252 = arith.extui %sign3A_251 : i1 to i32
      %sign3A_253 = arith.subi %sign3A_249, %sign3A_252 : i32
      %sign3A_254 = arith.constant 0 : i32
      %sign3A_255 = arith.cmpi sgt, %jit3A, %sign3A_254 : i32
      %sign3A_256 = arith.extui %sign3A_255 : i1 to i32
      %sign3A_257 = arith.constant 0 : i32
      %sign3A_258 = arith.cmpi slt, %jit3A, %sign3A_257 : i32
      %sign3A_259 = arith.extui %sign3A_258 : i1 to i32
      %sign3A_260 = arith.subi %sign3A_256, %sign3A_259 : i32
      %ne3A = arith.cmpi ne, %sign3A_253, %sign3A_260 : i32
      %rem3A = arith.remsi %mul3A_247, %jit3A : i32
      %ne3A_261 = arith.constant 0 : i32
      %ne3A_262 = arith.cmpi ne, %rem3A, %ne3A_261 : i32
      %and3A = arith.andi %ne3A, %ne3A_262 : i1
      %sub3A = arith.constant 1 : i32
      %sub3A_263 = arith.subi %div3A, %sub3A : i32
      %select_n3A = arith.select %and3A, %sub3A_263, %div3A : i32
      %mul3A_264 = arith.constant 16 : i32
      %mul3A_265 = arith.muli %select_n3A, %mul3A_264 : i32
      %get3A = arith.index_cast %mul3A_265 : i32 to index
      %get3A_266 = tpu.vector_load %arg9[%get3A] {strides = array<i32>} : memref<256xi32, #tpu.memory_space<vmem>>, vector<16xi32>,
      %get3A_267 = vector.shape_cast %get3A_266 : vector<16xi32> to vector<16xi32>
      %add3A_268 = arith.constant 0 : i32
      %add3A_269 = arith.addi %mul3A_247, %add3A_268 : i32
      %rem3A_270 = arith.constant 16 : i32
      %rem3A_271 = arith.remsi %add3A_269, %rem3A_270 : i32
      %broadcast_in_dim3A_272 = arith.constant 1 : i32
      %broadcast_in_dim3A_273 = vector.broadcast %broadcast_in_dim3A_272 : i32 to vector<16x1xi32>
      %mul3A_274 = vector.broadcast %rem3A_271 : i32 to vector<16x1xi32>
      %mul3A_275 = arith.muli %mul3A_274, %broadcast_in_dim3A_273 : vector<16x1xi32>
      %gather3A = vector.shape_cast %mul3A_275 : vector<16x1xi32> to vector<16xi32>
      %gather3A_276 = tpu.dynamic_gather %get3A_267[%gather3A] in [0] : vector<16xi32>, vector<16xi32> -> vector<16xi32>
      %add3A_277 = arith.addi %gather3A_276, %add3A_24 : vector<16xi32>
      %mul3A_278 = arith.constant 64 : i32
      %mul3A_279 = arith.muli %add3A_269, %mul3A_278 : i32
      %add3A_280 = arith.constant 0 : i32
      %add3A_281 = arith.addi %mul3A_279, %add3A_280 : i32
      %swap3A_282 = arith.index_cast %add3A_281 : i32 to index
      %swap3A_283 = tpu.vector_load %arg10[%swap3A_282] {strides = array<i32>} : memref<16384xi32, #tpu.memory_space<vmem>>, vector<16xi32>,
      %swap3A_284 = vector.shape_cast %swap3A_283 : vector<16xi32> to vector<16xi32>
      %swap3A_285 = vector.shape_cast %add3A_277 : vector<16xi32> to vector<16xi32>
      tpu.vector_store %arg10[%swap3A_282], %swap3A_285 {strides = array<i32>} : memref<16384xi32, #tpu.memory_space<vmem>>, vector<16xi32>,
      %add3A_286 = arith.addi %gather3A_276, %add3A_31 : vector<16xi32>
      %mul3A_287 = arith.constant 64 : i32
      %mul3A_288 = arith.muli %add3A_269, %mul3A_287 : i32
      %add3A_289 = arith.constant 16 : i32
      %add3A_290 = arith.addi %mul3A_288, %add3A_289 : i32
      %swap3A_291 = arith.index_cast %add3A_290 : i32 to index
      %swap3A_292 = tpu.vector_load %arg10[%swap3A_291] {strides = array<i32>} : memref<16384xi32, #tpu.memory_space<vmem>>, vector<16xi32>,
      %swap3A_293 = vector.shape_cast %swap3A_292 : vector<16xi32> to vector<16xi32>
      %swap3A_294 = vector.shape_cast %add3A_286 : vector<16xi32> to vector<16xi32>
      tpu.vector_store %arg10[%swap3A_291], %swap3A_294 {strides = array<i32>} : memref<16384xi32, #tpu.memory_space<vmem>>, vector<16xi32>,
      %add3A_295 = arith.addi %gather3A_276, %add3A_38 : vector<16xi32>
      %mul3A_296 = arith.constant 64 : i32
      %mul3A_297 = arith.muli %add3A_269, %mul3A_296 : i32
      %add3A_298 = arith.constant 32 : i32
      %add3A_299 = arith.addi %mul3A_297, %add3A_298 : i32
      %swap3A_300 = arith.index_cast %add3A_299 : i32 to index
      %swap3A_301 = tpu.vector_load %arg10[%swap3A_300] {strides = array<i32>} : memref<16384xi32, #tpu.memory_space<vmem>>, vector<16xi32>,
      %swap3A_302 = vector.shape_cast %swap3A_301 : vector<16xi32> to vector<16xi32>
      %swap3A_303 = vector.shape_cast %add3A_295 : vector<16xi32> to vector<16xi32>
      tpu.vector_store %arg10[%swap3A_300], %swap3A_303 {strides = array<i32>} : memref<16384xi32, #tpu.memory_space<vmem>>, vector<16xi32>,
      %add3A_304 = arith.addi %gather3A_276, %add3A_45 : vector<16xi32>
      %mul3A_305 = arith.constant 64 : i32
      %mul3A_306 = arith.muli %add3A_269, %mul3A_305 : i32
      %add3A_307 = arith.constant 48 : i32
      %add3A_308 = arith.addi %mul3A_306, %add3A_307 : i32
      %swap3A_309 = arith.index_cast %add3A_308 : i32 to index
      %swap3A_310 = tpu.vector_load %arg10[%swap3A_309] {strides = array<i32>} : memref<16384xi32, #tpu.memory_space<vmem>>, vector<16xi32>,
      %swap3A_311 = vector.shape_cast %swap3A_310 : vector<16xi32> to vector<16xi32>
      %swap3A_312 = vector.shape_cast %add3A_304 : vector<16xi32> to vector<16xi32>
      tpu.vector_store %arg10[%swap3A_309], %swap3A_312 {strides = array<i32>} : memref<16384xi32, #tpu.memory_space<vmem>>, vector<16xi32>,
      %add3A_313 = arith.constant 1 : i32
      %add3A_314 = arith.addi %mul3A_247, %add3A_313 : i32
      %rem3A_315 = arith.constant 16 : i32
      %rem3A_316 = arith.remsi %add3A_314, %rem3A_315 : i32
      %broadcast_in_dim3A_317 = arith.constant 1 : i32
      %broadcast_in_dim3A_318 = vector.broadcast %broadcast_in_dim3A_317 : i32 to vector<16x1xi32>
      %mul3A_319 = vector.broadcast %rem3A_316 : i32 to vector<16x1xi32>
      %mul3A_320 = arith.muli %mul3A_319, %broadcast_in_dim3A_318 : vector<16x1xi32>
      %gather3A_321 = vector.shape_cast %mul3A_320 : vector<16x1xi32> to vector<16xi32>
      %gather3A_322 = tpu.dynamic_gather %get3A_267[%gather3A_321] in [0] : vector<16xi32>, vector<16xi32> -> vector<16xi32>
      %add3A_323 = arith.addi %gather3A_322, %add3A_24 : vector<16xi32>
      %mul3A_324 = arith.constant 64 : i32
      %mul3A_325 = arith.muli %add3A_314, %mul3A_324 : i32
      %add3A_326 = arith.constant 0 : i32
      %add3A_327 = arith.addi %mul3A_325, %add3A_326 : i32
      %swap3A_328 = arith.index_cast %add3A_327 : i32 to index
      %swap3A_329 = tpu.vector_load %arg10[%swap3A_328] {strides = array<i32>} : memref<16384xi32, #tpu.memory_space<vmem>>, vector<16xi32>,
      %swap3A_330 = vector.shape_cast %swap3A_329 : vector<16xi32> to vector<16xi32>
      %swap3A_331 = vector.shape_cast %add3A_323 : vector<16xi32> to vector<16xi32>
      tpu.vector_store %arg10[%swap3A_328], %swap3A_331 {strides = array<i32>} : memref<16384xi32, #tpu.memory_space<vmem>>, vector<16xi32>,
      %add3A_332 = arith.addi %gather3A_322, %add3A_31 : vector<16xi32>
      %mul3A_333 = arith.constant 64 : i32
      %mul3A_334 = arith.muli %add3A_314, %mul3A_333 : i32
      %add3A_335 = arith.constant 16 : i32
      %add3A_336 = arith.addi %mul3A_334, %add3A_335 : i32
      %swap3A_337 = arith.index_cast %add3A_336 : i32 to index
      %swap3A_338 = tpu.vector_load %arg10[%swap3A_337] {strides = array<i32>} : memref<16384xi32, #tpu.memory_space<vmem>>, vector<16xi32>,
      %swap3A_339 = vector.shape_cast %swap3A_338 : vector<16xi32> to vector<16xi32>
      %swap3A_340 = vector.shape_cast %add3A_332 : vector<16xi32> to vector<16xi32>
      tpu.vector_store %arg10[%swap3A_337], %swap3A_340 {strides = array<i32>} : memref<16384xi32, #tpu.memory_space<vmem>>, vector<16xi32>,
      %add3A_341 = arith.addi %gather3A_322, %add3A_38 : vector<16xi32>
      %mul3A_342 = arith.constant 64 : i32
      %mul3A_343 = arith.muli %add3A_314, %mul3A_342 : i32
      %add3A_344 = arith.constant 32 : i32
      %add3A_345 = arith.addi %mul3A_343, %add3A_344 : i32
      %swap3A_346 = arith.index_cast %add3A_345 : i32 to index
      %swap3A_347 = tpu.vector_load %arg10[%swap3A_346] {strides = array<i32>} : memref<16384xi32, #tpu.memory_space<vmem>>, vector<16xi32>,
      %swap3A_348 = vector.shape_cast %swap3A_347 : vector<16xi32> to vector<16xi32>
      %swap3A_349 = vector.shape_cast %add3A_341 : vector<16xi32> to vector<16xi32>
      tpu.vector_store %arg10[%swap3A_346], %swap3A_349 {strides = array<i32>} : memref<16384xi32, #tpu.memory_space<vmem>>, vector<16xi32>,
      %add3A_350 = arith.addi %gather3A_322, %add3A_45 : vector<16xi32>
      %mul3A_351 = arith.constant 64 : i32
      %mul3A_352 = arith.muli %add3A_314, %mul3A_351 : i32
      %add3A_353 = arith.constant 48 : i32
      %add3A_354 = arith.addi %mul3A_352, %add3A_353 : i32
      %swap3A_355 = arith.index_cast %add3A_354 : i32 to index
      %swap3A_356 = tpu.vector_load %arg10[%swap3A_355] {strides = array<i32>} : memref<16384xi32, #tpu.memory_space<vmem>>, vector<16xi32>,
      %swap3A_357 = vector.shape_cast %swap3A_356 : vector<16xi32> to vector<16xi32>
      %swap3A_358 = vector.shape_cast %add3A_350 : vector<16xi32> to vector<16xi32>
      tpu.vector_store %arg10[%swap3A_355], %swap3A_358 {strides = array<i32>} : memref<16384xi32, #tpu.memory_space<vmem>>, vector<16xi32>,
      %mul3A_359 = arith.constant 128 : i32
      %mul3A_360 = arith.muli %scan3A_244, %mul3A_359 : i32
      %mul3A_361 = arith.constant 128 : i32
      %mul3A_362 = arith.muli %scan3A_244, %mul3A_361 : i32
      %dma_start3A_363 = tpu.memref_slice %arg11[%mul3A_362] : memref<16384xf32, #tpu.memory_space<vmem>> -> memref<128xf32, #tpu.memory_space<vmem>>
      %dma_start3A_364 = tpu.memref_slice %arg10[%mul3A_360] : memref<16384xi32, #tpu.memory_space<vmem>> -> memref<128xi32, #tpu.memory_space<vmem>>
      %dma_start3A_365 = arith.constant 0 : i32
      %dma_start3A_366 = tpu.memref_slice %arg2[%dma_start3A_365] : memref<16777216xf32, #tpu.memory_space<hbm>> -> memref<16777216xf32, #tpu.memory_space<hbm>>
      tpu.enqueue_indirect_dma source(%dma_start3A_366 : memref<16777216xf32, #tpu.memory_space<hbm>>) target(%dma_start3A_363 : memref<128xf32, #tpu.memory_space<vmem>>) offsets(%dma_start3A_364 : memref<128xi32, #tpu.memory_space<vmem>>) semaphore(%arg22 : memref<!tpu.dma_semaphore, #tpu.memory_space<semaphore_mem>>)
      %scan3A_367 = arith.constant 0 : i32
      scf.yield %scan3A_367 : i32
    }
    %scan3A_101 = arith.constant 16 : i32
    %dma_wait3A_102 = arith.constant 0 : i32
    %dma_wait3A_103 = tpu.memref_slice %arg3[%mul3A_2, %dma_wait3A_102] : memref<8192x64xf32, #tpu.memory_space<hbm>> -> memref<256x64xf32, #tpu.memory_space<hbm>>
    %dma_wait3A_104 = arith.constant 0 : i32
    %dma_wait3A_105 = tpu.memref_slice %arg3[%mul3A_2, %dma_wait3A_104] : memref<8192x64xf32, #tpu.memory_space<hbm>> -> memref<256x64xf32, #tpu.memory_space<hbm>>
    tpu.wait_dma2 semaphore(%arg14 : memref<!tpu.dma_semaphore, #tpu.memory_space<semaphore_mem>>) src(%dma_wait3A_105 : memref<256x64xf32, #tpu.memory_space<hbm>>) dst(%arg12 : memref<256x64xf32, #tpu.memory_space<vmem>>)
    %broadcast_in_dim3A = arith.constant 0.000000e+00 : f32
    %broadcast_in_dim3A_106 = vector.broadcast %broadcast_in_dim3A : f32 to vector<16xf32>
    %broadcast_in_dim3A_107 = arith.constant 0.000000e+00 : f32
    %broadcast_in_dim3A_108 = vector.broadcast %broadcast_in_dim3A_107 : f32 to vector<16xf32>
    %broadcast_in_dim3A_109 = arith.constant 0.000000e+00 : f32
    %broadcast_in_dim3A_110 = vector.broadcast %broadcast_in_dim3A_109 : f32 to vector<16xf32>
    %broadcast_in_dim3A_111 = arith.constant 0.000000e+00 : f32
    %broadcast_in_dim3A_112 = vector.broadcast %broadcast_in_dim3A_111 : f32 to vector<16xf32>
    %scan3A_113 = arith.constant 0 : i32
    %scan3A_114 = arith.constant 0 : i32
    %scan3A_115 = arith.constant 16 : i32
    %scan3A_116 = arith.addi %scan3A_114, %scan3A_115 : i32
    %scan3A_117 = arith.constant 1 : i32
    %scan3A_118 = scf.for %scan3A_244 = %scan3A_114 to %scan3A_116 step %scan3A_117 iter_args(%scan3A_245 = %scan3A_113) -> (i32)  : i32 {
      %mul3A_246 = arith.constant 128 : i32
      %mul3A_247 = arith.muli %scan3A_244, %mul3A_246 : i32
      %mul3A_248 = arith.constant 128 : i32
      %mul3A_249 = arith.muli %scan3A_244, %mul3A_248 : i32
      %dma_wait3A_250 = tpu.memref_slice %arg11[%mul3A_249] : memref<16384xf32, #tpu.memory_space<vmem>> -> memref<128xf32, #tpu.memory_space<vmem>>
      %dma_wait3A_251 = tpu.memref_slice %arg10[%mul3A_247] : memref<16384xi32, #tpu.memory_space<vmem>> -> memref<128xi32, #tpu.memory_space<vmem>>
      %dma_wait3A_252 = arith.constant 0 : i32
      %dma_wait3A_253 = tpu.memref_slice %arg2[%dma_wait3A_252] : memref<16777216xf32, #tpu.memory_space<hbm>> -> memref<16777216xf32, #tpu.memory_space<hbm>>
      tpu.wait_indirect_dma semaphore(%arg15 : memref<!tpu.dma_semaphore, #tpu.memory_space<semaphore_mem>>) src(%dma_wait3A_253 : memref<16777216xf32, #tpu.memory_space<hbm>>) dst(%dma_wait3A_250 : memref<128xf32, #tpu.memory_space<vmem>>)
      %scan3A_254 = arith.constant 0 : i32
      scf.yield %scan3A_254 : i32
    }
    %scan3A_119 = arith.constant 16 : i32
    %scan3A_120 = arith.constant 0 : i32
    %scan3A_121 = arith.constant 32 : i32
    %scan3A_122 = arith.addi %scan3A_120, %scan3A_121 : i32
    %scan3A_123 = arith.constant 1 : i32
    %scan3A_124:4 = scf.for %scan3A_244 = %scan3A_120 to %scan3A_122 step %scan3A_123 iter_args(%scan3A_245 = %broadcast_in_dim3A_106, %scan3A_246 = %broadcast_in_dim3A_108, %scan3A_247 = %broadcast_in_dim3A_110, %scan3A_248 = %broadcast_in_dim3A_112) -> (vector<16xf32>, vector<16xf32>, vector<16xf32>, vector<16xf32>)  : i32 {
      %mul3A_249 = arith.constant 64 : i32
      %mul3A_250 = arith.muli %scan3A_244, %mul3A_249 : i32
      %add3A_251 = arith.constant 0 : i32
      %add3A_252 = arith.addi %mul3A_250, %add3A_251 : i32
      %get3A = arith.index_cast %add3A_252 : i32 to index
      %get3A_253 = tpu.vector_load %arg11[%get3A] {strides = array<i32>} : memref<16384xf32, #tpu.memory_space<vmem>>, vector<16xf32>,
      %get3A_254 = vector.shape_cast %get3A_253 : vector<16xf32> to vector<16xf32>
      %get3A_255 = arith.index_cast %scan3A_244 : i32 to index
      %get3A_256 = arith.constant 0 : index
      %get3A_257 = tpu.vector_load %arg12[%get3A_255, %get3A_256] {strides = array<i32>} : memref<256x64xf32, #tpu.memory_space<vmem>>, vector<1x16xf32>,
      %get3A_258 = vector.shape_cast %get3A_257 : vector<1x16xf32> to vector<16xf32>
      %sub3A = arith.subf %get3A_254, %get3A_258 : vector<16xf32>
      %abs3A = math.absf %sub3A : vector<16xf32>
      %add3A_259 = arith.addf %scan3A_245, %abs3A : vector<16xf32>
      %mul3A_260 = arith.constant 64 : i32
      %mul3A_261 = arith.muli %scan3A_244, %mul3A_260 : i32
      %add3A_262 = arith.constant 16 : i32
      %add3A_263 = arith.addi %mul3A_261, %add3A_262 : i32
      %get3A_264 = arith.index_cast %add3A_263 : i32 to index
      %get3A_265 = tpu.vector_load %arg11[%get3A_264] {strides = array<i32>} : memref<16384xf32, #tpu.memory_space<vmem>>, vector<16xf32>,
      %get3A_266 = vector.shape_cast %get3A_265 : vector<16xf32> to vector<16xf32>
      %get3A_267 = arith.index_cast %scan3A_244 : i32 to index
      %get3A_268 = arith.constant 16 : index
      %get3A_269 = tpu.vector_load %arg12[%get3A_267, %get3A_268] {strides = array<i32>} : memref<256x64xf32, #tpu.memory_space<vmem>>, vector<1x16xf32>,
      %get3A_270 = vector.shape_cast %get3A_269 : vector<1x16xf32> to vector<16xf32>
      %sub3A_271 = arith.subf %get3A_266, %get3A_270 : vector<16xf32>
      %abs3A_272 = math.absf %sub3A_271 : vector<16xf32>
      %add3A_273 = arith.addf %scan3A_246, %abs3A_272 : vector<16xf32>
      %mul3A_274 = arith.constant 64 : i32
      %mul3A_275 = arith.muli %scan3A_244, %mul3A_274 : i32
      %add3A_276 = arith.constant 32 : i32
      %add3A_277 = arith.addi %mul3A_275, %add3A_276 : i32
      %get3A_278 = arith.index_cast %add3A_277 : i32 to index
      %get3A_279 = tpu.vector_load %arg11[%get3A_278] {strides = array<i32>} : memref<16384xf32, #tpu.memory_space<vmem>>, vector<16xf32>,
      %get3A_280 = vector.shape_cast %get3A_279 : vector<16xf32> to vector<16xf32>
      %get3A_281 = arith.index_cast %scan3A_244 : i32 to index
      %get3A_282 = arith.constant 32 : index
      %get3A_283 = tpu.vector_load %arg12[%get3A_281, %get3A_282] {strides = array<i32>} : memref<256x64xf32, #tpu.memory_space<vmem>>, vector<1x16xf32>,
      %get3A_284 = vector.shape_cast %get3A_283 : vector<1x16xf32> to vector<16xf32>
      %sub3A_285 = arith.subf %get3A_280, %get3A_284 : vector<16xf32>
      %abs3A_286 = math.absf %sub3A_285 : vector<16xf32>
      %add3A_287 = arith.addf %scan3A_247, %abs3A_286 : vector<16xf32>
      %mul3A_288 = arith.constant 64 : i32
      %mul3A_289 = arith.muli %scan3A_244, %mul3A_288 : i32
      %add3A_290 = arith.constant 48 : i32
      %add3A_291 = arith.addi %mul3A_289, %add3A_290 : i32
      %get3A_292 = arith.index_cast %add3A_291 : i32 to index
      %get3A_293 = tpu.vector_load %arg11[%get3A_292] {strides = array<i32>} : memref<16384xf32, #tpu.memory_space<vmem>>, vector<16xf32>,
      %get3A_294 = vector.shape_cast %get3A_293 : vector<16xf32> to vector<16xf32>
      %get3A_295 = arith.index_cast %scan3A_244 : i32 to index
      %get3A_296 = arith.constant 48 : index
      %get3A_297 = tpu.vector_load %arg12[%get3A_295, %get3A_296] {strides = array<i32>} : memref<256x64xf32, #tpu.memory_space<vmem>>, vector<1x16xf32>,
      %get3A_298 = vector.shape_cast %get3A_297 : vector<1x16xf32> to vector<16xf32>
      %sub3A_299 = arith.subf %get3A_294, %get3A_298 : vector<16xf32>
      %abs3A_300 = math.absf %sub3A_299 : vector<16xf32>
      %add3A_301 = arith.addf %scan3A_248, %abs3A_300 : vector<16xf32>
      scf.yield %add3A_259, %add3A_273, %add3A_287, %add3A_301 : vector<16xf32>, vector<16xf32>, vector<16xf32>, vector<16xf32>
    }
    %scan3A_125 = arith.constant 32 : i32
    %scan3A_126 = arith.constant 0 : i32
    %scan3A_127 = arith.constant 16 : i32
    %scan3A_128 = arith.constant 16 : i32
    %scan3A_129 = arith.addi %scan3A_127, %scan3A_128 : i32
    %scan3A_130 = arith.constant 1 : i32
    %scan3A_131 = scf.for %scan3A_244 = %scan3A_127 to %scan3A_129 step %scan3A_130 iter_args(%scan3A_245 = %scan3A_126) -> (i32)  : i32 {
      %mul3A_246 = arith.constant 128 : i32
      %mul3A_247 = arith.muli %scan3A_244, %mul3A_246 : i32
      %mul3A_248 = arith.constant 128 : i32
      %mul3A_249 = arith.muli %scan3A_244, %mul3A_248 : i32
      %dma_wait3A_250 = tpu.memref_slice %arg11[%mul3A_249] : memref<16384xf32, #tpu.memory_space<vmem>> -> memref<128xf32, #tpu.memory_space<vmem>>
      %dma_wait3A_251 = tpu.memref_slice %arg10[%mul3A_247] : memref<16384xi32, #tpu.memory_space<vmem>> -> memref<128xi32, #tpu.memory_space<vmem>>
      %dma_wait3A_252 = arith.constant 0 : i32
      %dma_wait3A_253 = tpu.memref_slice %arg2[%dma_wait3A_252] : memref<16777216xf32, #tpu.memory_space<hbm>> -> memref<16777216xf32, #tpu.memory_space<hbm>>
      tpu.wait_indirect_dma semaphore(%arg16 : memref<!tpu.dma_semaphore, #tpu.memory_space<semaphore_mem>>) src(%dma_wait3A_253 : memref<16777216xf32, #tpu.memory_space<hbm>>) dst(%dma_wait3A_250 : memref<128xf32, #tpu.memory_space<vmem>>)
      %scan3A_254 = arith.constant 0 : i32
      scf.yield %scan3A_254 : i32
    }
    %scan3A_132 = arith.constant 16 : i32
    %scan3A_133 = arith.constant 32 : i32
    %scan3A_134 = arith.constant 32 : i32
    %scan3A_135 = arith.addi %scan3A_133, %scan3A_134 : i32
    %scan3A_136 = arith.constant 1 : i32
    %scan3A_137:4 = scf.for %scan3A_244 = %scan3A_133 to %scan3A_135 step %scan3A_136 iter_args(%scan3A_245 = %scan3A_124#0, %scan3A_246 = %scan3A_124#1, %scan3A_247 = %scan3A_124#2, %scan3A_248 = %scan3A_124#3) -> (vector<16xf32>, vector<16xf32>, vector<16xf32>, vector<16xf32>)  : i32 {
      %mul3A_249 = arith.constant 64 : i32
      %mul3A_250 = arith.muli %scan3A_244, %mul3A_249 : i32
      %add3A_251 = arith.constant 0 : i32
      %add3A_252 = arith.addi %mul3A_250, %add3A_251 : i32
      %get3A = arith.index_cast %add3A_252 : i32 to index
      %get3A_253 = tpu.vector_load %arg11[%get3A] {strides = array<i32>} : memref<16384xf32, #tpu.memory_space<vmem>>, vector<16xf32>,
      %get3A_254 = vector.shape_cast %get3A_253 : vector<16xf32> to vector<16xf32>
      %get3A_255 = arith.index_cast %scan3A_244 : i32 to index
      %get3A_256 = arith.constant 0 : index
      %get3A_257 = tpu.vector_load %arg12[%get3A_255, %get3A_256] {strides = array<i32>} : memref<256x64xf32, #tpu.memory_space<vmem>>, vector<1x16xf32>,
      %get3A_258 = vector.shape_cast %get3A_257 : vector<1x16xf32> to vector<16xf32>
      %sub3A = arith.subf %get3A_254, %get3A_258 : vector<16xf32>
      %abs3A = math.absf %sub3A : vector<16xf32>
      %add3A_259 = arith.addf %scan3A_245, %abs3A : vector<16xf32>
      %mul3A_260 = arith.constant 64 : i32
      %mul3A_261 = arith.muli %scan3A_244, %mul3A_260 : i32
      %add3A_262 = arith.constant 16 : i32
      %add3A_263 = arith.addi %mul3A_261, %add3A_262 : i32
      %get3A_264 = arith.index_cast %add3A_263 : i32 to index
      %get3A_265 = tpu.vector_load %arg11[%get3A_264] {strides = array<i32>} : memref<16384xf32, #tpu.memory_space<vmem>>, vector<16xf32>,
      %get3A_266 = vector.shape_cast %get3A_265 : vector<16xf32> to vector<16xf32>
      %get3A_267 = arith.index_cast %scan3A_244 : i32 to index
      %get3A_268 = arith.constant 16 : index
      %get3A_269 = tpu.vector_load %arg12[%get3A_267, %get3A_268] {strides = array<i32>} : memref<256x64xf32, #tpu.memory_space<vmem>>, vector<1x16xf32>,
      %get3A_270 = vector.shape_cast %get3A_269 : vector<1x16xf32> to vector<16xf32>
      %sub3A_271 = arith.subf %get3A_266, %get3A_270 : vector<16xf32>
      %abs3A_272 = math.absf %sub3A_271 : vector<16xf32>
      %add3A_273 = arith.addf %scan3A_246, %abs3A_272 : vector<16xf32>
      %mul3A_274 = arith.constant 64 : i32
      %mul3A_275 = arith.muli %scan3A_244, %mul3A_274 : i32
      %add3A_276 = arith.constant 32 : i32
      %add3A_277 = arith.addi %mul3A_275, %add3A_276 : i32
      %get3A_278 = arith.index_cast %add3A_277 : i32 to index
      %get3A_279 = tpu.vector_load %arg11[%get3A_278] {strides = array<i32>} : memref<16384xf32, #tpu.memory_space<vmem>>, vector<16xf32>,
      %get3A_280 = vector.shape_cast %get3A_279 : vector<16xf32> to vector<16xf32>
      %get3A_281 = arith.index_cast %scan3A_244 : i32 to index
      %get3A_282 = arith.constant 32 : index
      %get3A_283 = tpu.vector_load %arg12[%get3A_281, %get3A_282] {strides = array<i32>} : memref<256x64xf32, #tpu.memory_space<vmem>>, vector<1x16xf32>,
      %get3A_284 = vector.shape_cast %get3A_283 : vector<1x16xf32> to vector<16xf32>
      %sub3A_285 = arith.subf %get3A_280, %get3A_284 : vector<16xf32>
      %abs3A_286 = math.absf %sub3A_285 : vector<16xf32>
      %add3A_287 = arith.addf %scan3A_247, %abs3A_286 : vector<16xf32>
      %mul3A_288 = arith.constant 64 : i32
      %mul3A_289 = arith.muli %scan3A_244, %mul3A_288 : i32
      %add3A_290 = arith.constant 48 : i32
      %add3A_291 = arith.addi %mul3A_289, %add3A_290 : i32
      %get3A_292 = arith.index_cast %add3A_291 : i32 to index
      %get3A_293 = tpu.vector_load %arg11[%get3A_292] {strides = array<i32>} : memref<16384xf32, #tpu.memory_space<vmem>>, vector<16xf32>,
      %get3A_294 = vector.shape_cast %get3A_293 : vector<16xf32> to vector<16xf32>
      %get3A_295 = arith.index_cast %scan3A_244 : i32 to index
      %get3A_296 = arith.constant 48 : index
      %get3A_297 = tpu.vector_load %arg12[%get3A_295, %get3A_296] {strides = array<i32>} : memref<256x64xf32, #tpu.memory_space<vmem>>, vector<1x16xf32>,
      %get3A_298 = vector.shape_cast %get3A_297 : vector<1x16xf32> to vector<16xf32>
      %sub3A_299 = arith.subf %get3A_294, %get3A_298 : vector<16xf32>
      %abs3A_300 = math.absf %sub3A_299 : vector<16xf32>
      %add3A_301 = arith.addf %scan3A_248, %abs3A_300 : vector<16xf32>
      scf.yield %add3A_259, %add3A_273, %add3A_287, %add3A_301 : vector<16xf32>, vector<16xf32>, vector<16xf32>, vector<16xf32>
    }
    %scan3A_138 = arith.constant 32 : i32
    %scan3A_139 = arith.constant 0 : i32
    %scan3A_140 = arith.constant 32 : i32
    %scan3A_141 = arith.constant 16 : i32
    %scan3A_142 = arith.addi %scan3A_140, %scan3A_141 : i32
    %scan3A_143 = arith.constant 1 : i32
    %scan3A_144 = scf.for %scan3A_244 = %scan3A_140 to %scan3A_142 step %scan3A_143 iter_args(%scan3A_245 = %scan3A_139) -> (i32)  : i32 {
      %mul3A_246 = arith.constant 128 : i32
      %mul3A_247 = arith.muli %scan3A_244, %mul3A_246 : i32
      %mul3A_248 = arith.constant 128 : i32
      %mul3A_249 = arith.muli %scan3A_244, %mul3A_248 : i32
      %dma_wait3A_250 = tpu.memref_slice %arg11[%mul3A_249] : memref<16384xf32, #tpu.memory_space<vmem>> -> memref<128xf32, #tpu.memory_space<vmem>>
      %dma_wait3A_251 = tpu.memref_slice %arg10[%mul3A_247] : memref<16384xi32, #tpu.memory_space<vmem>> -> memref<128xi32, #tpu.memory_space<vmem>>
      %dma_wait3A_252 = arith.constant 0 : i32
      %dma_wait3A_253 = tpu.memref_slice %arg2[%dma_wait3A_252] : memref<16777216xf32, #tpu.memory_space<hbm>> -> memref<16777216xf32, #tpu.memory_space<hbm>>
      tpu.wait_indirect_dma semaphore(%arg17 : memref<!tpu.dma_semaphore, #tpu.memory_space<semaphore_mem>>) src(%dma_wait3A_253 : memref<16777216xf32, #tpu.memory_space<hbm>>) dst(%dma_wait3A_250 : memref<128xf32, #tpu.memory_space<vmem>>)
      %scan3A_254 = arith.constant 0 : i32
      scf.yield %scan3A_254 : i32
    }
    %scan3A_145 = arith.constant 16 : i32
    %scan3A_146 = arith.constant 64 : i32
    %scan3A_147 = arith.constant 32 : i32
    %scan3A_148 = arith.addi %scan3A_146, %scan3A_147 : i32
    %scan3A_149 = arith.constant 1 : i32
    %scan3A_150:4 = scf.for %scan3A_244 = %scan3A_146 to %scan3A_148 step %scan3A_149 iter_args(%scan3A_245 = %scan3A_137#0, %scan3A_246 = %scan3A_137#1, %scan3A_247 = %scan3A_137#2, %scan3A_248 = %scan3A_137#3) -> (vector<16xf32>, vector<16xf32>, vector<16xf32>, vector<16xf32>)  : i32 {
      %mul3A_249 = arith.constant 64 : i32
      %mul3A_250 = arith.muli %scan3A_244, %mul3A_249 : i32
      %add3A_251 = arith.constant 0 : i32
      %add3A_252 = arith.addi %mul3A_250, %add3A_251 : i32
      %get3A = arith.index_cast %add3A_252 : i32 to index
      %get3A_253 = tpu.vector_load %arg11[%get3A] {strides = array<i32>} : memref<16384xf32, #tpu.memory_space<vmem>>, vector<16xf32>,
      %get3A_254 = vector.shape_cast %get3A_253 : vector<16xf32> to vector<16xf32>
      %get3A_255 = arith.index_cast %scan3A_244 : i32 to index
      %get3A_256 = arith.constant 0 : index
      %get3A_257 = tpu.vector_load %arg12[%get3A_255, %get3A_256] {strides = array<i32>} : memref<256x64xf32, #tpu.memory_space<vmem>>, vector<1x16xf32>,
      %get3A_258 = vector.shape_cast %get3A_257 : vector<1x16xf32> to vector<16xf32>
      %sub3A = arith.subf %get3A_254, %get3A_258 : vector<16xf32>
      %abs3A = math.absf %sub3A : vector<16xf32>
      %add3A_259 = arith.addf %scan3A_245, %abs3A : vector<16xf32>
      %mul3A_260 = arith.constant 64 : i32
      %mul3A_261 = arith.muli %scan3A_244, %mul3A_260 : i32
      %add3A_262 = arith.constant 16 : i32
      %add3A_263 = arith.addi %mul3A_261, %add3A_262 : i32
      %get3A_264 = arith.index_cast %add3A_263 : i32 to index
      %get3A_265 = tpu.vector_load %arg11[%get3A_264] {strides = array<i32>} : memref<16384xf32, #tpu.memory_space<vmem>>, vector<16xf32>,
      %get3A_266 = vector.shape_cast %get3A_265 : vector<16xf32> to vector<16xf32>
      %get3A_267 = arith.index_cast %scan3A_244 : i32 to index
      %get3A_268 = arith.constant 16 : index
      %get3A_269 = tpu.vector_load %arg12[%get3A_267, %get3A_268] {strides = array<i32>} : memref<256x64xf32, #tpu.memory_space<vmem>>, vector<1x16xf32>,
      %get3A_270 = vector.shape_cast %get3A_269 : vector<1x16xf32> to vector<16xf32>
      %sub3A_271 = arith.subf %get3A_266, %get3A_270 : vector<16xf32>
      %abs3A_272 = math.absf %sub3A_271 : vector<16xf32>
      %add3A_273 = arith.addf %scan3A_246, %abs3A_272 : vector<16xf32>
      %mul3A_274 = arith.constant 64 : i32
      %mul3A_275 = arith.muli %scan3A_244, %mul3A_274 : i32
      %add3A_276 = arith.constant 32 : i32
      %add3A_277 = arith.addi %mul3A_275, %add3A_276 : i32
      %get3A_278 = arith.index_cast %add3A_277 : i32 to index
      %get3A_279 = tpu.vector_load %arg11[%get3A_278] {strides = array<i32>} : memref<16384xf32, #tpu.memory_space<vmem>>, vector<16xf32>,
      %get3A_280 = vector.shape_cast %get3A_279 : vector<16xf32> to vector<16xf32>
      %get3A_281 = arith.index_cast %scan3A_244 : i32 to index
      %get3A_282 = arith.constant 32 : index
      %get3A_283 = tpu.vector_load %arg12[%get3A_281, %get3A_282] {strides = array<i32>} : memref<256x64xf32, #tpu.memory_space<vmem>>, vector<1x16xf32>,
      %get3A_284 = vector.shape_cast %get3A_283 : vector<1x16xf32> to vector<16xf32>
      %sub3A_285 = arith.subf %get3A_280, %get3A_284 : vector<16xf32>
      %abs3A_286 = math.absf %sub3A_285 : vector<16xf32>
      %add3A_287 = arith.addf %scan3A_247, %abs3A_286 : vector<16xf32>
      %mul3A_288 = arith.constant 64 : i32
      %mul3A_289 = arith.muli %scan3A_244, %mul3A_288 : i32
      %add3A_290 = arith.constant 48 : i32
      %add3A_291 = arith.addi %mul3A_289, %add3A_290 : i32
      %get3A_292 = arith.index_cast %add3A_291 : i32 to index
      %get3A_293 = tpu.vector_load %arg11[%get3A_292] {strides = array<i32>} : memref<16384xf32, #tpu.memory_space<vmem>>, vector<16xf32>,
      %get3A_294 = vector.shape_cast %get3A_293 : vector<16xf32> to vector<16xf32>
      %get3A_295 = arith.index_cast %scan3A_244 : i32 to index
      %get3A_296 = arith.constant 48 : index
      %get3A_297 = tpu.vector_load %arg12[%get3A_295, %get3A_296] {strides = array<i32>} : memref<256x64xf32, #tpu.memory_space<vmem>>, vector<1x16xf32>,
      %get3A_298 = vector.shape_cast %get3A_297 : vector<1x16xf32> to vector<16xf32>
      %sub3A_299 = arith.subf %get3A_294, %get3A_298 : vector<16xf32>
      %abs3A_300 = math.absf %sub3A_299 : vector<16xf32>
      %add3A_301 = arith.addf %scan3A_248, %abs3A_300 : vector<16xf32>
      scf.yield %add3A_259, %add3A_273, %add3A_287, %add3A_301 : vector<16xf32>, vector<16xf32>, vector<16xf32>, vector<16xf32>
    }
    %scan3A_151 = arith.constant 32 : i32
    %scan3A_152 = arith.constant 0 : i32
    %scan3A_153 = arith.constant 48 : i32
    %scan3A_154 = arith.constant 16 : i32
    %scan3A_155 = arith.addi %scan3A_153, %scan3A_154 : i32
    %scan3A_156 = arith.constant 1 : i32
    %scan3A_157 = scf.for %scan3A_244 = %scan3A_153 to %scan3A_155 step %scan3A_156 iter_args(%scan3A_245 = %scan3A_152) -> (i32)  : i32 {
      %mul3A_246 = arith.constant 128 : i32
      %mul3A_247 = arith.muli %scan3A_244, %mul3A_246 : i32
      %mul3A_248 = arith.constant 128 : i32
      %mul3A_249 = arith.muli %scan3A_244, %mul3A_248 : i32
      %dma_wait3A_250 = tpu.memref_slice %arg11[%mul3A_249] : memref<16384xf32, #tpu.memory_space<vmem>> -> memref<128xf32, #tpu.memory_space<vmem>>
      %dma_wait3A_251 = tpu.memref_slice %arg10[%mul3A_247] : memref<16384xi32, #tpu.memory_space<vmem>> -> memref<128xi32, #tpu.memory_space<vmem>>
      %dma_wait3A_252 = arith.constant 0 : i32
      %dma_wait3A_253 = tpu.memref_slice %arg2[%dma_wait3A_252] : memref<16777216xf32, #tpu.memory_space<hbm>> -> memref<16777216xf32, #tpu.memory_space<hbm>>
      tpu.wait_indirect_dma semaphore(%arg18 : memref<!tpu.dma_semaphore, #tpu.memory_space<semaphore_mem>>) src(%dma_wait3A_253 : memref<16777216xf32, #tpu.memory_space<hbm>>) dst(%dma_wait3A_250 : memref<128xf32, #tpu.memory_space<vmem>>)
      %scan3A_254 = arith.constant 0 : i32
      scf.yield %scan3A_254 : i32
    }
    %scan3A_158 = arith.constant 16 : i32
    %scan3A_159 = arith.constant 96 : i32
    %scan3A_160 = arith.constant 32 : i32
    %scan3A_161 = arith.addi %scan3A_159, %scan3A_160 : i32
    %scan3A_162 = arith.constant 1 : i32
    %scan3A_163:4 = scf.for %scan3A_244 = %scan3A_159 to %scan3A_161 step %scan3A_162 iter_args(%scan3A_245 = %scan3A_150#0, %scan3A_246 = %scan3A_150#1, %scan3A_247 = %scan3A_150#2, %scan3A_248 = %scan3A_150#3) -> (vector<16xf32>, vector<16xf32>, vector<16xf32>, vector<16xf32>)  : i32 {
      %mul3A_249 = arith.constant 64 : i32
      %mul3A_250 = arith.muli %scan3A_244, %mul3A_249 : i32
      %add3A_251 = arith.constant 0 : i32
      %add3A_252 = arith.addi %mul3A_250, %add3A_251 : i32
      %get3A = arith.index_cast %add3A_252 : i32 to index
      %get3A_253 = tpu.vector_load %arg11[%get3A] {strides = array<i32>} : memref<16384xf32, #tpu.memory_space<vmem>>, vector<16xf32>,
      %get3A_254 = vector.shape_cast %get3A_253 : vector<16xf32> to vector<16xf32>
      %get3A_255 = arith.index_cast %scan3A_244 : i32 to index
      %get3A_256 = arith.constant 0 : index
      %get3A_257 = tpu.vector_load %arg12[%get3A_255, %get3A_256] {strides = array<i32>} : memref<256x64xf32, #tpu.memory_space<vmem>>, vector<1x16xf32>,
      %get3A_258 = vector.shape_cast %get3A_257 : vector<1x16xf32> to vector<16xf32>
      %sub3A = arith.subf %get3A_254, %get3A_258 : vector<16xf32>
      %abs3A = math.absf %sub3A : vector<16xf32>
      %add3A_259 = arith.addf %scan3A_245, %abs3A : vector<16xf32>
      %mul3A_260 = arith.constant 64 : i32
      %mul3A_261 = arith.muli %scan3A_244, %mul3A_260 : i32
      %add3A_262 = arith.constant 16 : i32
      %add3A_263 = arith.addi %mul3A_261, %add3A_262 : i32
      %get3A_264 = arith.index_cast %add3A_263 : i32 to index
      %get3A_265 = tpu.vector_load %arg11[%get3A_264] {strides = array<i32>} : memref<16384xf32, #tpu.memory_space<vmem>>, vector<16xf32>,
      %get3A_266 = vector.shape_cast %get3A_265 : vector<16xf32> to vector<16xf32>
      %get3A_267 = arith.index_cast %scan3A_244 : i32 to index
      %get3A_268 = arith.constant 16 : index
      %get3A_269 = tpu.vector_load %arg12[%get3A_267, %get3A_268] {strides = array<i32>} : memref<256x64xf32, #tpu.memory_space<vmem>>, vector<1x16xf32>,
      %get3A_270 = vector.shape_cast %get3A_269 : vector<1x16xf32> to vector<16xf32>
      %sub3A_271 = arith.subf %get3A_266, %get3A_270 : vector<16xf32>
      %abs3A_272 = math.absf %sub3A_271 : vector<16xf32>
      %add3A_273 = arith.addf %scan3A_246, %abs3A_272 : vector<16xf32>
      %mul3A_274 = arith.constant 64 : i32
      %mul3A_275 = arith.muli %scan3A_244, %mul3A_274 : i32
      %add3A_276 = arith.constant 32 : i32
      %add3A_277 = arith.addi %mul3A_275, %add3A_276 : i32
      %get3A_278 = arith.index_cast %add3A_277 : i32 to index
      %get3A_279 = tpu.vector_load %arg11[%get3A_278] {strides = array<i32>} : memref<16384xf32, #tpu.memory_space<vmem>>, vector<16xf32>,
      %get3A_280 = vector.shape_cast %get3A_279 : vector<16xf32> to vector<16xf32>
      %get3A_281 = arith.index_cast %scan3A_244 : i32 to index
      %get3A_282 = arith.constant 32 : index
      %get3A_283 = tpu.vector_load %arg12[%get3A_281, %get3A_282] {strides = array<i32>} : memref<256x64xf32, #tpu.memory_space<vmem>>, vector<1x16xf32>,
      %get3A_284 = vector.shape_cast %get3A_283 : vector<1x16xf32> to vector<16xf32>
      %sub3A_285 = arith.subf %get3A_280, %get3A_284 : vector<16xf32>
      %abs3A_286 = math.absf %sub3A_285 : vector<16xf32>
      %add3A_287 = arith.addf %scan3A_247, %abs3A_286 : vector<16xf32>
      %mul3A_288 = arith.constant 64 : i32
      %mul3A_289 = arith.muli %scan3A_244, %mul3A_288 : i32
      %add3A_290 = arith.constant 48 : i32
      %add3A_291 = arith.addi %mul3A_289, %add3A_290 : i32
      %get3A_292 = arith.index_cast %add3A_291 : i32 to index
      %get3A_293 = tpu.vector_load %arg11[%get3A_292] {strides = array<i32>} : memref<16384xf32, #tpu.memory_space<vmem>>, vector<16xf32>,
      %get3A_294 = vector.shape_cast %get3A_293 : vector<16xf32> to vector<16xf32>
      %get3A_295 = arith.index_cast %scan3A_244 : i32 to index
      %get3A_296 = arith.constant 48 : index
      %get3A_297 = tpu.vector_load %arg12[%get3A_295, %get3A_296] {strides = array<i32>} : memref<256x64xf32, #tpu.memory_space<vmem>>, vector<1x16xf32>,
      %get3A_298 = vector.shape_cast %get3A_297 : vector<1x16xf32> to vector<16xf32>
      %sub3A_299 = arith.subf %get3A_294, %get3A_298 : vector<16xf32>
      %abs3A_300 = math.absf %sub3A_299 : vector<16xf32>
      %add3A_301 = arith.addf %scan3A_248, %abs3A_300 : vector<16xf32>
      scf.yield %add3A_259, %add3A_273, %add3A_287, %add3A_301 : vector<16xf32>, vector<16xf32>, vector<16xf32>, vector<16xf32>
    }
    %scan3A_164 = arith.constant 32 : i32
    %scan3A_165 = arith.constant 0 : i32
    %scan3A_166 = arith.constant 64 : i32
    %scan3A_167 = arith.constant 16 : i32
    %scan3A_168 = arith.addi %scan3A_166, %scan3A_167 : i32
    %scan3A_169 = arith.constant 1 : i32
    %scan3A_170 = scf.for %scan3A_244 = %scan3A_166 to %scan3A_168 step %scan3A_169 iter_args(%scan3A_245 = %scan3A_165) -> (i32)  : i32 {
      %mul3A_246 = arith.constant 128 : i32
      %mul3A_247 = arith.muli %scan3A_244, %mul3A_246 : i32
      %mul3A_248 = arith.constant 128 : i32
      %mul3A_249 = arith.muli %scan3A_244, %mul3A_248 : i32
      %dma_wait3A_250 = tpu.memref_slice %arg11[%mul3A_249] : memref<16384xf32, #tpu.memory_space<vmem>> -> memref<128xf32, #tpu.memory_space<vmem>>
      %dma_wait3A_251 = tpu.memref_slice %arg10[%mul3A_247] : memref<16384xi32, #tpu.memory_space<vmem>> -> memref<128xi32, #tpu.memory_space<vmem>>
      %dma_wait3A_252 = arith.constant 0 : i32
      %dma_wait3A_253 = tpu.memref_slice %arg2[%dma_wait3A_252] : memref<16777216xf32, #tpu.memory_space<hbm>> -> memref<16777216xf32, #tpu.memory_space<hbm>>
      tpu.wait_indirect_dma semaphore(%arg19 : memref<!tpu.dma_semaphore, #tpu.memory_space<semaphore_mem>>) src(%dma_wait3A_253 : memref<16777216xf32, #tpu.memory_space<hbm>>) dst(%dma_wait3A_250 : memref<128xf32, #tpu.memory_space<vmem>>)
      %scan3A_254 = arith.constant 0 : i32
      scf.yield %scan3A_254 : i32
    }
    %scan3A_171 = arith.constant 16 : i32
    %scan3A_172 = arith.constant 128 : i32
    %scan3A_173 = arith.constant 32 : i32
    %scan3A_174 = arith.addi %scan3A_172, %scan3A_173 : i32
    %scan3A_175 = arith.constant 1 : i32
    %scan3A_176:4 = scf.for %scan3A_244 = %scan3A_172 to %scan3A_174 step %scan3A_175 iter_args(%scan3A_245 = %scan3A_163#0, %scan3A_246 = %scan3A_163#1, %scan3A_247 = %scan3A_163#2, %scan3A_248 = %scan3A_163#3) -> (vector<16xf32>, vector<16xf32>, vector<16xf32>, vector<16xf32>)  : i32 {
      %mul3A_249 = arith.constant 64 : i32
      %mul3A_250 = arith.muli %scan3A_244, %mul3A_249 : i32
      %add3A_251 = arith.constant 0 : i32
      %add3A_252 = arith.addi %mul3A_250, %add3A_251 : i32
      %get3A = arith.index_cast %add3A_252 : i32 to index
      %get3A_253 = tpu.vector_load %arg11[%get3A] {strides = array<i32>} : memref<16384xf32, #tpu.memory_space<vmem>>, vector<16xf32>,
      %get3A_254 = vector.shape_cast %get3A_253 : vector<16xf32> to vector<16xf32>
      %get3A_255 = arith.index_cast %scan3A_244 : i32 to index
      %get3A_256 = arith.constant 0 : index
      %get3A_257 = tpu.vector_load %arg12[%get3A_255, %get3A_256] {strides = array<i32>} : memref<256x64xf32, #tpu.memory_space<vmem>>, vector<1x16xf32>,
      %get3A_258 = vector.shape_cast %get3A_257 : vector<1x16xf32> to vector<16xf32>
      %sub3A = arith.subf %get3A_254, %get3A_258 : vector<16xf32>
      %abs3A = math.absf %sub3A : vector<16xf32>
      %add3A_259 = arith.addf %scan3A_245, %abs3A : vector<16xf32>
      %mul3A_260 = arith.constant 64 : i32
      %mul3A_261 = arith.muli %scan3A_244, %mul3A_260 : i32
      %add3A_262 = arith.constant 16 : i32
      %add3A_263 = arith.addi %mul3A_261, %add3A_262 : i32
      %get3A_264 = arith.index_cast %add3A_263 : i32 to index
      %get3A_265 = tpu.vector_load %arg11[%get3A_264] {strides = array<i32>} : memref<16384xf32, #tpu.memory_space<vmem>>, vector<16xf32>,
      %get3A_266 = vector.shape_cast %get3A_265 : vector<16xf32> to vector<16xf32>
      %get3A_267 = arith.index_cast %scan3A_244 : i32 to index
      %get3A_268 = arith.constant 16 : index
      %get3A_269 = tpu.vector_load %arg12[%get3A_267, %get3A_268] {strides = array<i32>} : memref<256x64xf32, #tpu.memory_space<vmem>>, vector<1x16xf32>,
      %get3A_270 = vector.shape_cast %get3A_269 : vector<1x16xf32> to vector<16xf32>
      %sub3A_271 = arith.subf %get3A_266, %get3A_270 : vector<16xf32>
      %abs3A_272 = math.absf %sub3A_271 : vector<16xf32>
      %add3A_273 = arith.addf %scan3A_246, %abs3A_272 : vector<16xf32>
      %mul3A_274 = arith.constant 64 : i32
      %mul3A_275 = arith.muli %scan3A_244, %mul3A_274 : i32
      %add3A_276 = arith.constant 32 : i32
      %add3A_277 = arith.addi %mul3A_275, %add3A_276 : i32
      %get3A_278 = arith.index_cast %add3A_277 : i32 to index
      %get3A_279 = tpu.vector_load %arg11[%get3A_278] {strides = array<i32>} : memref<16384xf32, #tpu.memory_space<vmem>>, vector<16xf32>,
      %get3A_280 = vector.shape_cast %get3A_279 : vector<16xf32> to vector<16xf32>
      %get3A_281 = arith.index_cast %scan3A_244 : i32 to index
      %get3A_282 = arith.constant 32 : index
      %get3A_283 = tpu.vector_load %arg12[%get3A_281, %get3A_282] {strides = array<i32>} : memref<256x64xf32, #tpu.memory_space<vmem>>, vector<1x16xf32>,
      %get3A_284 = vector.shape_cast %get3A_283 : vector<1x16xf32> to vector<16xf32>
      %sub3A_285 = arith.subf %get3A_280, %get3A_284 : vector<16xf32>
      %abs3A_286 = math.absf %sub3A_285 : vector<16xf32>
      %add3A_287 = arith.addf %scan3A_247, %abs3A_286 : vector<16xf32>
      %mul3A_288 = arith.constant 64 : i32
      %mul3A_289 = arith.muli %scan3A_244, %mul3A_288 : i32
      %add3A_290 = arith.constant 48 : i32
      %add3A_291 = arith.addi %mul3A_289, %add3A_290 : i32
      %get3A_292 = arith.index_cast %add3A_291 : i32 to index
      %get3A_293 = tpu.vector_load %arg11[%get3A_292] {strides = array<i32>} : memref<16384xf32, #tpu.memory_space<vmem>>, vector<16xf32>,
      %get3A_294 = vector.shape_cast %get3A_293 : vector<16xf32> to vector<16xf32>
      %get3A_295 = arith.index_cast %scan3A_244 : i32 to index
      %get3A_296 = arith.constant 48 : index
      %get3A_297 = tpu.vector_load %arg12[%get3A_295, %get3A_296] {strides = array<i32>} : memref<256x64xf32, #tpu.memory_space<vmem>>, vector<1x16xf32>,
      %get3A_298 = vector.shape_cast %get3A_297 : vector<1x16xf32> to vector<16xf32>
      %sub3A_299 = arith.subf %get3A_294, %get3A_298 : vector<16xf32>
      %abs3A_300 = math.absf %sub3A_299 : vector<16xf32>
      %add3A_301 = arith.addf %scan3A_248, %abs3A_300 : vector<16xf32>
      scf.yield %add3A_259, %add3A_273, %add3A_287, %add3A_301 : vector<16xf32>, vector<16xf32>, vector<16xf32>, vector<16xf32>
    }
    %scan3A_177 = arith.constant 32 : i32
    %scan3A_178 = arith.constant 0 : i32
    %scan3A_179 = arith.constant 80 : i32
    %scan3A_180 = arith.constant 16 : i32
    %scan3A_181 = arith.addi %scan3A_179, %scan3A_180 : i32
    %scan3A_182 = arith.constant 1 : i32
    %scan3A_183 = scf.for %scan3A_244 = %scan3A_179 to %scan3A_181 step %scan3A_182 iter_args(%scan3A_245 = %scan3A_178) -> (i32)  : i32 {
      %mul3A_246 = arith.constant 128 : i32
      %mul3A_247 = arith.muli %scan3A_244, %mul3A_246 : i32
      %mul3A_248 = arith.constant 128 : i32
      %mul3A_249 = arith.muli %scan3A_244, %mul3A_248 : i32
      %dma_wait3A_250 = tpu.memref_slice %arg11[%mul3A_249] : memref<16384xf32, #tpu.memory_space<vmem>> -> memref<128xf32, #tpu.memory_space<vmem>>
      %dma_wait3A_251 = tpu.memref_slice %arg10[%mul3A_247] : memref<16384xi32, #tpu.memory_space<vmem>> -> memref<128xi32, #tpu.memory_space<vmem>>
      %dma_wait3A_252 = arith.constant 0 : i32
      %dma_wait3A_253 = tpu.memref_slice %arg2[%dma_wait3A_252] : memref<16777216xf32, #tpu.memory_space<hbm>> -> memref<16777216xf32, #tpu.memory_space<hbm>>
      tpu.wait_indirect_dma semaphore(%arg20 : memref<!tpu.dma_semaphore, #tpu.memory_space<semaphore_mem>>) src(%dma_wait3A_253 : memref<16777216xf32, #tpu.memory_space<hbm>>) dst(%dma_wait3A_250 : memref<128xf32, #tpu.memory_space<vmem>>)
      %scan3A_254 = arith.constant 0 : i32
      scf.yield %scan3A_254 : i32
    }
    %scan3A_184 = arith.constant 16 : i32
    %scan3A_185 = arith.constant 160 : i32
    %scan3A_186 = arith.constant 32 : i32
    %scan3A_187 = arith.addi %scan3A_185, %scan3A_186 : i32
    %scan3A_188 = arith.constant 1 : i32
    %scan3A_189:4 = scf.for %scan3A_244 = %scan3A_185 to %scan3A_187 step %scan3A_188 iter_args(%scan3A_245 = %scan3A_176#0, %scan3A_246 = %scan3A_176#1, %scan3A_247 = %scan3A_176#2, %scan3A_248 = %scan3A_176#3) -> (vector<16xf32>, vector<16xf32>, vector<16xf32>, vector<16xf32>)  : i32 {
      %mul3A_249 = arith.constant 64 : i32
      %mul3A_250 = arith.muli %scan3A_244, %mul3A_249 : i32
      %add3A_251 = arith.constant 0 : i32
      %add3A_252 = arith.addi %mul3A_250, %add3A_251 : i32
      %get3A = arith.index_cast %add3A_252 : i32 to index
      %get3A_253 = tpu.vector_load %arg11[%get3A] {strides = array<i32>} : memref<16384xf32, #tpu.memory_space<vmem>>, vector<16xf32>,
      %get3A_254 = vector.shape_cast %get3A_253 : vector<16xf32> to vector<16xf32>
      %get3A_255 = arith.index_cast %scan3A_244 : i32 to index
      %get3A_256 = arith.constant 0 : index
      %get3A_257 = tpu.vector_load %arg12[%get3A_255, %get3A_256] {strides = array<i32>} : memref<256x64xf32, #tpu.memory_space<vmem>>, vector<1x16xf32>,
      %get3A_258 = vector.shape_cast %get3A_257 : vector<1x16xf32> to vector<16xf32>
      %sub3A = arith.subf %get3A_254, %get3A_258 : vector<16xf32>
      %abs3A = math.absf %sub3A : vector<16xf32>
      %add3A_259 = arith.addf %scan3A_245, %abs3A : vector<16xf32>
      %mul3A_260 = arith.constant 64 : i32
      %mul3A_261 = arith.muli %scan3A_244, %mul3A_260 : i32
      %add3A_262 = arith.constant 16 : i32
      %add3A_263 = arith.addi %mul3A_261, %add3A_262 : i32
      %get3A_264 = arith.index_cast %add3A_263 : i32 to index
      %get3A_265 = tpu.vector_load %arg11[%get3A_264] {strides = array<i32>} : memref<16384xf32, #tpu.memory_space<vmem>>, vector<16xf32>,
      %get3A_266 = vector.shape_cast %get3A_265 : vector<16xf32> to vector<16xf32>
      %get3A_267 = arith.index_cast %scan3A_244 : i32 to index
      %get3A_268 = arith.constant 16 : index
      %get3A_269 = tpu.vector_load %arg12[%get3A_267, %get3A_268] {strides = array<i32>} : memref<256x64xf32, #tpu.memory_space<vmem>>, vector<1x16xf32>,
      %get3A_270 = vector.shape_cast %get3A_269 : vector<1x16xf32> to vector<16xf32>
      %sub3A_271 = arith.subf %get3A_266, %get3A_270 : vector<16xf32>
      %abs3A_272 = math.absf %sub3A_271 : vector<16xf32>
      %add3A_273 = arith.addf %scan3A_246, %abs3A_272 : vector<16xf32>
      %mul3A_274 = arith.constant 64 : i32
      %mul3A_275 = arith.muli %scan3A_244, %mul3A_274 : i32
      %add3A_276 = arith.constant 32 : i32
      %add3A_277 = arith.addi %mul3A_275, %add3A_276 : i32
      %get3A_278 = arith.index_cast %add3A_277 : i32 to index
      %get3A_279 = tpu.vector_load %arg11[%get3A_278] {strides = array<i32>} : memref<16384xf32, #tpu.memory_space<vmem>>, vector<16xf32>,
      %get3A_280 = vector.shape_cast %get3A_279 : vector<16xf32> to vector<16xf32>
      %get3A_281 = arith.index_cast %scan3A_244 : i32 to index
      %get3A_282 = arith.constant 32 : index
      %get3A_283 = tpu.vector_load %arg12[%get3A_281, %get3A_282] {strides = array<i32>} : memref<256x64xf32, #tpu.memory_space<vmem>>, vector<1x16xf32>,
      %get3A_284 = vector.shape_cast %get3A_283 : vector<1x16xf32> to vector<16xf32>
      %sub3A_285 = arith.subf %get3A_280, %get3A_284 : vector<16xf32>
      %abs3A_286 = math.absf %sub3A_285 : vector<16xf32>
      %add3A_287 = arith.addf %scan3A_247, %abs3A_286 : vector<16xf32>
      %mul3A_288 = arith.constant 64 : i32
      %mul3A_289 = arith.muli %scan3A_244, %mul3A_288 : i32
      %add3A_290 = arith.constant 48 : i32
      %add3A_291 = arith.addi %mul3A_289, %add3A_290 : i32
      %get3A_292 = arith.index_cast %add3A_291 : i32 to index
      %get3A_293 = tpu.vector_load %arg11[%get3A_292] {strides = array<i32>} : memref<16384xf32, #tpu.memory_space<vmem>>, vector<16xf32>,
      %get3A_294 = vector.shape_cast %get3A_293 : vector<16xf32> to vector<16xf32>
      %get3A_295 = arith.index_cast %scan3A_244 : i32 to index
      %get3A_296 = arith.constant 48 : index
      %get3A_297 = tpu.vector_load %arg12[%get3A_295, %get3A_296] {strides = array<i32>} : memref<256x64xf32, #tpu.memory_space<vmem>>, vector<1x16xf32>,
      %get3A_298 = vector.shape_cast %get3A_297 : vector<1x16xf32> to vector<16xf32>
      %sub3A_299 = arith.subf %get3A_294, %get3A_298 : vector<16xf32>
      %abs3A_300 = math.absf %sub3A_299 : vector<16xf32>
      %add3A_301 = arith.addf %scan3A_248, %abs3A_300 : vector<16xf32>
      scf.yield %add3A_259, %add3A_273, %add3A_287, %add3A_301 : vector<16xf32>, vector<16xf32>, vector<16xf32>, vector<16xf32>
    }
    %scan3A_190 = arith.constant 32 : i32
    %scan3A_191 = arith.constant 0 : i32
    %scan3A_192 = arith.constant 96 : i32
    %scan3A_193 = arith.constant 16 : i32
    %scan3A_194 = arith.addi %scan3A_192, %scan3A_193 : i32
    %scan3A_195 = arith.constant 1 : i32
    %scan3A_196 = scf.for %scan3A_244 = %scan3A_192 to %scan3A_194 step %scan3A_195 iter_args(%scan3A_245 = %scan3A_191) -> (i32)  : i32 {
      %mul3A_246 = arith.constant 128 : i32
      %mul3A_247 = arith.muli %scan3A_244, %mul3A_246 : i32
      %mul3A_248 = arith.constant 128 : i32
      %mul3A_249 = arith.muli %scan3A_244, %mul3A_248 : i32
      %dma_wait3A_250 = tpu.memref_slice %arg11[%mul3A_249] : memref<16384xf32, #tpu.memory_space<vmem>> -> memref<128xf32, #tpu.memory_space<vmem>>
      %dma_wait3A_251 = tpu.memref_slice %arg10[%mul3A_247] : memref<16384xi32, #tpu.memory_space<vmem>> -> memref<128xi32, #tpu.memory_space<vmem>>
      %dma_wait3A_252 = arith.constant 0 : i32
      %dma_wait3A_253 = tpu.memref_slice %arg2[%dma_wait3A_252] : memref<16777216xf32, #tpu.memory_space<hbm>> -> memref<16777216xf32, #tpu.memory_space<hbm>>
      tpu.wait_indirect_dma semaphore(%arg21 : memref<!tpu.dma_semaphore, #tpu.memory_space<semaphore_mem>>) src(%dma_wait3A_253 : memref<16777216xf32, #tpu.memory_space<hbm>>) dst(%dma_wait3A_250 : memref<128xf32, #tpu.memory_space<vmem>>)
      %scan3A_254 = arith.constant 0 : i32
      scf.yield %scan3A_254 : i32
    }
    %scan3A_197 = arith.constant 16 : i32
    %scan3A_198 = arith.constant 192 : i32
    %scan3A_199 = arith.constant 32 : i32
    %scan3A_200 = arith.addi %scan3A_198, %scan3A_199 : i32
    %scan3A_201 = arith.constant 1 : i32
    %scan3A_202:4 = scf.for %scan3A_244 = %scan3A_198 to %scan3A_200 step %scan3A_201 iter_args(%scan3A_245 = %scan3A_189#0, %scan3A_246 = %scan3A_189#1, %scan3A_247 = %scan3A_189#2, %scan3A_248 = %scan3A_189#3) -> (vector<16xf32>, vector<16xf32>, vector<16xf32>, vector<16xf32>)  : i32 {
      %mul3A_249 = arith.constant 64 : i32
      %mul3A_250 = arith.muli %scan3A_244, %mul3A_249 : i32
      %add3A_251 = arith.constant 0 : i32
      %add3A_252 = arith.addi %mul3A_250, %add3A_251 : i32
      %get3A = arith.index_cast %add3A_252 : i32 to index
      %get3A_253 = tpu.vector_load %arg11[%get3A] {strides = array<i32>} : memref<16384xf32, #tpu.memory_space<vmem>>, vector<16xf32>,
      %get3A_254 = vector.shape_cast %get3A_253 : vector<16xf32> to vector<16xf32>
      %get3A_255 = arith.index_cast %scan3A_244 : i32 to index
      %get3A_256 = arith.constant 0 : index
      %get3A_257 = tpu.vector_load %arg12[%get3A_255, %get3A_256] {strides = array<i32>} : memref<256x64xf32, #tpu.memory_space<vmem>>, vector<1x16xf32>,
      %get3A_258 = vector.shape_cast %get3A_257 : vector<1x16xf32> to vector<16xf32>
      %sub3A = arith.subf %get3A_254, %get3A_258 : vector<16xf32>
      %abs3A = math.absf %sub3A : vector<16xf32>
      %add3A_259 = arith.addf %scan3A_245, %abs3A : vector<16xf32>
      %mul3A_260 = arith.constant 64 : i32
      %mul3A_261 = arith.muli %scan3A_244, %mul3A_260 : i32
      %add3A_262 = arith.constant 16 : i32
      %add3A_263 = arith.addi %mul3A_261, %add3A_262 : i32
      %get3A_264 = arith.index_cast %add3A_263 : i32 to index
      %get3A_265 = tpu.vector_load %arg11[%get3A_264] {strides = array<i32>} : memref<16384xf32, #tpu.memory_space<vmem>>, vector<16xf32>,
      %get3A_266 = vector.shape_cast %get3A_265 : vector<16xf32> to vector<16xf32>
      %get3A_267 = arith.index_cast %scan3A_244 : i32 to index
      %get3A_268 = arith.constant 16 : index
      %get3A_269 = tpu.vector_load %arg12[%get3A_267, %get3A_268] {strides = array<i32>} : memref<256x64xf32, #tpu.memory_space<vmem>>, vector<1x16xf32>,
      %get3A_270 = vector.shape_cast %get3A_269 : vector<1x16xf32> to vector<16xf32>
      %sub3A_271 = arith.subf %get3A_266, %get3A_270 : vector<16xf32>
      %abs3A_272 = math.absf %sub3A_271 : vector<16xf32>
      %add3A_273 = arith.addf %scan3A_246, %abs3A_272 : vector<16xf32>
      %mul3A_274 = arith.constant 64 : i32
      %mul3A_275 = arith.muli %scan3A_244, %mul3A_274 : i32
      %add3A_276 = arith.constant 32 : i32
      %add3A_277 = arith.addi %mul3A_275, %add3A_276 : i32
      %get3A_278 = arith.index_cast %add3A_277 : i32 to index
      %get3A_279 = tpu.vector_load %arg11[%get3A_278] {strides = array<i32>} : memref<16384xf32, #tpu.memory_space<vmem>>, vector<16xf32>,
      %get3A_280 = vector.shape_cast %get3A_279 : vector<16xf32> to vector<16xf32>
      %get3A_281 = arith.index_cast %scan3A_244 : i32 to index
      %get3A_282 = arith.constant 32 : index
      %get3A_283 = tpu.vector_load %arg12[%get3A_281, %get3A_282] {strides = array<i32>} : memref<256x64xf32, #tpu.memory_space<vmem>>, vector<1x16xf32>,
      %get3A_284 = vector.shape_cast %get3A_283 : vector<1x16xf32> to vector<16xf32>
      %sub3A_285 = arith.subf %get3A_280, %get3A_284 : vector<16xf32>
      %abs3A_286 = math.absf %sub3A_285 : vector<16xf32>
      %add3A_287 = arith.addf %scan3A_247, %abs3A_286 : vector<16xf32>
      %mul3A_288 = arith.constant 64 : i32
      %mul3A_289 = arith.muli %scan3A_244, %mul3A_288 : i32
      %add3A_290 = arith.constant 48 : i32
      %add3A_291 = arith.addi %mul3A_289, %add3A_290 : i32
      %get3A_292 = arith.index_cast %add3A_291 : i32 to index
      %get3A_293 = tpu.vector_load %arg11[%get3A_292] {strides = array<i32>} : memref<16384xf32, #tpu.memory_space<vmem>>, vector<16xf32>,
      %get3A_294 = vector.shape_cast %get3A_293 : vector<16xf32> to vector<16xf32>
      %get3A_295 = arith.index_cast %scan3A_244 : i32 to index
      %get3A_296 = arith.constant 48 : index
      %get3A_297 = tpu.vector_load %arg12[%get3A_295, %get3A_296] {strides = array<i32>} : memref<256x64xf32, #tpu.memory_space<vmem>>, vector<1x16xf32>,
      %get3A_298 = vector.shape_cast %get3A_297 : vector<1x16xf32> to vector<16xf32>
      %sub3A_299 = arith.subf %get3A_294, %get3A_298 : vector<16xf32>
      %abs3A_300 = math.absf %sub3A_299 : vector<16xf32>
      %add3A_301 = arith.addf %scan3A_248, %abs3A_300 : vector<16xf32>
      scf.yield %add3A_259, %add3A_273, %add3A_287, %add3A_301 : vector<16xf32>, vector<16xf32>, vector<16xf32>, vector<16xf32>
    }
    %scan3A_203 = arith.constant 32 : i32
    %scan3A_204 = arith.constant 0 : i32
    %scan3A_205 = arith.constant 112 : i32
    %scan3A_206 = arith.constant 16 : i32
    %scan3A_207 = arith.addi %scan3A_205, %scan3A_206 : i32
    %scan3A_208 = arith.constant 1 : i32
    %scan3A_209 = scf.for %scan3A_244 = %scan3A_205 to %scan3A_207 step %scan3A_208 iter_args(%scan3A_245 = %scan3A_204) -> (i32)  : i32 {
      %mul3A_246 = arith.constant 128 : i32
      %mul3A_247 = arith.muli %scan3A_244, %mul3A_246 : i32
      %mul3A_248 = arith.constant 128 : i32
      %mul3A_249 = arith.muli %scan3A_244, %mul3A_248 : i32
      %dma_wait3A_250 = tpu.memref_slice %arg11[%mul3A_249] : memref<16384xf32, #tpu.memory_space<vmem>> -> memref<128xf32, #tpu.memory_space<vmem>>
      %dma_wait3A_251 = tpu.memref_slice %arg10[%mul3A_247] : memref<16384xi32, #tpu.memory_space<vmem>> -> memref<128xi32, #tpu.memory_space<vmem>>
      %dma_wait3A_252 = arith.constant 0 : i32
      %dma_wait3A_253 = tpu.memref_slice %arg2[%dma_wait3A_252] : memref<16777216xf32, #tpu.memory_space<hbm>> -> memref<16777216xf32, #tpu.memory_space<hbm>>
      tpu.wait_indirect_dma semaphore(%arg22 : memref<!tpu.dma_semaphore, #tpu.memory_space<semaphore_mem>>) src(%dma_wait3A_253 : memref<16777216xf32, #tpu.memory_space<hbm>>) dst(%dma_wait3A_250 : memref<128xf32, #tpu.memory_space<vmem>>)
      %scan3A_254 = arith.constant 0 : i32
      scf.yield %scan3A_254 : i32
    }
    %scan3A_210 = arith.constant 16 : i32
    %scan3A_211 = arith.constant 224 : i32
    %scan3A_212 = arith.constant 32 : i32
    %scan3A_213 = arith.addi %scan3A_211, %scan3A_212 : i32
    %scan3A_214 = arith.constant 1 : i32
    %scan3A_215:4 = scf.for %scan3A_244 = %scan3A_211 to %scan3A_213 step %scan3A_214 iter_args(%scan3A_245 = %scan3A_202#0, %scan3A_246 = %scan3A_202#1, %scan3A_247 = %scan3A_202#2, %scan3A_248 = %scan3A_202#3) -> (vector<16xf32>, vector<16xf32>, vector<16xf32>, vector<16xf32>)  : i32 {
      %mul3A_249 = arith.constant 64 : i32
      %mul3A_250 = arith.muli %scan3A_244, %mul3A_249 : i32
      %add3A_251 = arith.constant 0 : i32
      %add3A_252 = arith.addi %mul3A_250, %add3A_251 : i32
      %get3A = arith.index_cast %add3A_252 : i32 to index
      %get3A_253 = tpu.vector_load %arg11[%get3A] {strides = array<i32>} : memref<16384xf32, #tpu.memory_space<vmem>>, vector<16xf32>,
      %get3A_254 = vector.shape_cast %get3A_253 : vector<16xf32> to vector<16xf32>
      %get3A_255 = arith.index_cast %scan3A_244 : i32 to index
      %get3A_256 = arith.constant 0 : index
      %get3A_257 = tpu.vector_load %arg12[%get3A_255, %get3A_256] {strides = array<i32>} : memref<256x64xf32, #tpu.memory_space<vmem>>, vector<1x16xf32>,
      %get3A_258 = vector.shape_cast %get3A_257 : vector<1x16xf32> to vector<16xf32>
      %sub3A = arith.subf %get3A_254, %get3A_258 : vector<16xf32>
      %abs3A = math.absf %sub3A : vector<16xf32>
      %add3A_259 = arith.addf %scan3A_245, %abs3A : vector<16xf32>
      %mul3A_260 = arith.constant 64 : i32
      %mul3A_261 = arith.muli %scan3A_244, %mul3A_260 : i32
      %add3A_262 = arith.constant 16 : i32
      %add3A_263 = arith.addi %mul3A_261, %add3A_262 : i32
      %get3A_264 = arith.index_cast %add3A_263 : i32 to index
      %get3A_265 = tpu.vector_load %arg11[%get3A_264] {strides = array<i32>} : memref<16384xf32, #tpu.memory_space<vmem>>, vector<16xf32>,
      %get3A_266 = vector.shape_cast %get3A_265 : vector<16xf32> to vector<16xf32>
      %get3A_267 = arith.index_cast %scan3A_244 : i32 to index
      %get3A_268 = arith.constant 16 : index
      %get3A_269 = tpu.vector_load %arg12[%get3A_267, %get3A_268] {strides = array<i32>} : memref<256x64xf32, #tpu.memory_space<vmem>>, vector<1x16xf32>,
      %get3A_270 = vector.shape_cast %get3A_269 : vector<1x16xf32> to vector<16xf32>
      %sub3A_271 = arith.subf %get3A_266, %get3A_270 : vector<16xf32>
      %abs3A_272 = math.absf %sub3A_271 : vector<16xf32>
      %add3A_273 = arith.addf %scan3A_246, %abs3A_272 : vector<16xf32>
      %mul3A_274 = arith.constant 64 : i32
      %mul3A_275 = arith.muli %scan3A_244, %mul3A_274 : i32
      %add3A_276 = arith.constant 32 : i32
      %add3A_277 = arith.addi %mul3A_275, %add3A_276 : i32
      %get3A_278 = arith.index_cast %add3A_277 : i32 to index
      %get3A_279 = tpu.vector_load %arg11[%get3A_278] {strides = array<i32>} : memref<16384xf32, #tpu.memory_space<vmem>>, vector<16xf32>,
      %get3A_280 = vector.shape_cast %get3A_279 : vector<16xf32> to vector<16xf32>
      %get3A_281 = arith.index_cast %scan3A_244 : i32 to index
      %get3A_282 = arith.constant 32 : index
      %get3A_283 = tpu.vector_load %arg12[%get3A_281, %get3A_282] {strides = array<i32>} : memref<256x64xf32, #tpu.memory_space<vmem>>, vector<1x16xf32>,
      %get3A_284 = vector.shape_cast %get3A_283 : vector<1x16xf32> to vector<16xf32>
      %sub3A_285 = arith.subf %get3A_280, %get3A_284 : vector<16xf32>
      %abs3A_286 = math.absf %sub3A_285 : vector<16xf32>
      %add3A_287 = arith.addf %scan3A_247, %abs3A_286 : vector<16xf32>
      %mul3A_288 = arith.constant 64 : i32
      %mul3A_289 = arith.muli %scan3A_244, %mul3A_288 : i32
      %add3A_290 = arith.constant 48 : i32
      %add3A_291 = arith.addi %mul3A_289, %add3A_290 : i32
      %get3A_292 = arith.index_cast %add3A_291 : i32 to index
      %get3A_293 = tpu.vector_load %arg11[%get3A_292] {strides = array<i32>} : memref<16384xf32, #tpu.memory_space<vmem>>, vector<16xf32>,
      %get3A_294 = vector.shape_cast %get3A_293 : vector<16xf32> to vector<16xf32>
      %get3A_295 = arith.index_cast %scan3A_244 : i32 to index
      %get3A_296 = arith.constant 48 : index
      %get3A_297 = tpu.vector_load %arg12[%get3A_295, %get3A_296] {strides = array<i32>} : memref<256x64xf32, #tpu.memory_space<vmem>>, vector<1x16xf32>,
      %get3A_298 = vector.shape_cast %get3A_297 : vector<1x16xf32> to vector<16xf32>
      %sub3A_299 = arith.subf %get3A_294, %get3A_298 : vector<16xf32>
      %abs3A_300 = math.absf %sub3A_299 : vector<16xf32>
      %add3A_301 = arith.addf %scan3A_248, %abs3A_300 : vector<16xf32>
      scf.yield %add3A_259, %add3A_273, %add3A_287, %add3A_301 : vector<16xf32>, vector<16xf32>, vector<16xf32>, vector<16xf32>
    }
    %scan3A_216 = arith.constant 32 : i32
    %mul3A_217 = arith.constant 1.22070313E-4 : f32
    %mul3A_218 = vector.broadcast %mul3A_217 : f32 to vector<16xf32>
    %mul3A_219 = arith.mulf %scan3A_215#0, %mul3A_218 : vector<16xf32>
    %swap3A = arith.constant 0 : index
    %swap3A_220 = tpu.vector_load %arg13[%swap3A] {strides = array<i32>} : memref<64xf32, #tpu.memory_space<vmem>>, vector<16xf32>,
    %swap3A_221 = vector.shape_cast %swap3A_220 : vector<16xf32> to vector<16xf32>
    %swap3A_222 = vector.shape_cast %mul3A_219 : vector<16xf32> to vector<16xf32>
    tpu.vector_store %arg13[%swap3A], %swap3A_222 {strides = array<i32>} : memref<64xf32, #tpu.memory_space<vmem>>, vector<16xf32>,
    %mul3A_223 = arith.constant 1.22070313E-4 : f32
    %mul3A_224 = vector.broadcast %mul3A_223 : f32 to vector<16xf32>
    %mul3A_225 = arith.mulf %scan3A_215#1, %mul3A_224 : vector<16xf32>
    %swap3A_226 = arith.constant 16 : index
    %swap3A_227 = tpu.vector_load %arg13[%swap3A_226] {strides = array<i32>} : memref<64xf32, #tpu.memory_space<vmem>>, vector<16xf32>,
    %swap3A_228 = vector.shape_cast %swap3A_227 : vector<16xf32> to vector<16xf32>
    %swap3A_229 = vector.shape_cast %mul3A_225 : vector<16xf32> to vector<16xf32>
    tpu.vector_store %arg13[%swap3A_226], %swap3A_229 {strides = array<i32>} : memref<64xf32, #tpu.memory_space<vmem>>, vector<16xf32>,
    %mul3A_230 = arith.constant 1.22070313E-4 : f32
    %mul3A_231 = vector.broadcast %mul3A_230 : f32 to vector<16xf32>
    %mul3A_232 = arith.mulf %scan3A_215#2, %mul3A_231 : vector<16xf32>
    %swap3A_233 = arith.constant 32 : index
    %swap3A_234 = tpu.vector_load %arg13[%swap3A_233] {strides = array<i32>} : memref<64xf32, #tpu.memory_space<vmem>>, vector<16xf32>,
    %swap3A_235 = vector.shape_cast %swap3A_234 : vector<16xf32> to vector<16xf32>
    %swap3A_236 = vector.shape_cast %mul3A_232 : vector<16xf32> to vector<16xf32>
    tpu.vector_store %arg13[%swap3A_233], %swap3A_236 {strides = array<i32>} : memref<64xf32, #tpu.memory_space<vmem>>, vector<16xf32>,
    %mul3A_237 = arith.constant 1.22070313E-4 : f32
    %mul3A_238 = vector.broadcast %mul3A_237 : f32 to vector<16xf32>
    %mul3A_239 = arith.mulf %scan3A_215#3, %mul3A_238 : vector<16xf32>
    %swap3A_240 = arith.constant 48 : index
    %swap3A_241 = tpu.vector_load %arg13[%swap3A_240] {strides = array<i32>} : memref<64xf32, #tpu.memory_space<vmem>>, vector<16xf32>,
    %swap3A_242 = vector.shape_cast %swap3A_241 : vector<16xf32> to vector<16xf32>
    %swap3A_243 = vector.shape_cast %mul3A_239 : vector<16xf32> to vector<16xf32>
    tpu.vector_store %arg13[%swap3A_240], %swap3A_243 {strides = array<i32>} : memref<64xf32, #tpu.memory_space<vmem>>, vector<16xf32>,
    "tpu.region"() ({
      %run_scoped3A = tpu.sem_alloc : memref<!tpu.dma_semaphore, #tpu.memory_space<semaphore_mem>>
      %dma_start3A_244 = arith.constant 0 : i32
      %dma_start3A_245 = tpu.memref_slice %arg6[%add3A, %dma_start3A_244] : memref<32x64xf32, #tpu.memory_space<hbm>> -> memref<1x64xf32, #tpu.memory_space<hbm>>
      %dma_start3A_246 = tpu.memref_squeeze %dma_start3A_245 : memref<1x64xf32, #tpu.memory_space<hbm>> -> memref<64xf32, #tpu.memory_space<hbm>>
      %dma_start3A_247 = arith.constant 0 : i32
      %dma_start3A_248 = tpu.memref_slice %arg6[%add3A, %dma_start3A_247] : memref<32x64xf32, #tpu.memory_space<hbm>> -> memref<1x64xf32, #tpu.memory_space<hbm>>
      %dma_start3A_249 = tpu.memref_squeeze %dma_start3A_248 : memref<1x64xf32, #tpu.memory_space<hbm>> -> memref<64xf32, #tpu.memory_space<hbm>>
      tpu.enqueue_dma source(%arg13 : memref<64xf32, #tpu.memory_space<vmem>>) target(%dma_start3A_249 : memref<64xf32, #tpu.memory_space<hbm>>) target_semaphore(%run_scoped3A : memref<!tpu.dma_semaphore, #tpu.memory_space<semaphore_mem>>)
      %dma_wait3A_250 = arith.constant 0 : i32
      %dma_wait3A_251 = tpu.memref_slice %arg6[%add3A, %dma_wait3A_250] : memref<32x64xf32, #tpu.memory_space<hbm>> -> memref<1x64xf32, #tpu.memory_space<hbm>>
      %dma_wait3A_252 = tpu.memref_squeeze %dma_wait3A_251 : memref<1x64xf32, #tpu.memory_space<hbm>> -> memref<64xf32, #tpu.memory_space<hbm>>
      %dma_wait3A_253 = arith.constant 0 : i32
      %dma_wait3A_254 = tpu.memref_slice %arg6[%add3A, %dma_wait3A_253] : memref<32x64xf32, #tpu.memory_space<hbm>> -> memref<1x64xf32, #tpu.memory_space<hbm>>
      %dma_wait3A_255 = tpu.memref_squeeze %dma_wait3A_254 : memref<1x64xf32, #tpu.memory_space<hbm>> -> memref<64xf32, #tpu.memory_space<hbm>>
      tpu.wait_dma2 semaphore(%run_scoped3A : memref<!tpu.dma_semaphore, #tpu.memory_space<semaphore_mem>>) src(%arg13 : memref<64xf32, #tpu.memory_space<vmem>>) dst(%dma_wait3A_255 : memref<64xf32, #tpu.memory_space<hbm>>)
      tpu.yield
    }) : () -> ()
    return
  }
}

</mosaic_0001>

<sc_bundles>
// kernel: kernel.3.cloned.1.call-start
scs
__scs_entry_jumppad:
0x0: {  	(pc) =	sbr.rel $0x88, $3  }
0x1: {  	(tag) =	ssettag $0x0;
	lr =	simm.s32 $0x1  }
0x2: {  	[smem:$0x3F9D] =	sst lr;
	_ =	strace $0xD0000000  }
0x3: {  	_ = 	snop  }
0x4: {  	_ = 	snop  }
0x5: {  	_ = 	snop  }
0x6: {  	_ = 	snop  }
0x7: {  	_ = 	snop  }
__scs_overlays_trampoline_lowered:
0x8: {  	[smem:$0x3FAC] =	sst s0  }
0x9: {  	[smem:$0x3FAD] =	sst s1  }
0xa: {  	[smem:$0x3FAE] =	sst s2  }
0xb: {  	[smem:$0x3FAF] =	sst s3  }
0xc: {  	[smem:$0x3FB0] =	sst s4  }
0xd: {  	[smem:$0x3FB1] =	sst s5  }
0xe: {  	[smem:$0x3FB2] =	sst s6  }
0xf: {  	[smem:$0x3FB3] =	sst s7  }
0x10: {  	[smem:$0x3FB4] =	sst s8  }
0x11: {  	[smem:$0x3FB5] =	sst s9;
	s0 =	simm.s32 @!p0 $0x0  }
0x12: {  	s1 =	sld [smem:$0x3F9B];
	s0 =	simm.s32 @p0 $0x1  }
0x13: {  	[smem:$0x3FB6] =	sst s0;
	s0 =	simm.s32 @!p1 $0x0  }
0x14: {  	s2 =	sld [smem:$0x3F9A];
	s0 =	simm.s32 @p1 $0x1  }
0x15: {  	[smem:$0x3FB7] =	sst s0;
	s0 =	simm.s32 @!p2 $0x0  }
0x16: {  	s3 =	sld [smem:$0x3FDB];
	s0 =	simm.s32 @p2 $0x1  }
0x17: {  	s4 =	simm.s32 $0x1BF5;
	[smem:$0x3FB9] =	sst s0  }
0x18: {  	s0 =	sld [smem:$0x3F9C];
	_ =	swait.ge [sflag:s4], $0x0  }
0x19: {  	s7 =	sld [smem:$0x3F9D]  }
0x1a: {  	s8 =	sadd.s32 $0xFFFFE003, lr  }
0x1b: {  	s9 =	sadd.s32 $0xFFFFFEF7, lr;
	s5 =	simm.s32 $0xFFFFFFFF;
	p2 =	slt.u32 s8, $0xFFFFF086  }
0x1c: {  	p1 =	slt.u32 s9, $0xF7A;
	s5 =	simm.s32 @!p2 $0x0  }
0x1d: {  	s5 =	simm.s32 @p1 $0x1;
	p0 =	seq.s32 s7, s2  }
0x1e: {  	s7 =	smul.u32 @!p0 $0xF7A, s2;
	p2 =	seq.s32 @!p0 s5, $0x0  }
0x1f: {  	s9 =	smul.u32 $0xF7A, s1;
	s8 =	simm.s32 @!p0 $0x1BF5;
	p2 =	por !p2, p0  }
0x20: {  	[sflag:s8] =	ssyncset.s32 @!p0 $0xFFFFF086;
	s6 =	sadd.s32 @!p0 s3, s7;
	s7 =	simm.s32 @!p0 $0x108  }
0x21: {  	s3 =	sadd.s32 s3, s9;
	s6 =	sadd.s32 @!p0 $0x88, s6;
	s7 =	simm.s32 @p2 $0x1082  }
0x22: {  	[simem:s7], [sflag:s8] =	dma.local @!p0 [hbm:s6], $0xF7A  }
0x23: {  	s9 =	sor.u32 $0xD0000000, s2;
	s6 =	simm.s32 $0x108;
	_ =	swait.ge @!p0 [sflag:s8], $0x0  }
0x24: {  	s3 =	sadd.s32 $0x88, s3;
	s6 =	simm.s32 @!p1 $0x1082;
	[sflag:s4] =	ssyncset.s32 $0xFFFFF086  }
0x25: {  	[simem:s6], [sflag:s4] =	dma.local [hbm:s3], $0xF7A  }
0x26: {  	[smem:$0x3F9D] =	sst s1;
	(tag) =	ssettag s2;
	_ =	strace s9  }
0x27: {  	s1 =	sld [smem:$0x3FAD]  }
0x28: {  	s2 =	sld [smem:$0x3FAE]  }
0x29: {  	s4 =	sld [smem:$0x3FB0]  }
0x2a: {  	p0 =	seq.s32 s5, $0x0;
	s5 =	sld [smem:$0x3FB1]  }
0x2b: {  	s6 =	sld [smem:$0x3FB2]  }
0x2c: {  	s7 =	sld [smem:$0x3FB3]  }
0x2d: {  	s3 =	simm.s32 $0x108;
	s8 =	sld [smem:$0x3FB4]  }
0x2e: {  	s3 =	simm.s32 @!p0 $0x1082;
	s9 =	sld [smem:$0x3FB5]  }
0x2f: {  	lr =	sadd.s32 s0, s3;
	s0 =	sld [smem:$0x3FAC]  }
0x30: {  	s3 =	sld [smem:$0x3FAF]  }
0x31: {  	[smem:$0x3FB8] =	sst s10  }
0x32: {  	s10 =	sld [smem:$0x3FB6];
	_ =	sdelay $0x3  }
0x33: {  	p0 =	seq.s32 s10, $0x1;
	s10 =	sld [smem:$0x3FB8];
	_ =	sdelay $0x3  }
0x34: {  	[smem:$0x3FB8] =	sst s10  }
0x35: {  	s10 =	sld [smem:$0x3FB7];
	_ =	sdelay $0x3  }
0x36: {  	p1 =	seq.s32 s10, $0x1;
	s10 =	sld [smem:$0x3FB8];
	_ =	sdelay $0x3  }
0x37: {  	[smem:$0x3FB8] =	sst s10  }
0x38: {  	s10 =	sld [smem:$0x3FB9]  }
0x39: {  	_ = 	snop;
	(pc) =	sbr.ind lr, $3  }
0x3a: {  	_ = 	snop  }
0x3b: {  	_ = 	snop  }
0x3c: {  	p2 =	seq.s32 s10, $0x1;
	s10 =	sld [smem:$0x3FB8]  }
0x3d: {  	_ =	shalt  }
0x3e: {  	_ =	shalt  }
0x3f: {  	_ =	shalt  }
0x40: {  	_ =	shalt  }
0x41: {  	_ =	shalt  }
0x42: {  	_ =	shalt  }
0x43: {  	_ =	shalt  }
0x44: {  	_ =	shalt  }
0x45: {  	_ =	shalt  }
0x46: {  	_ =	shalt  }
0x47: {  	_ =	shalt  }
0x48: {  	_ =	shalt  }
0x49: {  	_ =	shalt  }
0x4a: {  	_ =	shalt  }
0x4b: {  	_ =	shalt  }
0x4c: {  	_ =	shalt  }
0x4d: {  	_ =	shalt  }
0x4e: {  	_ =	shalt  }
0x4f: {  	_ =	shalt  }
0x50: {  	_ =	shalt  }
0x51: {  	_ =	shalt  }
0x52: {  	_ =	shalt  }
0x53: {  	_ =	shalt  }
0x54: {  	_ =	shalt  }
0x55: {  	_ =	shalt  }
0x56: {  	_ =	shalt  }
0x57: {  	_ =	shalt  }
0x58: {  	_ =	shalt  }
0x59: {  	_ =	shalt  }
0x5a: {  	_ =	shalt  }
0x5b: {  	_ =	shalt  }
0x5c: {  	_ =	shalt  }
0x5d: {  	_ =	shalt  }
0x5e: {  	_ =	shalt  }
0x5f: {  	_ =	shalt  }
0x60: {  	_ =	shalt  }
0x61: {  	_ =	shalt  }
0x62: {  	_ =	shalt  }
0x63: {  	_ =	shalt  }
0x64: {  	_ =	shalt  }
0x65: {  	_ =	shalt  }
0x66: {  	_ =	shalt  }
0x67: {  	_ =	shalt  }
0x68: {  	_ =	shalt  }
0x69: {  	_ =	shalt  }
0x6a: {  	_ =	shalt  }
0x6b: {  	_ =	shalt  }
0x6c: {  	_ =	shalt  }
0x6d: {  	_ =	shalt  }
0x6e: {  	_ =	shalt  }
0x6f: {  	_ =	shalt  }
0x70: {  	_ =	shalt  }
0x71: {  	_ =	shalt  }
0x72: {  	_ =	shalt  }
0x73: {  	_ =	shalt  }
0x74: {  	_ =	shalt  }
0x75: {  	_ =	shalt  }
0x76: {  	_ =	shalt  }
0x77: {  	_ =	shalt  }
0x78: {  	_ =	shalt  }
0x79: {  	_ =	shalt  }
0x7a: {  	_ =	shalt  }
0x7b: {  	_ =	shalt  }
0x7c: {  	_ =	shalt  }
0x7d: {  	_ =	shalt  }
0x7e: {  	_ =	shalt  }
0x7f: {  	_ =	shalt  }
0x80: {  	_ =	shalt  }
0x81: {  	_ =	shalt  }
0x82: {  	_ =	shalt  }
0x83: {  	_ =	shalt  }
0x84: {  	_ =	shalt  }
0x85: {  	_ =	shalt  }
0x86: {  	_ =	shalt  }
0x87: {  	_ =	shalt  }
.Lfunc_end0:
.L_simem_size_0:
called_computation_lowered:
.L_overlay_start_0:
0x88: {  	s2 =	sld [smem:$0x3FD9]  }
0x89: {  	s3 =	sld [smem:$0x3FFE];
	_ =	sdelay $0x1  }
0x8a: {  	s1 =	srdreg.scid  }
0x8b: {  	s0 =	sand.u32 $0x1, s1  }
0x8c: {  	s17 =	sshll.u32 s0, $0xA;
	s2 =	sadd.s32 s3, s2  }
0x8d: {  	s2 =	sadd.s32 s2, s17  }
0x8e: {  	[smem:$0x3FC4] =	sst s2  }
0x8f: {  	_ = 	snop  }
0x90: {  	s2 =	sld [smem:$0x3FC9]  }
0x91: {  	s18 =	sld [smem:$0x3FC7]  }
0x92: {  	s4 =	sld [smem:$0x3FC6];
	(tm) =	ssettm $0x1  }
0x93: {  	s5 =	sld [smem:$0x3FFB];
	_ =	sdelay $0x3  }
0x94: {  	_ =	strace s5  }
0x95: {  	s5 =	sld [smem:$0x3FFC];
	_ =	sdelay $0x3  }
0x96: {  	_ =	strace s5  }
0x97: {  	s5 =	sld [smem:$0x3FFD];
	_ =	sdelay $0x3  }
0x98: {  	_ =	strace s5  }
0x99: {  	_ =	strace $0x8FFFFFFF  }
0x9a: {  	s19 =	sld [smem:$0x3FDB];
	_ =	sdelay $0x1  }
0x9b: {  	s6 =	simm.s32 $_scs_section_size  }
0x9c: {  	s7 =	simm.s32 $_size__tile_overlayer_lowered;
	s8 =	simm.s32 $_tile_overlayer_lowered  }
0x9d: {  	s22 =	simm.s32 $0x1BFF;
	s21 =	sshll.u32 s8, $0x1;
	s5 =	sadd.s32 s6, s19  }
0x9e: {  	s9 =	simm.s32 $0x0;
	s20 =	sshll.u32 s7, $0x1;
	s7 =	sadd.s32 s21, s5  }
0x9f: {  	[timem:s9], [sflag:s22] =	dma.local [hbm:s7], s20  }
0xa0: {  	_ =	swait.ge [sflag:s22], s20  }
0xa1: {  	s6 =	ssub.s32 $0x0, s20;
	[sflag:s22] =	ssyncset.done $0x0  }
0xa2: {  	[sflag:s22] =	ssyncadd.s32 s6;
	_ =	sdelay $0x1  }
0xa3: {  	s23 =	simm.s32 $0x1B8B  }
0xa4: {  	_ =	swait.ge [sflag:s23], $0x1  }
0xa5: {  	[sflag:s23] =	ssyncset.done $0x0  }
0xa6: {  	s25 =	simm.s32 $0x1B8E;
	s24 =	sld [smem:$0x3FFE];
	[sflag:s23] =	ssyncadd.s32 $0xFFFFFFFF  }
0xa7: {  	s26 =	simm.s32 $execute0_lowered;
	[smem:$0x3FD2] =	sst s25  }
0xa8: {  	s7 =	sshll.u32 s26, $0x1;
	_ =	strace $0x80000046;
	[dreg:$0x1] =	wrdreg $0xFFFFFFFF  }
0xa9: {  	s28 =	simm.s32 $_size_execute0_lowered;
	s5 =	sadd.s32 s5, s7;
	[dreg:$0x0] =	wrdreg $0x0  }
0xaa: {  	s7 =	sshll.u32 s28, $0x1;
	[dreg:$0x2] =	wrdreg s5  }
0xab: {  	[dreg:$0x3] =	wrdreg s7  }
0xac: {  	[dreg:$0x4] =	wrdreg $0xC0  }
0xad: {  	_ =	task [dreg:s9], $0x5FFFF  }
0xae: {  	[dreg:$0x1] =	wrdreg $0xFFFFFFFF  }
0xaf: {  	[dreg:$0x0] =	wrdreg $0x60  }
0xb0: {  	[dreg:$0x2] =	wrdreg s2  }
0xb1: {  	[dreg:$0x3] =	wrdreg s24  }
0xb2: {  	[dreg:$0x4] =	wrdreg s18  }
0xb3: {  	[dreg:$0x5] =	wrdreg s4  }
0xb4: {  	[dreg:$0x6] =	wrdreg $0x9  }
0xb5: {  	_ =	task.clear_ibuf [dreg:s9], $0x7FFFF;
	_ =	strace $0x90000046  }
0xb6: {  	s29 =	simm.s32 $0x9;
	_ =	strace $0x80000048  }
0xb7: {  	_ =	swait.ge [sflag:s29], $0x1  }
0xb8: {  	[sflag:s29] =	ssyncadd.s32 $0xFFFFFFFF  }
0xb9: {  	_ =	strace $0x90000048  }
0xba: {  	_ =	sfence  }
0xbb: {  	s30 =	sld [smem:$0x0];
	_ =	sdelay $0x2  }
0xbc: {  	s31 =	sshll.u32 s1, $0xD;
	s1 =	sshrl.u32 s1, $0x2  }
0xbd: {  	s3 =	sand.u32 $0x4000, s31;
	s1 =	sadd.s32 s1, s30  }
0xbe: {  	s0 =	sor.u32 s3, s0;
	s1 =	sshll.u32 s1, $0x11  }
0xbf: {  	s0 =	sor.u32 s1, s0  }
0xc0: {  	s0 =	sadd.s32 $0x8F2B, s0  }
0xc1: {  	[sflag:s0] =	ssyncadd.remote.s32 $0x1  }
0xc2: {  	_ =	sfence.sel $0xFFFF  }
0xc3: {  	[dreg:$0x0] =	wrdreg $0xFFFFFFFF;
	(pc) =	sbr.abs _section_cstart, $3  }
0xc4: {  	[dreg:$0x1] =	wrdreg $0xFFFFFFFF  }
0xc5: {  	_ =	task.clear_ibuf [dreg:s9], $0x2FFFF;
	_ =	strace $0x9FFFFFFF  }
0xc6: {  	(tm) =	ssettm $0x7FFFFFFF  }
0xc7: {  	_ =	shalt  }
tec
execute0_lowered:
.L_overlay_start_1:
0x0: {  	(tag) =	ssettag $0x1  }
0x1: {  	s1 =	rddreg [dreg:$0x0]  }
0x2: {  	s0 =	rddreg [dreg:$0x1]  }
0x3: {  	s2 =	rddreg [dreg:$0x2];
	s3 =	srdreg.scid  }
0x4: {  	s5 =	stileid.u32;
	s6 =	rddreg [dreg:$0x3];
	s11 =	simm.s32 $0x2  }
0x5: {  	s12 =	simm.s32 $0x3;
	s13 =	simm.s32 $0x80;
	s14 =	simm.s32 $0x1  }
0x6: {  	s15 =	simm.s32 $0x4;
	s16 =	simm.s32 $0x5;
	s17 =	simm.s32 $0x6  }
0x7: {  	s18 =	simm.s32 $0x7;
	s19 =	simm.s32 $0x8;
	s20 =	simm.s32 $0x9  }
0x8: {  	s22 =	simm.s32 $0xA;
	s4 =	sand.u32 $0x1, s3;
	s5 =	sshll.u32 s5, $0x1  }
0x9: {  	s23 =	simm.s32 $0x0;
	s3 =	simm.s32 $0x0;
	s5 =	sor.u32 s4, s5  }
0xa: {  	[smem:$0x7FF] =	sst s3;
	s4 =	ssub.s32 $0x2, s4;
	s7 =	sshll.u32 s5, $0x4  }
0xb: {  	v0 =	vlaneseq.u32;
	_ =	strace $0x80000047;
	s8 =	sshrl.u32 s4, $0x1;
	s9 =	sshll.u32 s5, $0xC  }
0xc: {  	v0 =	vmul.u32 $0x4000, v0;
	s10 =	sshll.u32 s5, $0x5;
	s7 =	sadd.s32 s7, s0;
	s8 =	ssub.s32 s4, s8  }
0xd: {  	s0 =	sadd.s32 s0, s9;
	s5 =	sadd.s32 s2, s10;
	s6 =	sadd.s32 s6, s10  }
0xe: {  	v1 =	vor.u32 $0x40000, v0;
	v2 =	vor.u32 $0x80000, v0;
	v3 =	vor.u32 $0xC0000, v0;
	[dreg:$0x5] =	wrdreg s0;
	s7 =	sadd.s32 $0x20000, s7;
	s8 =	smax.u32 s8, $0x1  }
.LBB2_1:
0xf: {  	s0 =	rddreg [dreg:$0x5];
	s2 =	simm.s32 $0x8300  }
0x10: {  	[tilespmem:s2], [sflag:$0x1] =	stream.linear.gather [hbm4b:s0+s3], $0x8000, $0x38;
	[tilespmem:$0x10380] =	vst v63  }
0x11: {  	_ = 	snop  }
0x12: {  	[tilespmem:s3], [sflag:$0x2] =	stream.linear.gather [hbm4b:s5+s3], $0x100, $0x38;
	[tilespmem:$0x10380] =	vst v63  }
0x13: {  	s31 =	simm.s32 $0x100  }
0x14: {  	[tilespmem:s31], [sflag:$0x3] =	stream.linear.gather [hbm4b:s6+s3], $0x100, $0x38;
	[tilespmem:$0x10380] =	vst v63  }
0x15: {  	_ =	swait.ge [sflag:s11], $0x100  }
0x16: {  	[sflag:s11] =	ssyncset.done $0x0  }
0x17: {  	[sflag:s11] =	ssyncadd.s32 $0xFFFFFF00  }
0x18: {  	_ =	swait.ge [sflag:s12], $0x100  }
0x19: {  	[sflag:s12] =	ssyncset.done $0x0  }
0x1a: {  	s0 =	simm.s32 $0x0;
	[sflag:s12] =	ssyncadd.s32 $0xFFFFFF00  }
0x1b: {  	v4 =	vld [tilespmem:s0+$0x100]  }
0x1c: {  	s2 =	simm.s32 $0x40;
	v5 =	vld [tilespmem:s0+$0x0]  }
.LBB2_2:
0x1d: {  	p0 =	sne.s32 s2, $0x3C0  }
.Ltmp0:
0x1e: {  	_ = 	snop;
	(pc) =	sbr.rel @p0 .LBB2_2-.Ltmp0, $4  }
0x1f: {  	_ = 	snop  }
0x20: {  	s9 =	sshra.s32 s2, $0x2;
	s2 =	sadd.s32 $0x40, s2;
	v6 =	vshll.u32 v4, $0x14  }
0x21: {  	v4 =	vld [tilespmem:s9+$0x100];
	v6 =	vadd.s32 v5, v6  }
0x22: {  	v5 =	vld [tilespmem:s9+$0x0];
	[tilespmem:s0+$0x200] =	vst v6;
	s0 =	smov.u32 s9  }
0x23: {  	_ =	sdelay $0x2  }
0x24: {  	s25 =	simm.s32 $0x0;
	v4 =	vshll.u32 v4, $0x14  }
0x25: {  	s2 =	sand.u32 $0x40, s25;
	v4 =	vadd.s32 v5, v4  }
0x26: {  	s21 =	sshrl.u32 s2, $0x2;
	[tilespmem:s0+$0x200] =	vst v4  }
0x27: {  	v5 =	vld [tilespmem:s21+$0x200];
	_ =	sdelay $0x2  }
0x28: {  	s26 =	simm.s32 $0x1;
	s24 =	simm.s32 $0x0  }
0x29: {  	s0 =	sand.u32 $0xE, s24;
	v4 =	vmov s26  }
0x2a: {  	v6 =	vmov s0;
	v4 =	vperm.xlane v5, v4  }
0x2b: {  	v5 =	vperm.xlane v5, v6  }
0x2c: {  	s28 =	simm.s32 $0x300;
	v6 =	vadd.s32 v0, v4  }
0x2d: {  	v7 =	vadd.s32 v0, v5;
	[tilespmem:s28+$0x40] =	vst v6  }
0x2e: {  	s31 =	simm.s32 $0x40;
	v8 =	vadd.s32 v2, v5;
	[tilespmem:s28+$0x0] =	vst v7  }
0x2f: {  	s29 =	simm.s32 $0x4300;
	s9 =	simm.s32 $0x4380;
	s30 =	sor.u32 $0x60, s31;
	v6 =	vadd.s32 v1, v5;
	[tilespmem:s28+$0x20] =	vst v8  }
0x30: {  	s10 =	sor.u32 $0x50, s31;
	s2 =	simm.s32 $0xC0;
	s0 =	simm.s32 $0x380;
	v7 =	vadd.s32 v3, v5;
	v5 =	vadd.s32 v2, v4;
	[tilespmem:s28+$0x10] =	vst v6;
	v6 =	vadd.s32 v1, v4  }
.LBB2_4:
0x31: {  	s21 =	sor.u32 $0x60, s2  }
0x32: {  	[tilespmem:s28+$0x30] =	vst v7;
	s25 =	sadd.s32 $0x8, s25;
	s26 =	sadd.s32 $0x2, s26;
	s4 =	smov.u32 s2  }
0x33: {  	p0 =	sne.s32 s2, $0x7C0;
	s2 =	sadd.s32 $0x80, s2;
	v4 =	vadd.s32 v3, v4;
	[tilespmem:s10+$0x300] =	vst v6;
	s10 =	sor.u32 $0x70, s31  }
0x34: {  	s24 =	simm.s32 $0x80;
	s31 =	sand.u32 $0x40, s25;
	[tilespmem:s30+$0x300] =	vst v5;
	s30 =	smov.u32 s21  }
0x35: {  	s21 =	sshrl.u32 s31, $0x2;
	s31 =	smov.u32 s4;
	[tilespmem:s10+$0x300] =	vst v4  }
0x36: {  	[tilespmem:s29], [sflag:$0x2] =	stream.indirect.gather [hbm4b:s1+s24], $0x1, s28, s24, $0xb8;
	[tilespmem:$0x10380] =	vst v63  }
0x37: {  	s28 =	smov.u32 s0;
	s29 =	smov.u32 s9;
	v4 =	vld [tilespmem:s21+$0x200];
	_ =	sdelay $0x1  }
0x38: {  	s4 =	sadd.s32 $0xFFFFFFFF, s26  }
0x39: {  	s4 =	sand.u32 $0xE, s4  }
0x3a: {  	v6 =	vmov s26;
	v5 =	vmov s4  }
0x3b: {  	v5 =	vperm.xlane v4, v5;
	v4 =	vperm.xlane v4, v6;
	_ =	sdelay $0x1  }
.Ltmp1:
0x3c: {  	v8 =	vadd.s32 v0, v5;
	v9 =	vadd.s32 v1, v5;
	v6 =	vadd.s32 v0, v4;
	(pc) =	sbr.rel @p0 .LBB2_4-.Ltmp1, $4  }
0x3d: {  	v10 =	vadd.s32 v2, v5;
	v7 =	vadd.s32 v3, v5;
	[tilespmem:s0+$0x40] =	vst v6;
	v6 =	vadd.s32 v1, v4  }
0x3e: {  	v5 =	vadd.s32 v2, v4;
	[tilespmem:s0+$0x0] =	vst v8  }
0x3f: {  	[tilespmem:s0+$0x10] =	vst v9  }
0x40: {  	s10 =	sor.u32 $0x50, s31;
	s9 =	sadd.s32 $0x80, s9;
	s0 =	sadd.s32 $0x80, s0;
	[tilespmem:s28+$0x20] =	vst v10  }
0x41: {  	[tilespmem:s28+$0x30] =	vst v7  }
0x42: {  	[tilespmem:s10+$0x300] =	vst v6  }
0x43: {  	v4 =	vadd.s32 v3, v4;
	s0 =	sor.u32 $0x70, s31;
	[tilespmem:s30+$0x300] =	vst v5;
	s30 =	sand.u32 $0xC0, s24  }
0x44: {  	[tilespmem:s0+$0x300] =	vst v4;
	s0 =	sshrl.u32 s30, $0x2  }
0x45: {  	[tilespmem:s29], [sflag:$0x2] =	stream.indirect.gather [hbm4b:s1+s24], $0x1, s28, s24, $0xb8;
	[tilespmem:$0x10380] =	vst v63  }
0x46: {  	v5 =	vld [tilespmem:s0+$0x200];
	_ =	sdelay $0x2  }
0x47: {  	s25 =	simm.s32 $0x21;
	s31 =	simm.s32 $0x20  }
0x48: {  	v4 =	vmov s25;
	s0 =	sand.u32 $0xE, s31  }
0x49: {  	v6 =	vmov s0;
	v4 =	vperm.xlane v5, v4  }
0x4a: {  	v5 =	vperm.xlane v5, v6  }
0x4b: {  	s9 =	simm.s32 $0x0;
	v6 =	vadd.s32 v0, v4  }
0x4c: {  	v7 =	vadd.s32 v0, v5;
	[tilespmem:s9+$0xB40] =	vst v6  }
0x4d: {  	s26 =	simm.s32 $0x840;
	v8 =	vadd.s32 v2, v5;
	[tilespmem:s9+$0xB00] =	vst v7  }
0x4e: {  	s2 =	sor.u32 $0x60, s26;
	v6 =	vadd.s32 v1, v5;
	[tilespmem:s9+$0xB20] =	vst v8  }
0x4f: {  	s10 =	sor.u32 $0x50, s26;
	s28 =	simm.s32 $0x200;
	s0 =	simm.s32 $0x8C0;
	v7 =	vadd.s32 v3, v5;
	v5 =	vadd.s32 v2, v4;
	[tilespmem:s9+$0xB10] =	vst v6;
	v6 =	vadd.s32 v1, v4  }
.LBB2_6:
0x50: {  	s4 =	sor.u32 $0x60, s0  }
0x51: {  	[tilespmem:s9+$0xB30] =	vst v7;
	s24 =	sadd.s32 $0x8, s24;
	s25 =	sadd.s32 $0x2, s25;
	s21 =	smov.u32 s28  }
0x52: {  	p0 =	sne.s32 s28, $0x1E00;
	s28 =	sadd.s32 $0x200, s28;
	v4 =	vadd.s32 v3, v4;
	[tilespmem:s10+$0x300] =	vst v6;
	s10 =	sor.u32 $0x70, s26  }
0x53: {  	s29 =	sadd.s32 $0xB00, s9;
	s9 =	sadd.s32 $0x4B00, s9;
	s26 =	sand.u32 $0xC0, s24;
	[tilespmem:s2+$0x300] =	vst v5  }
0x54: {  	s30 =	sshrl.u32 s26, $0x2;
	s2 =	smov.u32 s4;
	s26 =	smov.u32 s0;
	[tilespmem:s10+$0x300] =	vst v4  }
0x55: {  	[tilespmem:s9], [sflag:$0x3] =	stream.indirect.gather [hbm4b:s1+s13], $0x1, s29, s13, $0xb8;
	[tilespmem:$0x10380] =	vst v63  }
0x56: {  	v4 =	vld [tilespmem:s30+$0x200];
	_ =	sdelay $0x1  }
0x57: {  	s4 =	sadd.s32 $0xFFFFFFFF, s25  }
0x58: {  	s4 =	sand.u32 $0xE, s4  }
0x59: {  	v6 =	vmov s25;
	v5 =	vmov s4  }
0x5a: {  	v5 =	vperm.xlane v4, v5;
	v4 =	vperm.xlane v4, v6;
	_ =	sdelay $0x1  }
.Ltmp2:
0x5b: {  	s9 =	sshra.s32 s21, $0x2;
	v8 =	vadd.s32 v0, v5;
	v9 =	vadd.s32 v1, v5;
	v6 =	vadd.s32 v0, v4;
	(pc) =	sbr.rel @p0 .LBB2_6-.Ltmp2, $4  }
0x5c: {  	v10 =	vadd.s32 v2, v5;
	v7 =	vadd.s32 v3, v5;
	[tilespmem:s9+$0xB40] =	vst v6;
	v6 =	vadd.s32 v1, v4  }
0x5d: {  	v5 =	vadd.s32 v2, v4;
	[tilespmem:s9+$0xB00] =	vst v8  }
0x5e: {  	[tilespmem:s9+$0xB10] =	vst v9  }
0x5f: {  	s0 =	sadd.s32 $0x80, s0;
	s10 =	sor.u32 $0x50, s26;
	[tilespmem:s9+$0xB20] =	vst v10  }
0x60: {  	[tilespmem:s9+$0xB30] =	vst v7  }
0x61: {  	s24 =	simm.s32 $0x100;
	[tilespmem:s10+$0x300] =	vst v6  }
0x62: {  	v4 =	vadd.s32 v3, v4;
	s0 =	sor.u32 $0x70, s26;
	s30 =	sand.u32 $0x1C0, s24;
	[tilespmem:s2+$0x300] =	vst v5  }
0x63: {  	s29 =	sadd.s32 $0xB00, s9;
	s4 =	sadd.s32 $0x4B00, s9;
	[tilespmem:s0+$0x300] =	vst v4;
	s0 =	sshrl.u32 s30, $0x2  }
0x64: {  	[tilespmem:s4], [sflag:$0x3] =	stream.indirect.gather [hbm4b:s1+s13], $0x1, s29, s13, $0xb8;
	[tilespmem:$0x10380] =	vst v63  }
0x65: {  	v5 =	vld [tilespmem:s0+$0x200];
	_ =	sdelay $0x2  }
0x66: {  	s25 =	simm.s32 $0x41;
	s31 =	simm.s32 $0x40  }
0x67: {  	v4 =	vmov s25;
	s0 =	sand.u32 $0xE, s31  }
0x68: {  	v6 =	vmov s0;
	v4 =	vperm.xlane v5, v4  }
0x69: {  	v5 =	vperm.xlane v5, v6  }
0x6a: {  	s9 =	simm.s32 $0x0;
	v6 =	vadd.s32 v0, v4  }
0x6b: {  	v7 =	vadd.s32 v0, v5;
	[tilespmem:s9+$0x1340] =	vst v6  }
0x6c: {  	v8 =	vadd.s32 v2, v5;
	[tilespmem:s9+$0x1300] =	vst v7  }
0x6d: {  	s26 =	simm.s32 $0x1040;
	s28 =	simm.s32 $0x200;
	v6 =	vadd.s32 v1, v5;
	[tilespmem:s9+$0x1320] =	vst v8  }
0x6e: {  	s10 =	sor.u32 $0x50, s26;
	s2 =	sor.u32 $0x60, s26;
	s0 =	simm.s32 $0x10C0;
	v7 =	vadd.s32 v3, v5;
	v5 =	vadd.s32 v2, v4;
	[tilespmem:s9+$0x1310] =	vst v6;
	v6 =	vadd.s32 v1, v4  }
.LBB2_8:
0x6f: {  	s4 =	sor.u32 $0x60, s0  }
0x70: {  	[tilespmem:s9+$0x1330] =	vst v7;
	s24 =	sadd.s32 $0x8, s24;
	s25 =	sadd.s32 $0x2, s25;
	s21 =	smov.u32 s28  }
0x71: {  	p0 =	sne.s32 s28, $0x1E00;
	s28 =	sadd.s32 $0x200, s28;
	v4 =	vadd.s32 v3, v4;
	[tilespmem:s10+$0x300] =	vst v6;
	s10 =	sor.u32 $0x70, s26  }
0x72: {  	s29 =	sadd.s32 $0x1300, s9;
	s9 =	sadd.s32 $0x5300, s9;
	s26 =	sand.u32 $0x1C0, s24;
	[tilespmem:s2+$0x300] =	vst v5  }
0x73: {  	s30 =	sshrl.u32 s26, $0x2;
	s2 =	smov.u32 s4;
	s26 =	smov.u32 s0;
	[tilespmem:s10+$0x300] =	vst v4  }
0x74: {  	[tilespmem:s9], [sflag:$0x4] =	stream.indirect.gather [hbm4b:s1+s13], $0x1, s29, s13, $0xb8;
	[tilespmem:$0x10380] =	vst v63  }
0x75: {  	v4 =	vld [tilespmem:s30+$0x200];
	_ =	sdelay $0x1  }
0x76: {  	s4 =	sadd.s32 $0xFFFFFFFF, s25  }
0x77: {  	s4 =	sand.u32 $0xE, s4  }
0x78: {  	v6 =	vmov s25;
	v5 =	vmov s4  }
0x79: {  	v5 =	vperm.xlane v4, v5;
	v4 =	vperm.xlane v4, v6;
	_ =	sdelay $0x1  }
.Ltmp3:
0x7a: {  	s9 =	sshra.s32 s21, $0x2;
	v8 =	vadd.s32 v0, v5;
	v9 =	vadd.s32 v1, v5;
	v6 =	vadd.s32 v0, v4;
	(pc) =	sbr.rel @p0 .LBB2_8-.Ltmp3, $4  }
0x7b: {  	v10 =	vadd.s32 v2, v5;
	v7 =	vadd.s32 v3, v5;
	[tilespmem:s9+$0x1340] =	vst v6;
	v6 =	vadd.s32 v1, v4  }
0x7c: {  	v5 =	vadd.s32 v2, v4;
	[tilespmem:s9+$0x1300] =	vst v8  }
0x7d: {  	[tilespmem:s9+$0x1310] =	vst v9  }
0x7e: {  	s0 =	sadd.s32 $0x80, s0;
	s10 =	sor.u32 $0x50, s26;
	[tilespmem:s9+$0x1320] =	vst v10  }
0x7f: {  	[tilespmem:s9+$0x1330] =	vst v7  }
0x80: {  	s24 =	simm.s32 $0x180;
	[tilespmem:s10+$0x300] =	vst v6  }
0x81: {  	v4 =	vadd.s32 v3, v4;
	s0 =	sor.u32 $0x70, s26;
	s30 =	sand.u32 $0x1C0, s24;
	[tilespmem:s2+$0x300] =	vst v5  }
0x82: {  	s29 =	sadd.s32 $0x1300, s9;
	s4 =	sadd.s32 $0x5300, s9;
	[tilespmem:s0+$0x300] =	vst v4;
	s0 =	sshrl.u32 s30, $0x2  }
0x83: {  	[tilespmem:s4], [sflag:$0x4] =	stream.indirect.gather [hbm4b:s1+s13], $0x1, s29, s13, $0xb8;
	[tilespmem:$0x10380] =	vst v63  }
0x84: {  	v5 =	vld [tilespmem:s0+$0x200];
	_ =	sdelay $0x2  }
0x85: {  	s25 =	simm.s32 $0x61;
	s31 =	simm.s32 $0x60  }
0x86: {  	v4 =	vmov s25;
	s0 =	sand.u32 $0xE, s31  }
0x87: {  	v6 =	vmov s0;
	v4 =	vperm.xlane v5, v4  }
0x88: {  	v5 =	vperm.xlane v5, v6  }
0x89: {  	s9 =	simm.s32 $0x0;
	v6 =	vadd.s32 v0, v4  }
0x8a: {  	v7 =	vadd.s32 v0, v5;
	[tilespmem:s9+$0x1B40] =	vst v6  }
0x8b: {  	v8 =	vadd.s32 v2, v5;
	[tilespmem:s9+$0x1B00] =	vst v7  }
0x8c: {  	s26 =	simm.s32 $0x1840;
	s28 =	simm.s32 $0x200;
	v6 =	vadd.s32 v1, v5;
	[tilespmem:s9+$0x1B20] =	vst v8  }
0x8d: {  	s10 =	sor.u32 $0x50, s26;
	s2 =	sor.u32 $0x60, s26;
	s0 =	simm.s32 $0x18C0;
	v7 =	vadd.s32 v3, v5;
	v5 =	vadd.s32 v2, v4;
	[tilespmem:s9+$0x1B10] =	vst v6;
	v6 =	vadd.s32 v1, v4  }
.LBB2_10:
0x8e: {  	s4 =	sor.u32 $0x60, s0  }
0x8f: {  	[tilespmem:s9+$0x1B30] =	vst v7;
	s24 =	sadd.s32 $0x8, s24;
	s25 =	sadd.s32 $0x2, s25;
	s21 =	smov.u32 s28  }
0x90: {  	p0 =	sne.s32 s28, $0x1E00;
	s28 =	sadd.s32 $0x200, s28;
	v4 =	vadd.s32 v3, v4;
	[tilespmem:s10+$0x300] =	vst v6;
	s10 =	sor.u32 $0x70, s26  }
0x91: {  	s29 =	sadd.s32 $0x1B00, s9;
	s9 =	sadd.s32 $0x5B00, s9;
	s26 =	sand.u32 $0x1C0, s24;
	[tilespmem:s2+$0x300] =	vst v5  }
0x92: {  	s30 =	sshrl.u32 s26, $0x2;
	s2 =	smov.u32 s4;
	s26 =	smov.u32 s0;
	[tilespmem:s10+$0x300] =	vst v4  }
0x93: {  	[tilespmem:s9], [sflag:$0x5] =	stream.indirect.gather [hbm4b:s1+s13], $0x1, s29, s13, $0xb8;
	[tilespmem:$0x10380] =	vst v63  }
0x94: {  	v4 =	vld [tilespmem:s30+$0x200];
	_ =	sdelay $0x1  }
0x95: {  	s4 =	sadd.s32 $0xFFFFFFFF, s25  }
0x96: {  	s4 =	sand.u32 $0xE, s4  }
0x97: {  	v6 =	vmov s25;
	v5 =	vmov s4  }
0x98: {  	v5 =	vperm.xlane v4, v5;
	v4 =	vperm.xlane v4, v6;
	_ =	sdelay $0x1  }
.Ltmp4:
0x99: {  	s9 =	sshra.s32 s21, $0x2;
	v8 =	vadd.s32 v0, v5;
	v9 =	vadd.s32 v1, v5;
	v6 =	vadd.s32 v0, v4;
	(pc) =	sbr.rel @p0 .LBB2_10-.Ltmp4, $4  }
0x9a: {  	v10 =	vadd.s32 v2, v5;
	v7 =	vadd.s32 v3, v5;
	[tilespmem:s9+$0x1B40] =	vst v6;
	v6 =	vadd.s32 v1, v4  }
0x9b: {  	v5 =	vadd.s32 v2, v4;
	[tilespmem:s9+$0x1B00] =	vst v8  }
0x9c: {  	[tilespmem:s9+$0x1B10] =	vst v9  }
0x9d: {  	s0 =	sadd.s32 $0x80, s0;
	s10 =	sor.u32 $0x50, s26;
	[tilespmem:s9+$0x1B20] =	vst v10  }
0x9e: {  	[tilespmem:s9+$0x1B30] =	vst v7  }
0x9f: {  	s24 =	simm.s32 $0x200;
	[tilespmem:s10+$0x300] =	vst v6  }
0xa0: {  	v4 =	vadd.s32 v3, v4;
	s0 =	sor.u32 $0x70, s26;
	s30 =	sand.u32 $0x3C0, s24;
	[tilespmem:s2+$0x300] =	vst v5  }
0xa1: {  	s29 =	sadd.s32 $0x1B00, s9;
	s4 =	sadd.s32 $0x5B00, s9;
	[tilespmem:s0+$0x300] =	vst v4;
	s0 =	sshrl.u32 s30, $0x2  }
0xa2: {  	[tilespmem:s4], [sflag:$0x5] =	stream.indirect.gather [hbm4b:s1+s13], $0x1, s29, s13, $0xb8;
	[tilespmem:$0x10380] =	vst v63  }
0xa3: {  	v5 =	vld [tilespmem:s0+$0x200];
	_ =	sdelay $0x2  }
0xa4: {  	s25 =	simm.s32 $0x81;
	s31 =	simm.s32 $0x80  }
0xa5: {  	v4 =	vmov s25;
	s0 =	sand.u32 $0xE, s31  }
0xa6: {  	v6 =	vmov s0;
	v4 =	vperm.xlane v5, v4  }
0xa7: {  	v5 =	vperm.xlane v5, v6  }
0xa8: {  	s9 =	simm.s32 $0x0;
	v6 =	vadd.s32 v0, v4  }
0xa9: {  	v7 =	vadd.s32 v0, v5;
	[tilespmem:s9+$0x2340] =	vst v6  }
0xaa: {  	v8 =	vadd.s32 v2, v5;
	[tilespmem:s9+$0x2300] =	vst v7  }
0xab: {  	s26 =	simm.s32 $0x2040;
	s28 =	simm.s32 $0x200;
	v6 =	vadd.s32 v1, v5;
	[tilespmem:s9+$0x2320] =	vst v8  }
0xac: {  	s10 =	sor.u32 $0x50, s26;
	s2 =	sor.u32 $0x60, s26;
	s0 =	simm.s32 $0x20C0;
	v7 =	vadd.s32 v3, v5;
	v5 =	vadd.s32 v2, v4;
	[tilespmem:s9+$0x2310] =	vst v6;
	v6 =	vadd.s32 v1, v4  }
.LBB2_12:
0xad: {  	s4 =	sor.u32 $0x60, s0  }
0xae: {  	[tilespmem:s9+$0x2330] =	vst v7;
	s24 =	sadd.s32 $0x8, s24;
	s25 =	sadd.s32 $0x2, s25;
	s21 =	smov.u32 s28  }
0xaf: {  	p0 =	sne.s32 s28, $0x1E00;
	s28 =	sadd.s32 $0x200, s28;
	v4 =	vadd.s32 v3, v4;
	[tilespmem:s10+$0x300] =	vst v6;
	s10 =	sor.u32 $0x70, s26  }
0xb0: {  	s29 =	sadd.s32 $0x2300, s9;
	s9 =	sadd.s32 $0x6300, s9;
	s26 =	sand.u32 $0x3C0, s24;
	[tilespmem:s2+$0x300] =	vst v5  }
0xb1: {  	s30 =	sshrl.u32 s26, $0x2;
	s2 =	smov.u32 s4;
	s26 =	smov.u32 s0;
	[tilespmem:s10+$0x300] =	vst v4  }
0xb2: {  	[tilespmem:s9], [sflag:$0x6] =	stream.indirect.gather [hbm4b:s1+s13], $0x1, s29, s13, $0xb8;
	[tilespmem:$0x10380] =	vst v63  }
0xb3: {  	v4 =	vld [tilespmem:s30+$0x200];
	_ =	sdelay $0x1  }
0xb4: {  	s4 =	sadd.s32 $0xFFFFFFFF, s25  }
0xb5: {  	s4 =	sand.u32 $0xE, s4  }
0xb6: {  	v6 =	vmov s25;
	v5 =	vmov s4  }
0xb7: {  	v5 =	vperm.xlane v4, v5;
	v4 =	vperm.xlane v4, v6;
	_ =	sdelay $0x1  }
.Ltmp5:
0xb8: {  	s9 =	sshra.s32 s21, $0x2;
	v8 =	vadd.s32 v0, v5;
	v9 =	vadd.s32 v1, v5;
	v6 =	vadd.s32 v0, v4;
	(pc) =	sbr.rel @p0 .LBB2_12-.Ltmp5, $4  }
0xb9: {  	v10 =	vadd.s32 v2, v5;
	v7 =	vadd.s32 v3, v5;
	[tilespmem:s9+$0x2340] =	vst v6;
	v6 =	vadd.s32 v1, v4  }
0xba: {  	v5 =	vadd.s32 v2, v4;
	[tilespmem:s9+$0x2300] =	vst v8  }
0xbb: {  	[tilespmem:s9+$0x2310] =	vst v9  }
0xbc: {  	s0 =	sadd.s32 $0x80, s0;
	s10 =	sor.u32 $0x50, s26;
	[tilespmem:s9+$0x2320] =	vst v10  }
0xbd: {  	[tilespmem:s9+$0x2330] =	vst v7  }
0xbe: {  	s24 =	simm.s32 $0x280;
	[tilespmem:s10+$0x300] =	vst v6  }
0xbf: {  	v4 =	vadd.s32 v3, v4;
	s0 =	sor.u32 $0x70, s26;
	s30 =	sand.u32 $0x3C0, s24;
	[tilespmem:s2+$0x300] =	vst v5  }
0xc0: {  	s29 =	sadd.s32 $0x2300, s9;
	s4 =	sadd.s32 $0x6300, s9;
	[tilespmem:s0+$0x300] =	vst v4;
	s0 =	sshrl.u32 s30, $0x2  }
0xc1: {  	[tilespmem:s4], [sflag:$0x6] =	stream.indirect.gather [hbm4b:s1+s13], $0x1, s29, s13, $0xb8;
	[tilespmem:$0x10380] =	vst v63  }
0xc2: {  	v5 =	vld [tilespmem:s0+$0x200];
	_ =	sdelay $0x2  }
0xc3: {  	s25 =	simm.s32 $0xA1;
	s31 =	simm.s32 $0xA0  }
0xc4: {  	v4 =	vmov s25;
	s0 =	sand.u32 $0xE, s31  }
0xc5: {  	v6 =	vmov s0;
	v4 =	vperm.xlane v5, v4  }
0xc6: {  	v5 =	vperm.xlane v5, v6  }
0xc7: {  	s9 =	simm.s32 $0x0;
	v6 =	vadd.s32 v0, v4  }
0xc8: {  	v7 =	vadd.s32 v0, v5;
	[tilespmem:s9+$0x2B40] =	vst v6  }
0xc9: {  	v8 =	vadd.s32 v2, v5;
	[tilespmem:s9+$0x2B00] =	vst v7  }
0xca: {  	s26 =	simm.s32 $0x2840;
	s28 =	simm.s32 $0x200;
	v6 =	vadd.s32 v1, v5;
	[tilespmem:s9+$0x2B20] =	vst v8  }
0xcb: {  	s10 =	sor.u32 $0x50, s26;
	s2 =	sor.u32 $0x60, s26;
	s0 =	simm.s32 $0x28C0;
	v7 =	vadd.s32 v3, v5;
	v5 =	vadd.s32 v2, v4;
	[tilespmem:s9+$0x2B10] =	vst v6;
	v6 =	vadd.s32 v1, v4  }
.LBB2_14:
0xcc: {  	s4 =	sor.u32 $0x60, s0  }
0xcd: {  	[tilespmem:s9+$0x2B30] =	vst v7;
	s24 =	sadd.s32 $0x8, s24;
	s25 =	sadd.s32 $0x2, s25;
	s21 =	smov.u32 s28  }
0xce: {  	p0 =	sne.s32 s28, $0x1E00;
	s28 =	sadd.s32 $0x200, s28;
	v4 =	vadd.s32 v3, v4;
	[tilespmem:s10+$0x300] =	vst v6;
	s10 =	sor.u32 $0x70, s26  }
0xcf: {  	s29 =	sadd.s32 $0x2B00, s9;
	s9 =	sadd.s32 $0x6B00, s9;
	s26 =	sand.u32 $0x3C0, s24;
	[tilespmem:s2+$0x300] =	vst v5  }
0xd0: {  	s30 =	sshrl.u32 s26, $0x2;
	s2 =	smov.u32 s4;
	s26 =	smov.u32 s0;
	[tilespmem:s10+$0x300] =	vst v4  }
0xd1: {  	[tilespmem:s9], [sflag:$0x7] =	stream.indirect.gather [hbm4b:s1+s13], $0x1, s29, s13, $0xb8;
	[tilespmem:$0x10380] =	vst v63  }
0xd2: {  	v4 =	vld [tilespmem:s30+$0x200];
	_ =	sdelay $0x1  }
0xd3: {  	s4 =	sadd.s32 $0xFFFFFFFF, s25  }
0xd4: {  	s4 =	sand.u32 $0xE, s4  }
0xd5: {  	v6 =	vmov s25;
	v5 =	vmov s4  }
0xd6: {  	v5 =	vperm.xlane v4, v5;
	v4 =	vperm.xlane v4, v6;
	_ =	sdelay $0x1  }
.Ltmp6:
0xd7: {  	s9 =	sshra.s32 s21, $0x2;
	v8 =	vadd.s32 v0, v5;
	v9 =	vadd.s32 v1, v5;
	v6 =	vadd.s32 v0, v4;
	(pc) =	sbr.rel @p0 .LBB2_14-.Ltmp6, $4  }
0xd8: {  	v10 =	vadd.s32 v2, v5;
	v7 =	vadd.s32 v3, v5;
	[tilespmem:s9+$0x2B40] =	vst v6;
	v6 =	vadd.s32 v1, v4  }
0xd9: {  	v5 =	vadd.s32 v2, v4;
	[tilespmem:s9+$0x2B00] =	vst v8  }
0xda: {  	[tilespmem:s9+$0x2B10] =	vst v9  }
0xdb: {  	s0 =	sadd.s32 $0x80, s0;
	s10 =	sor.u32 $0x50, s26;
	[tilespmem:s9+$0x2B20] =	vst v10  }
0xdc: {  	[tilespmem:s9+$0x2B30] =	vst v7  }
0xdd: {  	s24 =	simm.s32 $0x300;
	[tilespmem:s10+$0x300] =	vst v6  }
0xde: {  	v4 =	vadd.s32 v3, v4;
	s0 =	sor.u32 $0x70, s26;
	s30 =	sand.u32 $0x3C0, s24;
	[tilespmem:s2+$0x300] =	vst v5  }
0xdf: {  	s29 =	sadd.s32 $0x2B00, s9;
	s4 =	sadd.s32 $0x6B00, s9;
	[tilespmem:s0+$0x300] =	vst v4;
	s0 =	sshrl.u32 s30, $0x2  }
0xe0: {  	[tilespmem:s4], [sflag:$0x7] =	stream.indirect.gather [hbm4b:s1+s13], $0x1, s29, s13, $0xb8;
	[tilespmem:$0x10380] =	vst v63  }
0xe1: {  	v5 =	vld [tilespmem:s0+$0x200];
	_ =	sdelay $0x2  }
0xe2: {  	s25 =	simm.s32 $0xC1;
	s31 =	simm.s32 $0xC0  }
0xe3: {  	v4 =	vmov s25;
	s0 =	sand.u32 $0xE, s31  }
0xe4: {  	v6 =	vmov s0;
	v4 =	vperm.xlane v5, v4  }
0xe5: {  	v5 =	vperm.xlane v5, v6  }
0xe6: {  	s9 =	simm.s32 $0x0;
	v6 =	vadd.s32 v0, v4  }
0xe7: {  	v7 =	vadd.s32 v0, v5;
	[tilespmem:s9+$0x3340] =	vst v6  }
0xe8: {  	v8 =	vadd.s32 v2, v5;
	[tilespmem:s9+$0x3300] =	vst v7  }
0xe9: {  	s26 =	simm.s32 $0x3040;
	s28 =	simm.s32 $0x200;
	v6 =	vadd.s32 v1, v5;
	[tilespmem:s9+$0x3320] =	vst v8  }
0xea: {  	s10 =	sor.u32 $0x50, s26;
	s2 =	sor.u32 $0x60, s26;
	s0 =	simm.s32 $0x30C0;
	v7 =	vadd.s32 v3, v5;
	v5 =	vadd.s32 v2, v4;
	[tilespmem:s9+$0x3310] =	vst v6;
	v6 =	vadd.s32 v1, v4  }
.LBB2_16:
0xeb: {  	s4 =	sor.u32 $0x60, s0  }
0xec: {  	[tilespmem:s9+$0x3330] =	vst v7;
	s24 =	sadd.s32 $0x8, s24;
	s25 =	sadd.s32 $0x2, s25;
	s21 =	smov.u32 s28  }
0xed: {  	p0 =	sne.s32 s28, $0x1E00;
	s28 =	sadd.s32 $0x200, s28;
	v4 =	vadd.s32 v3, v4;
	[tilespmem:s10+$0x300] =	vst v6;
	s10 =	sor.u32 $0x70, s26  }
0xee: {  	s29 =	sadd.s32 $0x3300, s9;
	s9 =	sadd.s32 $0x7300, s9;
	s26 =	sand.u32 $0x3C0, s24;
	[tilespmem:s2+$0x300] =	vst v5  }
0xef: {  	s30 =	sshrl.u32 s26, $0x2;
	s2 =	smov.u32 s4;
	s26 =	smov.u32 s0;
	[tilespmem:s10+$0x300] =	vst v4  }
0xf0: {  	[tilespmem:s9], [sflag:$0x8] =	stream.indirect.gather [hbm4b:s1+s13], $0x1, s29, s13, $0xb8;
	[tilespmem:$0x10380] =	vst v63  }
0xf1: {  	v4 =	vld [tilespmem:s30+$0x200];
	_ =	sdelay $0x1  }
0xf2: {  	s4 =	sadd.s32 $0xFFFFFFFF, s25  }
0xf3: {  	s4 =	sand.u32 $0xE, s4  }
0xf4: {  	v6 =	vmov s25;
	v5 =	vmov s4  }
0xf5: {  	v5 =	vperm.xlane v4, v5;
	v4 =	vperm.xlane v4, v6;
	_ =	sdelay $0x1  }
.Ltmp7:
0xf6: {  	s9 =	sshra.s32 s21, $0x2;
	v8 =	vadd.s32 v0, v5;
	v9 =	vadd.s32 v1, v5;
	v6 =	vadd.s32 v0, v4;
	(pc) =	sbr.rel @p0 .LBB2_16-.Ltmp7, $4  }
0xf7: {  	v10 =	vadd.s32 v2, v5;
	v7 =	vadd.s32 v3, v5;
	[tilespmem:s9+$0x3340] =	vst v6;
	v6 =	vadd.s32 v1, v4  }
0xf8: {  	v5 =	vadd.s32 v2, v4;
	[tilespmem:s9+$0x3300] =	vst v8  }
0xf9: {  	[tilespmem:s9+$0x3310] =	vst v9  }
0xfa: {  	s0 =	sadd.s32 $0x80, s0;
	s10 =	sor.u32 $0x50, s26;
	[tilespmem:s9+$0x3320] =	vst v10  }
0xfb: {  	[tilespmem:s9+$0x3330] =	vst v7  }
0xfc: {  	s24 =	simm.s32 $0x380;
	[tilespmem:s10+$0x300] =	vst v6  }
0xfd: {  	v4 =	vadd.s32 v3, v4;
	s0 =	sor.u32 $0x70, s26;
	s30 =	sand.u32 $0x3C0, s24;
	[tilespmem:s2+$0x300] =	vst v5  }
0xfe: {  	s29 =	sadd.s32 $0x3300, s9;
	s4 =	sadd.s32 $0x7300, s9;
	[tilespmem:s0+$0x300] =	vst v4;
	s0 =	sshrl.u32 s30, $0x2  }
0xff: {  	[tilespmem:s4], [sflag:$0x8] =	stream.indirect.gather [hbm4b:s1+s13], $0x1, s29, s13, $0xb8;
	[tilespmem:$0x10380] =	vst v63  }
0x100: {  	v5 =	vld [tilespmem:s0+$0x200];
	_ =	sdelay $0x2  }
0x101: {  	s25 =	simm.s32 $0xE1;
	s31 =	simm.s32 $0xE0  }
0x102: {  	v4 =	vmov s25;
	s0 =	sand.u32 $0xE, s31  }
0x103: {  	v6 =	vmov s0;
	v4 =	vperm.xlane v5, v4  }
0x104: {  	v5 =	vperm.xlane v5, v6  }
0x105: {  	s9 =	simm.s32 $0x0;
	v6 =	vadd.s32 v0, v4  }
0x106: {  	v7 =	vadd.s32 v0, v5;
	[tilespmem:s9+$0x3B40] =	vst v6  }
0x107: {  	v8 =	vadd.s32 v2, v5;
	[tilespmem:s9+$0x3B00] =	vst v7  }
0x108: {  	s28 =	simm.s32 $0x200;
	s2 =	simm.s32 $0x3840;
	v6 =	vadd.s32 v1, v5;
	[tilespmem:s9+$0x3B20] =	vst v8  }
0x109: {  	s26 =	sor.u32 $0x60, s2;
	s10 =	sor.u32 $0x50, s2;
	s0 =	simm.s32 $0x38C0;
	v7 =	vadd.s32 v3, v5;
	v5 =	vadd.s32 v2, v4;
	[tilespmem:s9+$0x3B10] =	vst v6;
	v6 =	vadd.s32 v1, v4  }
.LBB2_18:
0x10a: {  	s4 =	sor.u32 $0x60, s0  }
0x10b: {  	[tilespmem:s9+$0x3B30] =	vst v7;
	s24 =	sadd.s32 $0x8, s24;
	s25 =	sadd.s32 $0x2, s25;
	s21 =	smov.u32 s28  }
0x10c: {  	p0 =	sne.s32 s28, $0x1E00;
	s28 =	sadd.s32 $0x200, s28;
	v4 =	vadd.s32 v3, v4;
	s2 =	sor.u32 $0x70, s2;
	[tilespmem:s10+$0x300] =	vst v6  }
0x10d: {  	s29 =	sadd.s32 $0x3B00, s9;
	s9 =	sadd.s32 $0x7B00, s9;
	s10 =	sand.u32 $0x3C0, s24;
	[tilespmem:s26+$0x300] =	vst v5  }
0x10e: {  	s10 =	sshrl.u32 s10, $0x2;
	s26 =	smov.u32 s4;
	[tilespmem:s2+$0x300] =	vst v4;
	s2 =	smov.u32 s0  }
0x10f: {  	[tilespmem:s9], [sflag:$0x9] =	stream.indirect.gather [hbm4b:s1+s13], $0x1, s29, s13, $0xb8;
	[tilespmem:$0x10380] =	vst v63  }
0x110: {  	v4 =	vld [tilespmem:s10+$0x200];
	_ =	sdelay $0x1  }
0x111: {  	s4 =	sadd.s32 $0xFFFFFFFF, s25  }
0x112: {  	s4 =	sand.u32 $0xE, s4  }
0x113: {  	v6 =	vmov s25;
	v5 =	vmov s4  }
0x114: {  	v5 =	vperm.xlane v4, v5;
	v4 =	vperm.xlane v4, v6;
	_ =	sdelay $0x1  }
.Ltmp8:
0x115: {  	s9 =	sshra.s32 s21, $0x2;
	v8 =	vadd.s32 v0, v5;
	v9 =	vadd.s32 v1, v5;
	v6 =	vadd.s32 v0, v4;
	(pc) =	sbr.rel @p0 .LBB2_18-.Ltmp8, $4  }
0x116: {  	v10 =	vadd.s32 v2, v5;
	v7 =	vadd.s32 v3, v5;
	[tilespmem:s9+$0x3B40] =	vst v6;
	v6 =	vadd.s32 v1, v4  }
0x117: {  	v5 =	vadd.s32 v2, v4;
	[tilespmem:s9+$0x3B00] =	vst v8  }
0x118: {  	[tilespmem:s9+$0x3B10] =	vst v9  }
0x119: {  	s0 =	sadd.s32 $0x80, s0;
	s10 =	sor.u32 $0x50, s2;
	[tilespmem:s9+$0x3B20] =	vst v10  }
0x11a: {  	[tilespmem:s9+$0x3B30] =	vst v7  }
0x11b: {  	[tilespmem:s10+$0x300] =	vst v6  }
0x11c: {  	v4 =	vadd.s32 v3, v4;
	s0 =	sor.u32 $0x70, s2;
	[tilespmem:s26+$0x300] =	vst v5  }
0x11d: {  	s29 =	sadd.s32 $0x3B00, s9;
	s4 =	sadd.s32 $0x7B00, s9;
	[tilespmem:s0+$0x300] =	vst v4  }
0x11e: {  	[tilespmem:s4], [sflag:$0x9] =	stream.indirect.gather [hbm4b:s1+s13], $0x1, s29, s13, $0xb8;
	[tilespmem:$0x10380] =	vst v63  }
0x11f: {  	_ =	swait.ge [sflag:s14], $0x8000  }
0x120: {  	[sflag:s14] =	ssyncset.done $0x0  }
0x121: {  	[sflag:s14] =	ssyncadd.s32 $0xFFFF8000  }
0x122: {  	_ =	swait.ge [sflag:s11], $0x80  }
0x123: {  	[sflag:s11] =	ssyncset.done $0x0  }
0x124: {  	[sflag:s11] =	ssyncadd.s32 $0xFFFFFF80  }
0x125: {  	_ =	swait.ge [sflag:s11], $0x80  }
0x126: {  	[sflag:s11] =	ssyncset.done $0x0  }
0x127: {  	[sflag:s11] =	ssyncadd.s32 $0xFFFFFF80  }
0x128: {  	_ =	swait.ge [sflag:s11], $0x80  }
0x129: {  	[sflag:s11] =	ssyncset.done $0x0  }
0x12a: {  	[sflag:s11] =	ssyncadd.s32 $0xFFFFFF80  }
0x12b: {  	_ =	swait.ge [sflag:s11], $0x80  }
0x12c: {  	[sflag:s11] =	ssyncset.done $0x0  }
0x12d: {  	[sflag:s11] =	ssyncadd.s32 $0xFFFFFF80  }
0x12e: {  	_ =	swait.ge [sflag:s11], $0x80  }
0x12f: {  	[sflag:s11] =	ssyncset.done $0x0  }
0x130: {  	[sflag:s11] =	ssyncadd.s32 $0xFFFFFF80  }
0x131: {  	_ =	swait.ge [sflag:s11], $0x80  }
0x132: {  	[sflag:s11] =	ssyncset.done $0x0  }
0x133: {  	[sflag:s11] =	ssyncadd.s32 $0xFFFFFF80  }
0x134: {  	_ =	swait.ge [sflag:s11], $0x80  }
0x135: {  	[sflag:s11] =	ssyncset.done $0x0  }
0x136: {  	[sflag:s11] =	ssyncadd.s32 $0xFFFFFF80  }
0x137: {  	_ =	swait.ge [sflag:s11], $0x80  }
0x138: {  	[sflag:s11] =	ssyncset.done $0x0  }
0x139: {  	[sflag:s11] =	ssyncadd.s32 $0xFFFFFF80  }
0x13a: {  	_ =	swait.ge [sflag:s11], $0x80  }
0x13b: {  	[sflag:s11] =	ssyncset.done $0x0  }
0x13c: {  	[sflag:s11] =	ssyncadd.s32 $0xFFFFFF80  }
0x13d: {  	_ =	swait.ge [sflag:s11], $0x80  }
0x13e: {  	[sflag:s11] =	ssyncset.done $0x0  }
0x13f: {  	[sflag:s11] =	ssyncadd.s32 $0xFFFFFF80  }
0x140: {  	_ =	swait.ge [sflag:s11], $0x80  }
0x141: {  	[sflag:s11] =	ssyncset.done $0x0  }
0x142: {  	[sflag:s11] =	ssyncadd.s32 $0xFFFFFF80  }
0x143: {  	_ =	swait.ge [sflag:s11], $0x80  }
0x144: {  	[sflag:s11] =	ssyncset.done $0x0  }
0x145: {  	[sflag:s11] =	ssyncadd.s32 $0xFFFFFF80  }
0x146: {  	_ =	swait.ge [sflag:s11], $0x80  }
0x147: {  	[sflag:s11] =	ssyncset.done $0x0  }
0x148: {  	[sflag:s11] =	ssyncadd.s32 $0xFFFFFF80  }
0x149: {  	_ =	swait.ge [sflag:s11], $0x80  }
0x14a: {  	[sflag:s11] =	ssyncset.done $0x0  }
0x14b: {  	[sflag:s11] =	ssyncadd.s32 $0xFFFFFF80  }
0x14c: {  	_ =	swait.ge [sflag:s11], $0x80  }
0x14d: {  	[sflag:s11] =	ssyncset.done $0x0  }
0x14e: {  	[sflag:s11] =	ssyncadd.s32 $0xFFFFFF80  }
0x14f: {  	_ =	swait.ge [sflag:s11], $0x80  }
0x150: {  	[sflag:s11] =	ssyncset.done $0x0  }
0x151: {  	s30 =	simm.s32 $0x8320;
	[sflag:s11] =	ssyncadd.s32 $0xFFFFFF80  }
0x152: {  	s31 =	simm.s32 $0x0;
	v6 =	vld [tilespmem:s30+$0x10]  }
0x153: {  	v9 =	vld [tilespmem:s31+$0x4330]  }
0x154: {  	v8 =	vld [tilespmem:s31+$0x4300]  }
0x155: {  	v7 =	vld [tilespmem:s31+$0x4310]  }
0x156: {  	v5 =	vld [tilespmem:s31+$0x4320]  }
0x157: {  	v12 =	vld [tilespmem:s30+$0xFFFFFFE0]  }
0x158: {  	v13 =	vld [tilespmem:s30+$0xFFFFFFF0];
	v6 =	vsub.f32 v9, v6  }
0x159: {  	v10 =	vimm.f32 $0.0e+00;
	v4 =	vimm.f32 $0.0e+00;
	s0 =	simm.s32 $0x83A0;
	v14 =	vld [tilespmem:s30+$0x0]  }
0x15a: {  	s9 =	simm.s32 $0x40;
	s2 =	simm.s32 $0x200;
	v11 =	vld [tilespmem:s0+$0x10];
	v9 =	vimm.f32 $0.0e+00;
	v15 =	vand.u32 $0x7FFFFFFF, v6;
	v6 =	vimm.f32 $0.0e+00  }
.LBB2_20:
0x15b: {  	p0 =	seq.s32 s2, $0x1F00;
	v16 =	vld [tilespmem:s9+$0x4330];
	v4 =	vadd.f32 v15, v4  }
0x15c: {  	v12 =	vsub.f32 v8, v12;
	v8 =	vld [tilespmem:s9+$0x4300]  }
0x15d: {  	v13 =	vsub.f32 v7, v13;
	v7 =	vld [tilespmem:s9+$0x4310]  }
.Ltmp9:
0x15e: {  	v15 =	vand.u32 $0x7FFFFFFF, v12;
	v14 =	vsub.f32 v5, v14;
	v5 =	vld [tilespmem:s9+$0x4320];
	(pc) =	sbr.rel @!p0 .LBB2_20-.Ltmp9, $4  }
0x15f: {  	v12 =	vld [tilespmem:s0+$0xFFFFFFE0];
	v10 =	vadd.f32 v15, v10;
	v15 =	vand.u32 $0x7FFFFFFF, v13  }
0x160: {  	v13 =	vld [tilespmem:s0+$0xFFFFFFF0];
	v16 =	vsub.f32 v16, v11;
	v9 =	vadd.f32 v15, v9;
	v11 =	vand.u32 $0x7FFFFFFF, v14  }
0x161: {  	v14 =	vld [tilespmem:s0+$0x0];
	s0 =	sadd.s32 $0x80, s0;
	v6 =	vadd.f32 v11, v6  }
0x162: {  	s9 =	sshra.s32 s2, $0x2;
	s2 =	sadd.s32 $0x100, s2;
	v11 =	vld [tilespmem:s0+$0x10];
	v15 =	vand.u32 $0x7FFFFFFF, v16  }
0x163: {  	v16 =	vld [tilespmem:s9+$0x4330]  }
0x164: {  	v17 =	vld [tilespmem:s9+$0x4300]  }
0x165: {  	v18 =	vld [tilespmem:s9+$0x4310]  }
0x166: {  	v19 =	vld [tilespmem:s9+$0x4320]  }
0x167: {  	v20 =	vld [tilespmem:s0+$0xFFFFFFE0]  }
0x168: {  	v21 =	vld [tilespmem:s0+$0xFFFFFFF0]  }
0x169: {  	v8 =	vsub.f32 v8, v12;
	v12 =	vld [tilespmem:s0+$0x0];
	_ =	swait.ge [sflag:s12], $0x80  }
0x16a: {  	[sflag:s12] =	ssyncset.done $0x0  }
0x16b: {  	[sflag:s12] =	ssyncadd.s32 $0xFFFFFF80  }
0x16c: {  	_ =	swait.ge [sflag:s12], $0x80  }
0x16d: {  	[sflag:s12] =	ssyncset.done $0x0  }
0x16e: {  	[sflag:s12] =	ssyncadd.s32 $0xFFFFFF80  }
0x16f: {  	_ =	swait.ge [sflag:s12], $0x80  }
0x170: {  	[sflag:s12] =	ssyncset.done $0x0  }
0x171: {  	[sflag:s12] =	ssyncadd.s32 $0xFFFFFF80  }
0x172: {  	_ =	swait.ge [sflag:s12], $0x80  }
0x173: {  	[sflag:s12] =	ssyncset.done $0x0  }
0x174: {  	[sflag:s12] =	ssyncadd.s32 $0xFFFFFF80  }
0x175: {  	_ =	swait.ge [sflag:s12], $0x80  }
0x176: {  	[sflag:s12] =	ssyncset.done $0x0  }
0x177: {  	[sflag:s12] =	ssyncadd.s32 $0xFFFFFF80  }
0x178: {  	_ =	swait.ge [sflag:s12], $0x80  }
0x179: {  	[sflag:s12] =	ssyncset.done $0x0  }
0x17a: {  	[sflag:s12] =	ssyncadd.s32 $0xFFFFFF80  }
0x17b: {  	_ =	swait.ge [sflag:s12], $0x80  }
0x17c: {  	[sflag:s12] =	ssyncset.done $0x0  }
0x17d: {  	[sflag:s12] =	ssyncadd.s32 $0xFFFFFF80  }
0x17e: {  	_ =	swait.ge [sflag:s12], $0x80  }
0x17f: {  	[sflag:s12] =	ssyncset.done $0x0  }
0x180: {  	[sflag:s12] =	ssyncadd.s32 $0xFFFFFF80  }
0x181: {  	_ =	swait.ge [sflag:s12], $0x80  }
0x182: {  	[sflag:s12] =	ssyncset.done $0x0  }
0x183: {  	[sflag:s12] =	ssyncadd.s32 $0xFFFFFF80  }
0x184: {  	_ =	swait.ge [sflag:s12], $0x80  }
0x185: {  	[sflag:s12] =	ssyncset.done $0x0  }
0x186: {  	[sflag:s12] =	ssyncadd.s32 $0xFFFFFF80  }
0x187: {  	_ =	swait.ge [sflag:s12], $0x80  }
0x188: {  	[sflag:s12] =	ssyncset.done $0x0  }
0x189: {  	[sflag:s12] =	ssyncadd.s32 $0xFFFFFF80  }
0x18a: {  	_ =	swait.ge [sflag:s12], $0x80  }
0x18b: {  	[sflag:s12] =	ssyncset.done $0x0  }
0x18c: {  	[sflag:s12] =	ssyncadd.s32 $0xFFFFFF80  }
0x18d: {  	_ =	swait.ge [sflag:s12], $0x80  }
0x18e: {  	[sflag:s12] =	ssyncset.done $0x0  }
0x18f: {  	[sflag:s12] =	ssyncadd.s32 $0xFFFFFF80  }
0x190: {  	_ =	swait.ge [sflag:s12], $0x80  }
0x191: {  	[sflag:s12] =	ssyncset.done $0x0  }
0x192: {  	[sflag:s12] =	ssyncadd.s32 $0xFFFFFF80  }
0x193: {  	_ =	swait.ge [sflag:s12], $0x80  }
0x194: {  	[sflag:s12] =	ssyncset.done $0x0  }
0x195: {  	v7 =	vsub.f32 v7, v13;
	v8 =	vand.u32 $0x7FFFFFFF, v8;
	[sflag:s12] =	ssyncadd.s32 $0xFFFFFF80  }
0x196: {  	v8 =	vadd.f32 v8, v10;
	v10 =	vsub.f32 v16, v11;
	_ =	swait.ge [sflag:s12], $0x80  }
0x197: {  	v4 =	vadd.f32 v15, v4;
	v7 =	vand.u32 $0x7FFFFFFF, v7;
	v11 =	vsub.f32 v17, v20;
	[sflag:s12] =	ssyncset.done $0x0  }
0x198: {  	s31 =	simm.s32 $0x9330;
	v5 =	vsub.f32 v5, v14;
	v9 =	vadd.f32 v7, v9;
	v7 =	vand.u32 $0x7FFFFFFF, v10;
	[sflag:s12] =	ssyncadd.s32 $0xFFFFFF80  }
0x199: {  	s2 =	simm.s32 $0x0;
	v10 =	vsub.f32 v18, v21;
	v7 =	vadd.f32 v7, v4;
	v4 =	vand.u32 $0x7FFFFFFF, v11;
	v11 =	vld [tilespmem:s31+$0x0]  }
0x19a: {  	v5 =	vand.u32 $0x7FFFFFFF, v5;
	v12 =	vsub.f32 v19, v12;
	v14 =	vld [tilespmem:s2+$0x4B30]  }
0x19b: {  	v13 =	vadd.f32 v5, v6;
	v5 =	vadd.f32 v4, v8;
	v4 =	vand.u32 $0x7FFFFFFF, v10;
	v10 =	vld [tilespmem:s2+$0x4B00]  }
0x19c: {  	v8 =	vand.u32 $0x7FFFFFFF, v12;
	v6 =	vadd.f32 v4, v9;
	v9 =	vld [tilespmem:s2+$0x4B10]  }
0x19d: {  	v4 =	vadd.f32 v8, v13;
	v8 =	vld [tilespmem:s2+$0x4B20]  }
0x19e: {  	v12 =	vld [tilespmem:s31+$0xFFFFFFD0]  }
0x19f: {  	v13 =	vld [tilespmem:s31+$0xFFFFFFE0];
	v15 =	vsub.f32 v14, v11  }
0x1a0: {  	s0 =	simm.s32 $0x93B0;
	v14 =	vld [tilespmem:s31+$0xFFFFFFF0]  }
0x1a1: {  	s9 =	simm.s32 $0x40;
	s2 =	simm.s32 $0x200;
	v11 =	vld [tilespmem:s0+$0x0];
	v15 =	vand.u32 $0x7FFFFFFF, v15  }
.LBB2_22:
0x1a2: {  	p0 =	seq.s32 s2, $0x1F00;
	v16 =	vld [tilespmem:s9+$0x4B30];
	v7 =	vadd.f32 v15, v7  }
0x1a3: {  	v12 =	vsub.f32 v10, v12;
	v10 =	vld [tilespmem:s9+$0x4B00]  }
0x1a4: {  	v13 =	vsub.f32 v9, v13;
	v9 =	vld [tilespmem:s9+$0x4B10]  }
.Ltmp10:
0x1a5: {  	v15 =	vand.u32 $0x7FFFFFFF, v12;
	v14 =	vsub.f32 v8, v14;
	v8 =	vld [tilespmem:s9+$0x4B20];
	(pc) =	sbr.rel @!p0 .LBB2_22-.Ltmp10, $4  }
0x1a6: {  	v12 =	vld [tilespmem:s0+$0xFFFFFFD0];
	v5 =	vadd.f32 v15, v5;
	v15 =	vand.u32 $0x7FFFFFFF, v13  }
0x1a7: {  	v13 =	vld [tilespmem:s0+$0xFFFFFFE0];
	v16 =	vsub.f32 v16, v11;
	v6 =	vadd.f32 v15, v6;
	v11 =	vand.u32 $0x7FFFFFFF, v14  }
0x1a8: {  	v14 =	vld [tilespmem:s0+$0xFFFFFFF0];
	s0 =	sadd.s32 $0x80, s0;
	v4 =	vadd.f32 v11, v4  }
0x1a9: {  	s9 =	sshra.s32 s2, $0x2;
	s2 =	sadd.s32 $0x100, s2;
	v11 =	vld [tilespmem:s0+$0x0];
	v15 =	vand.u32 $0x7FFFFFFF, v16  }
0x1aa: {  	v16 =	vld [tilespmem:s9+$0x4B30]  }
0x1ab: {  	v17 =	vld [tilespmem:s9+$0x4B00]  }
0x1ac: {  	v18 =	vld [tilespmem:s9+$0x4B10]  }
0x1ad: {  	v19 =	vld [tilespmem:s9+$0x4B20]  }
0x1ae: {  	v20 =	vld [tilespmem:s0+$0xFFFFFFD0]  }
0x1af: {  	v21 =	vld [tilespmem:s0+$0xFFFFFFE0]  }
0x1b0: {  	v10 =	vsub.f32 v10, v12;
	v12 =	vld [tilespmem:s0+$0xFFFFFFF0];
	_ =	swait.ge [sflag:s15], $0x80  }
0x1b1: {  	[sflag:s15] =	ssyncset.done $0x0  }
0x1b2: {  	[sflag:s15] =	ssyncadd.s32 $0xFFFFFF80  }
0x1b3: {  	_ =	swait.ge [sflag:s15], $0x80  }
0x1b4: {  	[sflag:s15] =	ssyncset.done $0x0  }
0x1b5: {  	[sflag:s15] =	ssyncadd.s32 $0xFFFFFF80  }
0x1b6: {  	_ =	swait.ge [sflag:s15], $0x80  }
0x1b7: {  	[sflag:s15] =	ssyncset.done $0x0  }
0x1b8: {  	[sflag:s15] =	ssyncadd.s32 $0xFFFFFF80  }
0x1b9: {  	_ =	swait.ge [sflag:s15], $0x80  }
0x1ba: {  	[sflag:s15] =	ssyncset.done $0x0  }
0x1bb: {  	[sflag:s15] =	ssyncadd.s32 $0xFFFFFF80  }
0x1bc: {  	_ =	swait.ge [sflag:s15], $0x80  }
0x1bd: {  	[sflag:s15] =	ssyncset.done $0x0  }
0x1be: {  	[sflag:s15] =	ssyncadd.s32 $0xFFFFFF80  }
0x1bf: {  	_ =	swait.ge [sflag:s15], $0x80  }
0x1c0: {  	[sflag:s15] =	ssyncset.done $0x0  }
0x1c1: {  	[sflag:s15] =	ssyncadd.s32 $0xFFFFFF80  }
0x1c2: {  	_ =	swait.ge [sflag:s15], $0x80  }
0x1c3: {  	[sflag:s15] =	ssyncset.done $0x0  }
0x1c4: {  	[sflag:s15] =	ssyncadd.s32 $0xFFFFFF80  }
0x1c5: {  	_ =	swait.ge [sflag:s15], $0x80  }
0x1c6: {  	[sflag:s15] =	ssyncset.done $0x0  }
0x1c7: {  	[sflag:s15] =	ssyncadd.s32 $0xFFFFFF80  }
0x1c8: {  	_ =	swait.ge [sflag:s15], $0x80  }
0x1c9: {  	[sflag:s15] =	ssyncset.done $0x0  }
0x1ca: {  	[sflag:s15] =	ssyncadd.s32 $0xFFFFFF80  }
0x1cb: {  	_ =	swait.ge [sflag:s15], $0x80  }
0x1cc: {  	[sflag:s15] =	ssyncset.done $0x0  }
0x1cd: {  	[sflag:s15] =	ssyncadd.s32 $0xFFFFFF80  }
0x1ce: {  	_ =	swait.ge [sflag:s15], $0x80  }
0x1cf: {  	[sflag:s15] =	ssyncset.done $0x0  }
0x1d0: {  	[sflag:s15] =	ssyncadd.s32 $0xFFFFFF80  }
0x1d1: {  	_ =	swait.ge [sflag:s15], $0x80  }
0x1d2: {  	[sflag:s15] =	ssyncset.done $0x0  }
0x1d3: {  	[sflag:s15] =	ssyncadd.s32 $0xFFFFFF80  }
0x1d4: {  	_ =	swait.ge [sflag:s15], $0x80  }
0x1d5: {  	[sflag:s15] =	ssyncset.done $0x0  }
0x1d6: {  	[sflag:s15] =	ssyncadd.s32 $0xFFFFFF80  }
0x1d7: {  	_ =	swait.ge [sflag:s15], $0x80  }
0x1d8: {  	[sflag:s15] =	ssyncset.done $0x0  }
0x1d9: {  	[sflag:s15] =	ssyncadd.s32 $0xFFFFFF80  }
0x1da: {  	v9 =	vsub.f32 v9, v13;
	_ =	swait.ge [sflag:s15], $0x80  }
0x1db: {  	v10 =	vand.u32 $0x7FFFFFFF, v10;
	[sflag:s15] =	ssyncset.done $0x0  }
0x1dc: {  	v8 =	vsub.f32 v8, v14;
	v5 =	vadd.f32 v10, v5;
	v9 =	vand.u32 $0x7FFFFFFF, v9;
	[sflag:s15] =	ssyncadd.s32 $0xFFFFFF80  }
0x1dd: {  	v6 =	vadd.f32 v9, v6;
	v9 =	vsub.f32 v17, v20;
	_ =	swait.ge [sflag:s15], $0x80  }
0x1de: {  	v10 =	vsub.f32 v16, v11;
	v8 =	vand.u32 $0x7FFFFFFF, v8;
	v11 =	vsub.f32 v18, v21;
	[sflag:s15] =	ssyncset.done $0x0  }
0x1df: {  	v7 =	vadd.f32 v15, v7;
	s31 =	simm.s32 $0xA330;
	v4 =	vadd.f32 v8, v4;
	v8 =	vand.u32 $0x7FFFFFFF, v9;
	[sflag:s15] =	ssyncadd.s32 $0xFFFFFF80  }
0x1e0: {  	s2 =	simm.s32 $0x0;
	v12 =	vsub.f32 v19, v12;
	v5 =	vadd.f32 v8, v5;
	v8 =	vand.u32 $0x7FFFFFFF, v11;
	v11 =	vld [tilespmem:s31+$0x0]  }
0x1e1: {  	v10 =	vand.u32 $0x7FFFFFFF, v10;
	v14 =	vld [tilespmem:s2+$0x5330]  }
0x1e2: {  	v7 =	vadd.f32 v10, v7;
	v9 =	vand.u32 $0x7FFFFFFF, v12;
	v10 =	vld [tilespmem:s2+$0x5300]  }
0x1e3: {  	v4 =	vadd.f32 v9, v4;
	v9 =	vld [tilespmem:s2+$0x5310]  }
0x1e4: {  	v6 =	vadd.f32 v8, v6;
	v8 =	vld [tilespmem:s2+$0x5320]  }
0x1e5: {  	v12 =	vld [tilespmem:s31+$0xFFFFFFD0]  }
0x1e6: {  	v13 =	vld [tilespmem:s31+$0xFFFFFFE0];
	v15 =	vsub.f32 v14, v11  }
0x1e7: {  	s0 =	simm.s32 $0xA3B0;
	v14 =	vld [tilespmem:s31+$0xFFFFFFF0]  }
0x1e8: {  	s9 =	simm.s32 $0x40;
	s2 =	simm.s32 $0x200;
	v11 =	vld [tilespmem:s0+$0x0];
	v15 =	vand.u32 $0x7FFFFFFF, v15  }
.LBB2_24:
0x1e9: {  	p0 =	seq.s32 s2, $0x1F00;
	v16 =	vld [tilespmem:s9+$0x5330];
	v7 =	vadd.f32 v15, v7  }
0x1ea: {  	v12 =	vsub.f32 v10, v12;
	v10 =	vld [tilespmem:s9+$0x5300]  }
0x1eb: {  	v13 =	vsub.f32 v9, v13;
	v9 =	vld [tilespmem:s9+$0x5310]  }
.Ltmp11:
0x1ec: {  	v15 =	vand.u32 $0x7FFFFFFF, v12;
	v14 =	vsub.f32 v8, v14;
	v8 =	vld [tilespmem:s9+$0x5320];
	(pc) =	sbr.rel @!p0 .LBB2_24-.Ltmp11, $4  }
0x1ed: {  	v12 =	vld [tilespmem:s0+$0xFFFFFFD0];
	v5 =	vadd.f32 v15, v5;
	v15 =	vand.u32 $0x7FFFFFFF, v13  }
0x1ee: {  	v13 =	vld [tilespmem:s0+$0xFFFFFFE0];
	v16 =	vsub.f32 v16, v11;
	v6 =	vadd.f32 v15, v6;
	v11 =	vand.u32 $0x7FFFFFFF, v14  }
0x1ef: {  	v14 =	vld [tilespmem:s0+$0xFFFFFFF0];
	s0 =	sadd.s32 $0x80, s0;
	v4 =	vadd.f32 v11, v4  }
0x1f0: {  	s9 =	sshra.s32 s2, $0x2;
	s2 =	sadd.s32 $0x100, s2;
	v11 =	vld [tilespmem:s0+$0x0];
	v15 =	vand.u32 $0x7FFFFFFF, v16  }
0x1f1: {  	v16 =	vld [tilespmem:s9+$0x5330]  }
0x1f2: {  	v17 =	vld [tilespmem:s9+$0x5300]  }
0x1f3: {  	v18 =	vld [tilespmem:s9+$0x5310]  }
0x1f4: {  	v19 =	vld [tilespmem:s9+$0x5320]  }
0x1f5: {  	v20 =	vld [tilespmem:s0+$0xFFFFFFD0]  }
0x1f6: {  	v21 =	vld [tilespmem:s0+$0xFFFFFFE0]  }
0x1f7: {  	v10 =	vsub.f32 v10, v12;
	v12 =	vld [tilespmem:s0+$0xFFFFFFF0];
	_ =	swait.ge [sflag:s16], $0x80  }
0x1f8: {  	[sflag:s16] =	ssyncset.done $0x0  }
0x1f9: {  	[sflag:s16] =	ssyncadd.s32 $0xFFFFFF80  }
0x1fa: {  	_ =	swait.ge [sflag:s16], $0x80  }
0x1fb: {  	[sflag:s16] =	ssyncset.done $0x0  }
0x1fc: {  	[sflag:s16] =	ssyncadd.s32 $0xFFFFFF80  }
0x1fd: {  	_ =	swait.ge [sflag:s16], $0x80  }
0x1fe: {  	[sflag:s16] =	ssyncset.done $0x0  }
0x1ff: {  	[sflag:s16] =	ssyncadd.s32 $0xFFFFFF80  }
0x200: {  	_ =	swait.ge [sflag:s16], $0x80  }
0x201: {  	[sflag:s16] =	ssyncset.done $0x0  }
0x202: {  	[sflag:s16] =	ssyncadd.s32 $0xFFFFFF80  }
0x203: {  	_ =	swait.ge [sflag:s16], $0x80  }
0x204: {  	[sflag:s16] =	ssyncset.done $0x0  }
0x205: {  	[sflag:s16] =	ssyncadd.s32 $0xFFFFFF80  }
0x206: {  	_ =	swait.ge [sflag:s16], $0x80  }
0x207: {  	[sflag:s16] =	ssyncset.done $0x0  }
0x208: {  	[sflag:s16] =	ssyncadd.s32 $0xFFFFFF80  }
0x209: {  	_ =	swait.ge [sflag:s16], $0x80  }
0x20a: {  	[sflag:s16] =	ssyncset.done $0x0  }
0x20b: {  	[sflag:s16] =	ssyncadd.s32 $0xFFFFFF80  }
0x20c: {  	_ =	swait.ge [sflag:s16], $0x80  }
0x20d: {  	[sflag:s16] =	ssyncset.done $0x0  }
0x20e: {  	[sflag:s16] =	ssyncadd.s32 $0xFFFFFF80  }
0x20f: {  	_ =	swait.ge [sflag:s16], $0x80  }
0x210: {  	[sflag:s16] =	ssyncset.done $0x0  }
0x211: {  	[sflag:s16] =	ssyncadd.s32 $0xFFFFFF80  }
0x212: {  	_ =	swait.ge [sflag:s16], $0x80  }
0x213: {  	[sflag:s16] =	ssyncset.done $0x0  }
0x214: {  	[sflag:s16] =	ssyncadd.s32 $0xFFFFFF80  }
0x215: {  	_ =	swait.ge [sflag:s16], $0x80  }
0x216: {  	[sflag:s16] =	ssyncset.done $0x0  }
0x217: {  	[sflag:s16] =	ssyncadd.s32 $0xFFFFFF80  }
0x218: {  	_ =	swait.ge [sflag:s16], $0x80  }
0x219: {  	[sflag:s16] =	ssyncset.done $0x0  }
0x21a: {  	[sflag:s16] =	ssyncadd.s32 $0xFFFFFF80  }
0x21b: {  	_ =	swait.ge [sflag:s16], $0x80  }
0x21c: {  	[sflag:s16] =	ssyncset.done $0x0  }
0x21d: {  	[sflag:s16] =	ssyncadd.s32 $0xFFFFFF80  }
0x21e: {  	_ =	swait.ge [sflag:s16], $0x80  }
0x21f: {  	[sflag:s16] =	ssyncset.done $0x0  }
0x220: {  	[sflag:s16] =	ssyncadd.s32 $0xFFFFFF80  }
0x221: {  	v9 =	vsub.f32 v9, v13;
	_ =	swait.ge [sflag:s16], $0x80  }
0x222: {  	v10 =	vand.u32 $0x7FFFFFFF, v10;
	[sflag:s16] =	ssyncset.done $0x0  }
0x223: {  	v8 =	vsub.f32 v8, v14;
	v5 =	vadd.f32 v10, v5;
	v9 =	vand.u32 $0x7FFFFFFF, v9;
	[sflag:s16] =	ssyncadd.s32 $0xFFFFFF80  }
0x224: {  	v6 =	vadd.f32 v9, v6;
	v9 =	vsub.f32 v17, v20;
	_ =	swait.ge [sflag:s16], $0x80  }
0x225: {  	v10 =	vsub.f32 v16, v11;
	v8 =	vand.u32 $0x7FFFFFFF, v8;
	v11 =	vsub.f32 v18, v21;
	[sflag:s16] =	ssyncset.done $0x0  }
0x226: {  	v7 =	vadd.f32 v15, v7;
	s31 =	simm.s32 $0xB330;
	v4 =	vadd.f32 v8, v4;
	v8 =	vand.u32 $0x7FFFFFFF, v9;
	[sflag:s16] =	ssyncadd.s32 $0xFFFFFF80  }
0x227: {  	s2 =	simm.s32 $0x0;
	v12 =	vsub.f32 v19, v12;
	v5 =	vadd.f32 v8, v5;
	v8 =	vand.u32 $0x7FFFFFFF, v11;
	v11 =	vld [tilespmem:s31+$0x0]  }
0x228: {  	v10 =	vand.u32 $0x7FFFFFFF, v10;
	v14 =	vld [tilespmem:s2+$0x5B30]  }
0x229: {  	v7 =	vadd.f32 v10, v7;
	v9 =	vand.u32 $0x7FFFFFFF, v12;
	v10 =	vld [tilespmem:s2+$0x5B00]  }
0x22a: {  	v4 =	vadd.f32 v9, v4;
	v9 =	vld [tilespmem:s2+$0x5B10]  }
0x22b: {  	v6 =	vadd.f32 v8, v6;
	v8 =	vld [tilespmem:s2+$0x5B20]  }
0x22c: {  	v12 =	vld [tilespmem:s31+$0xFFFFFFD0]  }
0x22d: {  	v13 =	vld [tilespmem:s31+$0xFFFFFFE0];
	v15 =	vsub.f32 v14, v11  }
0x22e: {  	s0 =	simm.s32 $0xB3B0;
	v14 =	vld [tilespmem:s31+$0xFFFFFFF0]  }
0x22f: {  	s9 =	simm.s32 $0x40;
	s2 =	simm.s32 $0x200;
	v11 =	vld [tilespmem:s0+$0x0];
	v15 =	vand.u32 $0x7FFFFFFF, v15  }
.LBB2_26:
0x230: {  	p0 =	seq.s32 s2, $0x1F00;
	v16 =	vld [tilespmem:s9+$0x5B30];
	v7 =	vadd.f32 v15, v7  }
0x231: {  	v12 =	vsub.f32 v10, v12;
	v10 =	vld [tilespmem:s9+$0x5B00]  }
0x232: {  	v13 =	vsub.f32 v9, v13;
	v9 =	vld [tilespmem:s9+$0x5B10]  }
.Ltmp12:
0x233: {  	v15 =	vand.u32 $0x7FFFFFFF, v12;
	v14 =	vsub.f32 v8, v14;
	v8 =	vld [tilespmem:s9+$0x5B20];
	(pc) =	sbr.rel @!p0 .LBB2_26-.Ltmp12, $4  }
0x234: {  	v12 =	vld [tilespmem:s0+$0xFFFFFFD0];
	v5 =	vadd.f32 v15, v5;
	v15 =	vand.u32 $0x7FFFFFFF, v13  }
0x235: {  	v13 =	vld [tilespmem:s0+$0xFFFFFFE0];
	v16 =	vsub.f32 v16, v11;
	v6 =	vadd.f32 v15, v6;
	v11 =	vand.u32 $0x7FFFFFFF, v14  }
0x236: {  	v14 =	vld [tilespmem:s0+$0xFFFFFFF0];
	s0 =	sadd.s32 $0x80, s0;
	v4 =	vadd.f32 v11, v4  }
0x237: {  	s9 =	sshra.s32 s2, $0x2;
	s2 =	sadd.s32 $0x100, s2;
	v11 =	vld [tilespmem:s0+$0x0];
	v15 =	vand.u32 $0x7FFFFFFF, v16  }
0x238: {  	v16 =	vld [tilespmem:s9+$0x5B30]  }
0x239: {  	v17 =	vld [tilespmem:s9+$0x5B00]  }
0x23a: {  	v18 =	vld [tilespmem:s9+$0x5B10]  }
0x23b: {  	v19 =	vld [tilespmem:s9+$0x5B20]  }
0x23c: {  	v20 =	vld [tilespmem:s0+$0xFFFFFFD0]  }
0x23d: {  	v21 =	vld [tilespmem:s0+$0xFFFFFFE0]  }
0x23e: {  	v10 =	vsub.f32 v10, v12;
	v12 =	vld [tilespmem:s0+$0xFFFFFFF0];
	_ =	swait.ge [sflag:s17], $0x80  }
0x23f: {  	[sflag:s17] =	ssyncset.done $0x0  }
0x240: {  	[sflag:s17] =	ssyncadd.s32 $0xFFFFFF80  }
0x241: {  	_ =	swait.ge [sflag:s17], $0x80  }
0x242: {  	[sflag:s17] =	ssyncset.done $0x0  }
0x243: {  	[sflag:s17] =	ssyncadd.s32 $0xFFFFFF80  }
0x244: {  	_ =	swait.ge [sflag:s17], $0x80  }
0x245: {  	[sflag:s17] =	ssyncset.done $0x0  }
0x246: {  	[sflag:s17] =	ssyncadd.s32 $0xFFFFFF80  }
0x247: {  	_ =	swait.ge [sflag:s17], $0x80  }
0x248: {  	[sflag:s17] =	ssyncset.done $0x0  }
0x249: {  	[sflag:s17] =	ssyncadd.s32 $0xFFFFFF80  }
0x24a: {  	_ =	swait.ge [sflag:s17], $0x80  }
0x24b: {  	[sflag:s17] =	ssyncset.done $0x0  }
0x24c: {  	[sflag:s17] =	ssyncadd.s32 $0xFFFFFF80  }
0x24d: {  	_ =	swait.ge [sflag:s17], $0x80  }
0x24e: {  	[sflag:s17] =	ssyncset.done $0x0  }
0x24f: {  	[sflag:s17] =	ssyncadd.s32 $0xFFFFFF80  }
0x250: {  	_ =	swait.ge [sflag:s17], $0x80  }
0x251: {  	[sflag:s17] =	ssyncset.done $0x0  }
0x252: {  	[sflag:s17] =	ssyncadd.s32 $0xFFFFFF80  }
0x253: {  	_ =	swait.ge [sflag:s17], $0x80  }
0x254: {  	[sflag:s17] =	ssyncset.done $0x0  }
0x255: {  	[sflag:s17] =	ssyncadd.s32 $0xFFFFFF80  }
0x256: {  	_ =	swait.ge [sflag:s17], $0x80  }
0x257: {  	[sflag:s17] =	ssyncset.done $0x0  }
0x258: {  	[sflag:s17] =	ssyncadd.s32 $0xFFFFFF80  }
0x259: {  	_ =	swait.ge [sflag:s17], $0x80  }
0x25a: {  	[sflag:s17] =	ssyncset.done $0x0  }
0x25b: {  	[sflag:s17] =	ssyncadd.s32 $0xFFFFFF80  }
0x25c: {  	_ =	swait.ge [sflag:s17], $0x80  }
0x25d: {  	[sflag:s17] =	ssyncset.done $0x0  }
0x25e: {  	[sflag:s17] =	ssyncadd.s32 $0xFFFFFF80  }
0x25f: {  	_ =	swait.ge [sflag:s17], $0x80  }
0x260: {  	[sflag:s17] =	ssyncset.done $0x0  }
0x261: {  	[sflag:s17] =	ssyncadd.s32 $0xFFFFFF80  }
0x262: {  	_ =	swait.ge [sflag:s17], $0x80  }
0x263: {  	[sflag:s17] =	ssyncset.done $0x0  }
0x264: {  	[sflag:s17] =	ssyncadd.s32 $0xFFFFFF80  }
0x265: {  	_ =	swait.ge [sflag:s17], $0x80  }
0x266: {  	[sflag:s17] =	ssyncset.done $0x0  }
0x267: {  	v9 =	vsub.f32 v9, v13;
	[sflag:s17] =	ssyncadd.s32 $0xFFFFFF80  }
0x268: {  	v7 =	vadd.f32 v15, v7;
	v8 =	vsub.f32 v8, v14;
	v10 =	vand.u32 $0x7FFFFFFF, v10;
	_ =	swait.ge [sflag:s17], $0x80  }
0x269: {  	v5 =	vadd.f32 v10, v5;
	v9 =	vand.u32 $0x7FFFFFFF, v9;
	v10 =	vsub.f32 v16, v11;
	[sflag:s17] =	ssyncset.done $0x0  }
0x26a: {  	v9 =	vadd.f32 v9, v6;
	v6 =	vand.u32 $0x7FFFFFFF, v8;
	v8 =	vsub.f32 v17, v20;
	[sflag:s17] =	ssyncadd.s32 $0xFFFFFF80  }
0x26b: {  	v11 =	vsub.f32 v18, v21;
	v12 =	vsub.f32 v19, v12;
	v10 =	vand.u32 $0x7FFFFFFF, v10;
	_ =	swait.ge [sflag:s17], $0x80  }
0x26c: {  	v13 =	vadd.f32 v6, v4;
	v4 =	vand.u32 $0x7FFFFFFF, v8;
	v6 =	vadd.f32 v10, v7;
	[sflag:s17] =	ssyncset.done $0x0  }
0x26d: {  	s31 =	simm.s32 $0x6330;
	v4 =	vadd.f32 v4, v5;
	v5 =	vand.u32 $0x7FFFFFFF, v11;
	v8 =	vand.u32 $0x7FFFFFFF, v12;
	[sflag:s17] =	ssyncadd.s32 $0xFFFFFF80  }
0x26e: {  	s2 =	simm.s32 $0x0;
	v7 =	vadd.f32 v5, v9;
	v5 =	vadd.f32 v8, v13;
	v13 =	vld [tilespmem:s31+$0x0]  }
0x26f: {  	v14 =	vld [tilespmem:s2+$0xC330]  }
0x270: {  	v10 =	vld [tilespmem:s2+$0xC300]  }
0x271: {  	v9 =	vld [tilespmem:s2+$0xC310]  }
0x272: {  	v8 =	vld [tilespmem:s2+$0xC320]  }
0x273: {  	v11 =	vld [tilespmem:s31+$0xFFFFFFE0]  }
0x274: {  	v12 =	vld [tilespmem:s31+$0xFFFFFFF0];
	v15 =	vsub.f32 v13, v14  }
0x275: {  	s0 =	simm.s32 $0x6370;
	v14 =	vld [tilespmem:s31+$0xFFFFFFD0]  }
0x276: {  	s9 =	simm.s32 $0x80;
	s2 =	simm.s32 $0x400;
	v13 =	vld [tilespmem:s0+$0x0];
	v15 =	vand.u32 $0x7FFFFFFF, v15  }
.LBB2_28:
0x277: {  	p0 =	seq.s32 s2, $0x3E00;
	v16 =	vld [tilespmem:s9+$0xC330];
	v6 =	vadd.f32 v15, v6  }
0x278: {  	v15 =	vld [tilespmem:s9+$0xC300];
	v11 =	vsub.f32 v11, v9  }
0x279: {  	v9 =	vld [tilespmem:s9+$0xC310];
	v12 =	vsub.f32 v12, v8  }
.Ltmp13:
0x27a: {  	v8 =	vld [tilespmem:s9+$0xC320];
	v17 =	vsub.f32 v14, v10;
	v14 =	vand.u32 $0x7FFFFFFF, v11;
	(pc) =	sbr.rel @!p0 .LBB2_28-.Ltmp13, $4  }
0x27b: {  	v11 =	vld [tilespmem:s0+$0xFFFFFFE0];
	v7 =	vadd.f32 v14, v7;
	v14 =	vand.u32 $0x7FFFFFFF, v12  }
0x27c: {  	v12 =	vld [tilespmem:s0+$0xFFFFFFF0];
	v16 =	vsub.f32 v13, v16;
	v13 =	vand.u32 $0x7FFFFFFF, v17;
	v5 =	vadd.f32 v14, v5  }
0x27d: {  	v14 =	vld [tilespmem:s0+$0xFFFFFFD0];
	s0 =	sadd.s32 $0x40, s0;
	v4 =	vadd.f32 v13, v4;
	v10 =	vmov v15  }
0x27e: {  	s9 =	sshra.s32 s2, $0x2;
	s2 =	sadd.s32 $0x200, s2;
	v13 =	vld [tilespmem:s0+$0x0];
	v15 =	vand.u32 $0x7FFFFFFF, v16  }
0x27f: {  	v16 =	vld [tilespmem:s9+$0xC330]  }
0x280: {  	v17 =	vld [tilespmem:s9+$0xC300]  }
0x281: {  	v18 =	vld [tilespmem:s9+$0xC310]  }
0x282: {  	v19 =	vld [tilespmem:s9+$0xC320]  }
0x283: {  	v20 =	vld [tilespmem:s0+$0xFFFFFFE0]  }
0x284: {  	v21 =	vld [tilespmem:s0+$0xFFFFFFF0]  }
0x285: {  	v9 =	vsub.f32 v11, v9;
	v11 =	vld [tilespmem:s0+$0xFFFFFFD0];
	_ =	swait.ge [sflag:s18], $0x80  }
0x286: {  	[sflag:s18] =	ssyncset.done $0x0  }
0x287: {  	[sflag:s18] =	ssyncadd.s32 $0xFFFFFF80  }
0x288: {  	_ =	swait.ge [sflag:s18], $0x80  }
0x289: {  	[sflag:s18] =	ssyncset.done $0x0  }
0x28a: {  	[sflag:s18] =	ssyncadd.s32 $0xFFFFFF80  }
0x28b: {  	_ =	swait.ge [sflag:s18], $0x80  }
0x28c: {  	[sflag:s18] =	ssyncset.done $0x0  }
0x28d: {  	[sflag:s18] =	ssyncadd.s32 $0xFFFFFF80  }
0x28e: {  	_ =	swait.ge [sflag:s18], $0x80  }
0x28f: {  	[sflag:s18] =	ssyncset.done $0x0  }
0x290: {  	[sflag:s18] =	ssyncadd.s32 $0xFFFFFF80  }
0x291: {  	_ =	swait.ge [sflag:s18], $0x80  }
0x292: {  	[sflag:s18] =	ssyncset.done $0x0  }
0x293: {  	[sflag:s18] =	ssyncadd.s32 $0xFFFFFF80  }
0x294: {  	_ =	swait.ge [sflag:s18], $0x80  }
0x295: {  	[sflag:s18] =	ssyncset.done $0x0  }
0x296: {  	[sflag:s18] =	ssyncadd.s32 $0xFFFFFF80  }
0x297: {  	_ =	swait.ge [sflag:s18], $0x80  }
0x298: {  	[sflag:s18] =	ssyncset.done $0x0  }
0x299: {  	[sflag:s18] =	ssyncadd.s32 $0xFFFFFF80  }
0x29a: {  	_ =	swait.ge [sflag:s18], $0x80  }
0x29b: {  	[sflag:s18] =	ssyncset.done $0x0  }
0x29c: {  	[sflag:s18] =	ssyncadd.s32 $0xFFFFFF80  }
0x29d: {  	_ =	swait.ge [sflag:s18], $0x80  }
0x29e: {  	[sflag:s18] =	ssyncset.done $0x0  }
0x29f: {  	[sflag:s18] =	ssyncadd.s32 $0xFFFFFF80  }
0x2a0: {  	_ =	swait.ge [sflag:s18], $0x80  }
0x2a1: {  	[sflag:s18] =	ssyncset.done $0x0  }
0x2a2: {  	[sflag:s18] =	ssyncadd.s32 $0xFFFFFF80  }
0x2a3: {  	_ =	swait.ge [sflag:s18], $0x80  }
0x2a4: {  	[sflag:s18] =	ssyncset.done $0x0  }
0x2a5: {  	[sflag:s18] =	ssyncadd.s32 $0xFFFFFF80  }
0x2a6: {  	_ =	swait.ge [sflag:s18], $0x80  }
0x2a7: {  	[sflag:s18] =	ssyncset.done $0x0  }
0x2a8: {  	[sflag:s18] =	ssyncadd.s32 $0xFFFFFF80  }
0x2a9: {  	_ =	swait.ge [sflag:s18], $0x80  }
0x2aa: {  	[sflag:s18] =	ssyncset.done $0x0  }
0x2ab: {  	[sflag:s18] =	ssyncadd.s32 $0xFFFFFF80  }
0x2ac: {  	_ =	swait.ge [sflag:s18], $0x80  }
0x2ad: {  	[sflag:s18] =	ssyncset.done $0x0  }
0x2ae: {  	[sflag:s18] =	ssyncadd.s32 $0xFFFFFF80  }
0x2af: {  	_ =	swait.ge [sflag:s18], $0x80  }
0x2b0: {  	[sflag:s18] =	ssyncset.done $0x0  }
0x2b1: {  	v8 =	vsub.f32 v12, v8;
	[sflag:s18] =	ssyncadd.s32 $0xFFFFFF80  }
0x2b2: {  	v6 =	vadd.f32 v15, v6;
	v10 =	vsub.f32 v14, v10;
	v9 =	vand.u32 $0x7FFFFFFF, v9;
	_ =	swait.ge [sflag:s18], $0x80  }
0x2b3: {  	v9 =	vadd.f32 v9, v7;
	v8 =	vand.u32 $0x7FFFFFFF, v8;
	v7 =	vsub.f32 v13, v16;
	[sflag:s18] =	ssyncset.done $0x0  }
0x2b4: {  	s31 =	simm.s32 $0x6B30;
	v10 =	vand.u32 $0x7FFFFFFF, v10;
	v5 =	vadd.f32 v8, v5;
	v8 =	vsub.f32 v20, v18;
	[sflag:s18] =	ssyncadd.s32 $0xFFFFFF80  }
0x2b5: {  	s2 =	simm.s32 $0x0;
	v12 =	vsub.f32 v21, v19;
	v11 =	vsub.f32 v11, v17;
	v7 =	vand.u32 $0x7FFFFFFF, v7;
	v13 =	vld [tilespmem:s31+$0x0]  }
0x2b6: {  	v4 =	vadd.f32 v10, v4;
	v7 =	vadd.f32 v7, v6;
	v6 =	vand.u32 $0x7FFFFFFF, v8;
	v14 =	vld [tilespmem:s2+$0xD330]  }
0x2b7: {  	v6 =	vadd.f32 v6, v9;
	v9 =	vand.u32 $0x7FFFFFFF, v11;
	v10 =	vld [tilespmem:s2+$0xD300]  }
0x2b8: {  	v8 =	vand.u32 $0x7FFFFFFF, v12;
	v4 =	vadd.f32 v9, v4;
	v9 =	vld [tilespmem:s2+$0xD310]  }
0x2b9: {  	v5 =	vadd.f32 v8, v5;
	v8 =	vld [tilespmem:s2+$0xD320]  }
0x2ba: {  	v11 =	vld [tilespmem:s31+$0xFFFFFFE0]  }
0x2bb: {  	v12 =	vld [tilespmem:s31+$0xFFFFFFF0];
	v15 =	vsub.f32 v13, v14  }
0x2bc: {  	s0 =	simm.s32 $0x6B70;
	v14 =	vld [tilespmem:s31+$0xFFFFFFD0]  }
0x2bd: {  	s9 =	simm.s32 $0x80;
	s2 =	simm.s32 $0x400;
	v13 =	vld [tilespmem:s0+$0x0];
	v15 =	vand.u32 $0x7FFFFFFF, v15  }
.LBB2_30:
0x2be: {  	p0 =	seq.s32 s2, $0x3E00;
	v16 =	vld [tilespmem:s9+$0xD330];
	v7 =	vadd.f32 v15, v7  }
0x2bf: {  	v15 =	vld [tilespmem:s9+$0xD300];
	v11 =	vsub.f32 v11, v9  }
0x2c0: {  	v9 =	vld [tilespmem:s9+$0xD310];
	v12 =	vsub.f32 v12, v8  }
.Ltmp14:
0x2c1: {  	v8 =	vld [tilespmem:s9+$0xD320];
	v17 =	vsub.f32 v14, v10;
	v14 =	vand.u32 $0x7FFFFFFF, v11;
	(pc) =	sbr.rel @!p0 .LBB2_30-.Ltmp14, $4  }
0x2c2: {  	v11 =	vld [tilespmem:s0+$0xFFFFFFE0];
	v6 =	vadd.f32 v14, v6;
	v14 =	vand.u32 $0x7FFFFFFF, v12  }
0x2c3: {  	v12 =	vld [tilespmem:s0+$0xFFFFFFF0];
	v16 =	vsub.f32 v13, v16;
	v13 =	vand.u32 $0x7FFFFFFF, v17;
	v5 =	vadd.f32 v14, v5  }
0x2c4: {  	v14 =	vld [tilespmem:s0+$0xFFFFFFD0];
	s0 =	sadd.s32 $0x40, s0;
	v4 =	vadd.f32 v13, v4;
	v10 =	vmov v15  }
0x2c5: {  	s9 =	sshra.s32 s2, $0x2;
	s2 =	sadd.s32 $0x200, s2;
	v13 =	vld [tilespmem:s0+$0x0];
	v15 =	vand.u32 $0x7FFFFFFF, v16  }
0x2c6: {  	v16 =	vld [tilespmem:s9+$0xD330]  }
0x2c7: {  	v17 =	vld [tilespmem:s9+$0xD300]  }
0x2c8: {  	v18 =	vld [tilespmem:s9+$0xD310]  }
0x2c9: {  	v19 =	vld [tilespmem:s9+$0xD320]  }
0x2ca: {  	v20 =	vld [tilespmem:s0+$0xFFFFFFE0]  }
0x2cb: {  	v21 =	vld [tilespmem:s0+$0xFFFFFFF0]  }
0x2cc: {  	v9 =	vsub.f32 v11, v9;
	v11 =	vld [tilespmem:s0+$0xFFFFFFD0];
	_ =	swait.ge [sflag:s19], $0x80  }
0x2cd: {  	[sflag:s19] =	ssyncset.done $0x0  }
0x2ce: {  	[sflag:s19] =	ssyncadd.s32 $0xFFFFFF80  }
0x2cf: {  	_ =	swait.ge [sflag:s19], $0x80  }
0x2d0: {  	[sflag:s19] =	ssyncset.done $0x0  }
0x2d1: {  	[sflag:s19] =	ssyncadd.s32 $0xFFFFFF80  }
0x2d2: {  	_ =	swait.ge [sflag:s19], $0x80  }
0x2d3: {  	[sflag:s19] =	ssyncset.done $0x0  }
0x2d4: {  	[sflag:s19] =	ssyncadd.s32 $0xFFFFFF80  }
0x2d5: {  	_ =	swait.ge [sflag:s19], $0x80  }
0x2d6: {  	[sflag:s19] =	ssyncset.done $0x0  }
0x2d7: {  	[sflag:s19] =	ssyncadd.s32 $0xFFFFFF80  }
0x2d8: {  	_ =	swait.ge [sflag:s19], $0x80  }
0x2d9: {  	[sflag:s19] =	ssyncset.done $0x0  }
0x2da: {  	[sflag:s19] =	ssyncadd.s32 $0xFFFFFF80  }
0x2db: {  	_ =	swait.ge [sflag:s19], $0x80  }
0x2dc: {  	[sflag:s19] =	ssyncset.done $0x0  }
0x2dd: {  	[sflag:s19] =	ssyncadd.s32 $0xFFFFFF80  }
0x2de: {  	_ =	swait.ge [sflag:s19], $0x80  }
0x2df: {  	[sflag:s19] =	ssyncset.done $0x0  }
0x2e0: {  	[sflag:s19] =	ssyncadd.s32 $0xFFFFFF80  }
0x2e1: {  	_ =	swait.ge [sflag:s19], $0x80  }
0x2e2: {  	[sflag:s19] =	ssyncset.done $0x0  }
0x2e3: {  	[sflag:s19] =	ssyncadd.s32 $0xFFFFFF80  }
0x2e4: {  	_ =	swait.ge [sflag:s19], $0x80  }
0x2e5: {  	[sflag:s19] =	ssyncset.done $0x0  }
0x2e6: {  	[sflag:s19] =	ssyncadd.s32 $0xFFFFFF80  }
0x2e7: {  	_ =	swait.ge [sflag:s19], $0x80  }
0x2e8: {  	[sflag:s19] =	ssyncset.done $0x0  }
0x2e9: {  	[sflag:s19] =	ssyncadd.s32 $0xFFFFFF80  }
0x2ea: {  	_ =	swait.ge [sflag:s19], $0x80  }
0x2eb: {  	[sflag:s19] =	ssyncset.done $0x0  }
0x2ec: {  	[sflag:s19] =	ssyncadd.s32 $0xFFFFFF80  }
0x2ed: {  	_ =	swait.ge [sflag:s19], $0x80  }
0x2ee: {  	[sflag:s19] =	ssyncset.done $0x0  }
0x2ef: {  	[sflag:s19] =	ssyncadd.s32 $0xFFFFFF80  }
0x2f0: {  	_ =	swait.ge [sflag:s19], $0x80  }
0x2f1: {  	[sflag:s19] =	ssyncset.done $0x0  }
0x2f2: {  	[sflag:s19] =	ssyncadd.s32 $0xFFFFFF80  }
0x2f3: {  	_ =	swait.ge [sflag:s19], $0x80  }
0x2f4: {  	[sflag:s19] =	ssyncset.done $0x0  }
0x2f5: {  	[sflag:s19] =	ssyncadd.s32 $0xFFFFFF80  }
0x2f6: {  	_ =	swait.ge [sflag:s19], $0x80  }
0x2f7: {  	[sflag:s19] =	ssyncset.done $0x0  }
0x2f8: {  	v8 =	vsub.f32 v12, v8;
	[sflag:s19] =	ssyncadd.s32 $0xFFFFFF80  }
0x2f9: {  	v7 =	vadd.f32 v15, v7;
	v9 =	vand.u32 $0x7FFFFFFF, v9;
	_ =	swait.ge [sflag:s19], $0x80  }
0x2fa: {  	v10 =	vsub.f32 v14, v10;
	v6 =	vadd.f32 v9, v6;
	v8 =	vand.u32 $0x7FFFFFFF, v8;
	[sflag:s19] =	ssyncset.done $0x0  }
0x2fb: {  	s31 =	simm.s32 $0x7330;
	v9 =	vsub.f32 v13, v16;
	v5 =	vadd.f32 v8, v5;
	[sflag:s19] =	ssyncadd.s32 $0xFFFFFF80  }
0x2fc: {  	s2 =	simm.s32 $0x0;
	v10 =	vand.u32 $0x7FFFFFFF, v10;
	v8 =	vsub.f32 v20, v18;
	v11 =	vsub.f32 v11, v17;
	v13 =	vld [tilespmem:s31+$0x0]  }
0x2fd: {  	v12 =	vsub.f32 v21, v19;
	v4 =	vadd.f32 v10, v4;
	v9 =	vand.u32 $0x7FFFFFFF, v9;
	v14 =	vld [tilespmem:s2+$0xE330]  }
0x2fe: {  	v8 =	vand.u32 $0x7FFFFFFF, v8;
	v7 =	vadd.f32 v9, v7;
	v9 =	vand.u32 $0x7FFFFFFF, v11;
	v10 =	vld [tilespmem:s2+$0xE300]  }
0x2ff: {  	v6 =	vadd.f32 v8, v6;
	v8 =	vand.u32 $0x7FFFFFFF, v12;
	v4 =	vadd.f32 v9, v4;
	v9 =	vld [tilespmem:s2+$0xE310]  }
0x300: {  	v5 =	vadd.f32 v8, v5;
	v8 =	vld [tilespmem:s2+$0xE320]  }
0x301: {  	v11 =	vld [tilespmem:s31+$0xFFFFFFE0]  }
0x302: {  	v12 =	vld [tilespmem:s31+$0xFFFFFFF0];
	v15 =	vsub.f32 v13, v14  }
0x303: {  	s0 =	simm.s32 $0x7370;
	v14 =	vld [tilespmem:s31+$0xFFFFFFD0]  }
0x304: {  	s9 =	simm.s32 $0x80;
	s2 =	simm.s32 $0x400;
	v13 =	vld [tilespmem:s0+$0x0];
	v15 =	vand.u32 $0x7FFFFFFF, v15  }
.LBB2_32:
0x305: {  	p0 =	seq.s32 s2, $0x3E00;
	v16 =	vld [tilespmem:s9+$0xE330];
	v7 =	vadd.f32 v15, v7  }
0x306: {  	v15 =	vld [tilespmem:s9+$0xE300];
	v11 =	vsub.f32 v11, v9  }
0x307: {  	v9 =	vld [tilespmem:s9+$0xE310];
	v12 =	vsub.f32 v12, v8  }
.Ltmp15:
0x308: {  	v8 =	vld [tilespmem:s9+$0xE320];
	v17 =	vsub.f32 v14, v10;
	v14 =	vand.u32 $0x7FFFFFFF, v11;
	(pc) =	sbr.rel @!p0 .LBB2_32-.Ltmp15, $4  }
0x309: {  	v11 =	vld [tilespmem:s0+$0xFFFFFFE0];
	v6 =	vadd.f32 v14, v6;
	v14 =	vand.u32 $0x7FFFFFFF, v12  }
0x30a: {  	v12 =	vld [tilespmem:s0+$0xFFFFFFF0];
	v16 =	vsub.f32 v13, v16;
	v13 =	vand.u32 $0x7FFFFFFF, v17;
	v5 =	vadd.f32 v14, v5  }
0x30b: {  	v14 =	vld [tilespmem:s0+$0xFFFFFFD0];
	s0 =	sadd.s32 $0x40, s0;
	v4 =	vadd.f32 v13, v4;
	v10 =	vmov v15  }
0x30c: {  	s9 =	sshra.s32 s2, $0x2;
	s2 =	sadd.s32 $0x200, s2;
	v13 =	vld [tilespmem:s0+$0x0];
	v15 =	vand.u32 $0x7FFFFFFF, v16  }
0x30d: {  	v16 =	vld [tilespmem:s9+$0xE330]  }
0x30e: {  	v17 =	vld [tilespmem:s9+$0xE300]  }
0x30f: {  	v18 =	vld [tilespmem:s9+$0xE310]  }
0x310: {  	v19 =	vld [tilespmem:s9+$0xE320]  }
0x311: {  	v20 =	vld [tilespmem:s0+$0xFFFFFFE0]  }
0x312: {  	v21 =	vld [tilespmem:s0+$0xFFFFFFF0]  }
0x313: {  	v9 =	vsub.f32 v11, v9;
	v11 =	vld [tilespmem:s0+$0xFFFFFFD0];
	_ =	swait.ge [sflag:s20], $0x80  }
0x314: {  	[sflag:s20] =	ssyncset.done $0x0  }
0x315: {  	[sflag:s20] =	ssyncadd.s32 $0xFFFFFF80  }
0x316: {  	_ =	swait.ge [sflag:s20], $0x80  }
0x317: {  	[sflag:s20] =	ssyncset.done $0x0  }
0x318: {  	[sflag:s20] =	ssyncadd.s32 $0xFFFFFF80  }
0x319: {  	_ =	swait.ge [sflag:s20], $0x80  }
0x31a: {  	[sflag:s20] =	ssyncset.done $0x0  }
0x31b: {  	[sflag:s20] =	ssyncadd.s32 $0xFFFFFF80  }
0x31c: {  	_ =	swait.ge [sflag:s20], $0x80  }
0x31d: {  	[sflag:s20] =	ssyncset.done $0x0  }
0x31e: {  	[sflag:s20] =	ssyncadd.s32 $0xFFFFFF80  }
0x31f: {  	_ =	swait.ge [sflag:s20], $0x80  }
0x320: {  	[sflag:s20] =	ssyncset.done $0x0  }
0x321: {  	[sflag:s20] =	ssyncadd.s32 $0xFFFFFF80  }
0x322: {  	_ =	swait.ge [sflag:s20], $0x80  }
0x323: {  	[sflag:s20] =	ssyncset.done $0x0  }
0x324: {  	[sflag:s20] =	ssyncadd.s32 $0xFFFFFF80  }
0x325: {  	_ =	swait.ge [sflag:s20], $0x80  }
0x326: {  	[sflag:s20] =	ssyncset.done $0x0  }
0x327: {  	[sflag:s20] =	ssyncadd.s32 $0xFFFFFF80  }
0x328: {  	_ =	swait.ge [sflag:s20], $0x80  }
0x329: {  	[sflag:s20] =	ssyncset.done $0x0  }
0x32a: {  	[sflag:s20] =	ssyncadd.s32 $0xFFFFFF80  }
0x32b: {  	_ =	swait.ge [sflag:s20], $0x80  }
0x32c: {  	[sflag:s20] =	ssyncset.done $0x0  }
0x32d: {  	[sflag:s20] =	ssyncadd.s32 $0xFFFFFF80  }
0x32e: {  	_ =	swait.ge [sflag:s20], $0x80  }
0x32f: {  	[sflag:s20] =	ssyncset.done $0x0  }
0x330: {  	[sflag:s20] =	ssyncadd.s32 $0xFFFFFF80  }
0x331: {  	_ =	swait.ge [sflag:s20], $0x80  }
0x332: {  	[sflag:s20] =	ssyncset.done $0x0  }
0x333: {  	[sflag:s20] =	ssyncadd.s32 $0xFFFFFF80  }
0x334: {  	_ =	swait.ge [sflag:s20], $0x80  }
0x335: {  	[sflag:s20] =	ssyncset.done $0x0  }
0x336: {  	[sflag:s20] =	ssyncadd.s32 $0xFFFFFF80  }
0x337: {  	_ =	swait.ge [sflag:s20], $0x80  }
0x338: {  	[sflag:s20] =	ssyncset.done $0x0  }
0x339: {  	[sflag:s20] =	ssyncadd.s32 $0xFFFFFF80  }
0x33a: {  	_ =	swait.ge [sflag:s20], $0x80  }
0x33b: {  	[sflag:s20] =	ssyncset.done $0x0  }
0x33c: {  	v8 =	vsub.f32 v12, v8;
	[sflag:s20] =	ssyncadd.s32 $0xFFFFFF80  }
0x33d: {  	v7 =	vadd.f32 v15, v7;
	v10 =	vsub.f32 v14, v10;
	v9 =	vand.u32 $0x7FFFFFFF, v9;
	_ =	swait.ge [sflag:s20], $0x80  }
0x33e: {  	v6 =	vadd.f32 v9, v6;
	v8 =	vand.u32 $0x7FFFFFFF, v8;
	v9 =	vsub.f32 v13, v16;
	[sflag:s20] =	ssyncset.done $0x0  }
0x33f: {  	v10 =	vand.u32 $0x7FFFFFFF, v10;
	v5 =	vadd.f32 v8, v5;
	v8 =	vsub.f32 v20, v18;
	[sflag:s20] =	ssyncadd.s32 $0xFFFFFF80  }
0x340: {  	v12 =	vsub.f32 v21, v19;
	v11 =	vsub.f32 v11, v17;
	v9 =	vand.u32 $0x7FFFFFFF, v9;
	_ =	swait.ge [sflag:s20], $0x80  }
0x341: {  	v10 =	vadd.f32 v10, v4;
	v4 =	vadd.f32 v9, v7;
	v7 =	vand.u32 $0x7FFFFFFF, v8;
	[sflag:s20] =	ssyncset.done $0x0  }
0x342: {  	s31 =	simm.s32 $0x7B30;
	v8 =	vand.u32 $0x7FFFFFFF, v11;
	v6 =	vadd.f32 v7, v6;
	v7 =	vand.u32 $0x7FFFFFFF, v12;
	[sflag:s20] =	ssyncadd.s32 $0xFFFFFF80  }
0x343: {  	s2 =	simm.s32 $0x0;
	v5 =	vadd.f32 v7, v5;
	v7 =	vadd.f32 v8, v10;
	v10 =	vld [tilespmem:s31+$0x0]  }
0x344: {  	v14 =	vld [tilespmem:s2+$0xF330]  }
0x345: {  	v13 =	vld [tilespmem:s2+$0xF300]  }
0x346: {  	v9 =	vld [tilespmem:s2+$0xF310]  }
0x347: {  	v8 =	vld [tilespmem:s2+$0xF320]  }
0x348: {  	v12 =	vld [tilespmem:s31+$0xFFFFFFE0]  }
0x349: {  	v11 =	vld [tilespmem:s31+$0xFFFFFFF0];
	v15 =	vsub.f32 v10, v14  }
0x34a: {  	s0 =	simm.s32 $0x7B70;
	v14 =	vld [tilespmem:s31+$0xFFFFFFD0]  }
0x34b: {  	s9 =	simm.s32 $0x80;
	s2 =	simm.s32 $0x400;
	v10 =	vld [tilespmem:s0+$0x0];
	v15 =	vand.u32 $0x7FFFFFFF, v15  }
.LBB2_34:
0x34c: {  	p0 =	sne.s32 s2, $0x3E00;
	v16 =	vld [tilespmem:s9+$0xF330];
	v4 =	vadd.f32 v15, v4  }
0x34d: {  	v15 =	vld [tilespmem:s9+$0xF300];
	v12 =	vsub.f32 v12, v9  }
0x34e: {  	v9 =	vld [tilespmem:s9+$0xF310];
	v11 =	vsub.f32 v11, v8  }
.Ltmp16:
0x34f: {  	v8 =	vld [tilespmem:s9+$0xF320];
	v17 =	vsub.f32 v14, v13;
	v14 =	vand.u32 $0x7FFFFFFF, v12;
	(pc) =	sbr.rel @p0 .LBB2_34-.Ltmp16, $4  }
0x350: {  	v12 =	vld [tilespmem:s0+$0xFFFFFFE0];
	v6 =	vadd.f32 v14, v6;
	v14 =	vand.u32 $0x7FFFFFFF, v11  }
0x351: {  	v11 =	vld [tilespmem:s0+$0xFFFFFFF0];
	v16 =	vsub.f32 v10, v16;
	v10 =	vand.u32 $0x7FFFFFFF, v17;
	v5 =	vadd.f32 v14, v5  }
0x352: {  	v14 =	vld [tilespmem:s0+$0xFFFFFFD0];
	s0 =	sadd.s32 $0x40, s0;
	v7 =	vadd.f32 v10, v7;
	v13 =	vmov v15  }
0x353: {  	s9 =	sshra.s32 s2, $0x2;
	s2 =	sadd.s32 $0x200, s2;
	v10 =	vld [tilespmem:s0+$0x0];
	v15 =	vand.u32 $0x7FFFFFFF, v16  }
0x354: {  	v16 =	vld [tilespmem:s9+$0xF330]  }
0x355: {  	v17 =	vld [tilespmem:s9+$0xF300]  }
0x356: {  	v18 =	vld [tilespmem:s9+$0xF310]  }
0x357: {  	v19 =	vld [tilespmem:s9+$0xF320]  }
0x358: {  	v20 =	vld [tilespmem:s0+$0xFFFFFFD0]  }
0x359: {  	v21 =	vld [tilespmem:s0+$0xFFFFFFE0]  }
0x35a: {  	v57 =	vld [tilespmem:s0+$0xFFFFFFF0];
	v9 =	vsub.f32 v12, v9  }
0x35b: {  	v13 =	vsub.f32 v14, v13  }
0x35c: {  	v8 =	vsub.f32 v11, v8;
	v9 =	vand.u32 $0x7FFFFFFF, v9  }
0x35d: {  	v6 =	vadd.f32 v9, v6;
	v58 =	vsub.f32 v20, v17;
	v59 =	vand.u32 $0x7FFFFFFF, v13  }
0x35e: {  	v8 =	vand.u32 $0x7FFFFFFF, v8;
	v60 =	vsub.f32 v21, v18;
	v7 =	vadd.f32 v59, v7  }
0x35f: {  	v10 =	vsub.f32 v10, v16;
	v12 =	vsub.f32 v57, v19;
	v9 =	vand.u32 $0x7FFFFFFF, v58  }
0x360: {  	v5 =	vadd.f32 v8, v5;
	v61 =	vand.u32 $0x7FFFFFFF, v60;
	v7 =	vadd.f32 v9, v7  }
0x361: {  	v4 =	vadd.f32 v15, v4;
	v62 =	vand.u32 $0x7FFFFFFF, v12;
	v6 =	vadd.f32 v61, v6  }
0x362: {  	v63 =	vand.u32 $0x7FFFFFFF, v10;
	v5 =	vadd.f32 v62, v5;
	v7 =	vmul.f32 $1.220703130e-04, v7  }
0x363: {  	v4 =	vadd.f32 v63, v4;
	v6 =	vmul.f32 $1.220703130e-04, v6  }
0x364: {  	v5 =	vmul.f32 $1.220703130e-04, v5;
	[tilespmem:$0x10300] =	vst v7  }
0x365: {  	s23 =	sadd.s32 $0x1, s23;
	v4 =	vmul.f32 $1.220703130e-04, v4;
	[tilespmem:$0x10310] =	vst v6  }
0x366: {  	p0 =	sne.s32 s23, s8;
	[tilespmem:$0x10320] =	vst v5  }
.Ltmp17:
0x367: {  	s31 =	simm.s32 $0x10300;
	[tilespmem:$0x10330] =	vst v4;
	(pc) =	sbr.rel @p0 .LBB2_1-.Ltmp17, $4  }
0x368: {  	[hbm4b:s7+s3] =	stream.linear.scatter [tilespmem:s31], [sflag:$0xA], $0x80, $0x38;
	[tilespmem:$0x10380] =	vst v63  }
0x369: {  	_ =	swait.ge [sflag:s22], $0x80  }
0x36a: {  	[sflag:s22] =	ssyncset.done $0x0  }
0x36b: {  	[sflag:s22] =	ssyncadd.s32 $0xFFFFFF80  }
0x36c: {  	_ =	sfence.sel $0x180000  }
0x36d: {  	[bflag:$0x0] =	sbarrier.arrive $0xFFFF  }
0x36e: {  	_ =	strace $0x90000047  }
0x36f: {  	s0 =	stileid.u32;
	[bflag:$0x2] =	sbarrier.arrive $0xFFFF  }
0x370: {  	p0 =	sne.s32 s0, $0x0;
	s0 =	rddreg [dreg:$0x4]  }
0x371: {  	s0 =	sadd.s32 @!p0 $0x100000, s0  }
0x372: {  	[sflag:s0] =	ssyncadd.tile.s32 @!p0 $0x1;
	_ =	shalt  }
.Lfunc_end2:
_tile_overlayer_lowered:
.L_overlay_start_2:
0x373: {  	(tag) =	ssettag $0x2  }
0x374: {  	s0 =	rddreg [dreg:$0x0];
	s2 =	stileid.u32  }
0x375: {  	s1 =	rddreg [dreg:$0x1];
	p0 =	sne.s32 s2, $0x0  }
0x376: {  	s3 =	rddreg [dreg:$0x2];
	[bflag:$0x3] =	sbarrier.arrive $0xFFFF;
	s2 =	simm.s32 @!p0 $0x1C0A  }
0x377: {  	[timem:s3], [sflag:s2] =	dma.local @!p0 [hbm:s0], s1  }
0x378: {  	s0 =	simm.s32 @!p0 $0xA  }
0x379: {  	_ =	swait.ge @!p0 [sflag:s0], s1  }
0x37a: {  	s1 =	ssub.s32 @!p0 $0x0, s1;
	[sflag:s0] =	ssyncset.done @!p0 $0x0  }
0x37b: {  	[sflag:s0] =	ssyncadd.s32 @!p0 s1  }
0x37c: {  	[bflag:$0x3] =	sbarrier.arrive $0xFFFF  }
0x37d: {  	_ =	shalt  }

</sc_bundles>
